<compile_context>
chip_gen: v7x
topology: tpu7x:2x2x1
jax: 0.10.2.dev20260603
libtpu: 0.0.44.dev20260713+nightly
codegen_flags: <defaults>
</compile_context>

<pallas_src>
import functools
import math

import jax
import jax.numpy as jnp
from jax import lax
from jax.experimental import pallas as pl
from jax.experimental.pallas import tpu as pltpu
from jax.experimental.pallas import tpu_sc as plsc

N_NODES = 10000
MUL0 = 16
MUL1 = 4
D_IN = MUL0 + 3 * MUL1
W_N = 400

_INV_SQRT3 = 1.0 / math.sqrt(3.0)
_INV_SQRT20 = 1.0 / math.sqrt(float(MUL0 + MUL1))

_NW = 32
_CHUNK = 256



def _edge_body(n_edges, blk, boff, ea_ref, sh_ref, xg_ref, w1t_ref, b1_ref,
               w2t_ref, o_ref):
    R = blk // 4
    eat = ea_ref[...]
    ht = jnp.maximum(
        jnp.dot(w1t_ref[...], eat, preferred_element_type=jnp.float32)
        + b1_ref[...], 0.0)
    ones = jnp.ones((1, blk), jnp.float32)
    hta = jnp.concatenate([ht, ones], axis=0).astype(jnp.bfloat16)

    xp = xg_ref[...].T
    xgt = jnp.concatenate([xp[32 * k:32 * k + 32] for k in range(4)], axis=1)
    sht = sh_ref[...][0:4]
    ss = sht[0:1]
    xs = xgt[0:16]
    a_s = xs * ss
    dots = jnp.concatenate(
        [xgt[16 + 3 * i:17 + 3 * i] * sht[1:2]
         + xgt[17 + 3 * i:18 + 3 * i] * sht[2:3]
         + xgt[18 + 3 * i:19 + 3 * i] * sht[3:4] for i in range(4)],
        axis=0) * _INV_SQRT3

    base = (pl.program_id(0) + boff) * blk
    eid = base + lax.broadcasted_iota(jnp.int32, (1, blk), 1)
    mask = jnp.where(eid < n_edges, 1.0, 0.0).astype(jnp.float32)

    wt = jnp.dot(w2t_ref[...], hta,
                 preferred_element_type=jnp.float32)
    out0 = a_s[0:1] * wt[0:16]
    for i in range(1, 16):
        out0 = out0 + a_s[i:i + 1] * wt[16 * i:16 * i + 16]
    for i in range(4):
        out0 = out0 + dots[i:i + 1] * wt[256 + 16 * i:256 + 16 * i + 16]
    out0 = out0 * _INV_SQRT20

    t3 = xs[0:1] * wt[320:324]
    for i in range(1, 16):
        t3 = t3 + xs[i:i + 1] * wt[320 + 8 * i:320 + 8 * i + 4]
    t4 = []
    for m in range(3):
        acc = xgt[16 + m:17 + m] * wt[448:452]
        for i in range(1, 4):
            acc = acc + xgt[16 + 3 * i + m:17 + 3 * i + m] \
                * wt[448 + 8 * i:448 + 8 * i + 4]
        t4.append(acc)

    rows = [out0]
    for j in range(4):
        for m in range(3):
            rows.append((t3[j:j + 1] * sht[1 + m:2 + m]
                         + t4[m][j:j + 1] * ss) * _INV_SQRT20)
    rows.append(mask)
    rows.append(jnp.zeros((3, blk), jnp.float32))
    ot = jnp.concatenate(rows, axis=0) * mask
    op = jnp.concatenate([ot[:, k * R:(k + 1) * R] for k in range(4)], axis=0)
    o_ref[...] = op.T


def _edge_call(eat, sht8, xg_p, W1T, b1c, W2Ta, n_edges, blk, n_slots, boff,
               interpret=False):
    grid = n_slots // blk
    n_valid = n_edges // blk
    clamp = lambda i: (0, jnp.minimum(i + boff, n_valid - 1))
    return pl.pallas_call(
        functools.partial(_edge_body, n_edges, blk, boff),
        grid=(grid,),
        in_specs=[
            pl.BlockSpec((32, blk), clamp),
            pl.BlockSpec((8, blk), clamp),
            pl.BlockSpec((blk // 4, 128), lambda i: (i, 0)),
            pl.BlockSpec((32, 32), lambda i: (0, 0)),
            pl.BlockSpec((32, 1), lambda i: (0, 0)),
            pl.BlockSpec((480, 33), lambda i: (0, 0)),
        ],
        out_specs=pl.BlockSpec((blk // 4, 128), lambda i: (i, 0)),
        out_shape=jax.ShapeDtypeStruct((n_slots // 4, 128), jnp.float32),
        interpret=interpret,
    )(eat, sht8, xg_p, W1T, b1c, W2Ta)



def _final_body(acc_ref, na_ref, bnw_ref, bnb_ref, sel_ref, selt_ref, o_ref):
    acc = acc_ref[0] + acc_ref[1]
    cnt = jnp.maximum(acc[:, 28:29], 1.0)
    msg = acc[:, :28] / cnt
    out = msg + na_ref[...]
    s = out[:, :16]
    n = out.shape[0]
    mean = jnp.mean(s, axis=0, keepdims=True)
    var = jnp.mean(s * s, axis=0, keepdims=True) - mean * mean
    sn = (s - mean) * jax.lax.rsqrt(var + 1e-5) * bnw_ref[...][:, :16] \
        + bnb_ref[...]
    v = out[:, 16:28]
    fn = jnp.dot(jnp.sum(v * v, axis=0, keepdims=True), sel_ref[...],
                 preferred_element_type=jnp.float32) / (3.0 * n)
    scale4 = bnw_ref[...][:, 16:20] * jax.lax.rsqrt(fn + 1e-5)
    scale12 = jnp.dot(scale4, selt_ref[...],
                      preferred_element_type=jnp.float32)
    o_ref[...] = jnp.concatenate([sn, v * scale12], axis=1)


def _final_call(acc2, node_attr, bnw, bnb, interpret=False):
    sel = jnp.repeat(jnp.eye(4, dtype=jnp.float32), 3, axis=0)
    return pl.pallas_call(
        _final_body,
        out_shape=jax.ShapeDtypeStruct((N_NODES, 28), jnp.float32),
        interpret=interpret,
    )(acc2, node_attr, bnw, bnb, sel, sel.T)



_NBUF = 4


def _gather_call(nap_pad, dst3, n_slots, interpret=False):
    n_chunks = n_slots // (_NW * _CHUNK)
    n_grp = n_chunks // _NBUF
    mesh = plsc.VectorSubcoreMesh(core_axis_name="c", subcore_axis_name="s")

    @functools.partial(
        pl.kernel, mesh=mesh,
        out_type=jax.ShapeDtypeStruct((n_slots, 32), jnp.float32),
        scratch_types=[
            pltpu.VMEM((n_chunks, _CHUNK), jnp.int32),
            pltpu.VMEM((_NBUF, _CHUNK, 32), jnp.float32),
            pltpu.SemaphoreType.DMA((_NBUF,)),
            pltpu.SemaphoreType.DMA((_NBUF,)),
        ],
        compiler_params=pltpu.CompilerParams(use_tc_tiling_on_sc=False),
        interpret=interpret,
    )
    def k(nap_hbm, dst_hbm, out_hbm, idx_v, rows_v, gsem, osem):
        c = lax.axis_index("c")
        s = lax.axis_index("s")
        w = c * 16 + s
        pltpu.sync_copy(dst_hbm.at[w], idx_v)
        base = w * (n_chunks * _CHUNK)

        def fire(j, b):
            pltpu.async_copy(nap_hbm.at[idx_v.at[j]], rows_v.at[b],
                             gsem.at[b])

        for b in range(_NBUF):
            fire(b, b)

        def body(g, _):
            for b in range(_NBUF):
                j = g * _NBUF + b
                pltpu.make_async_copy(nap_hbm.at[idx_v.at[j]], rows_v.at[b],
                                      gsem.at[b]).wait()
                dst = out_hbm.at[pl.ds(base + j * _CHUNK, _CHUNK)]
                pltpu.async_copy(rows_v.at[b], dst, osem.at[b])

                @pl.when(j + _NBUF < n_chunks)
                def _():
                    pltpu.make_async_copy(rows_v.at[b], dst, osem.at[b]).wait()
                    fire(j + _NBUF, b)
            return 0

        lax.fori_loop(0, n_grp, body, 0)
        for b in range(_NBUF):
            j = (n_grp - 1) * _NBUF + b
            dst = out_hbm.at[pl.ds(base + j * _CHUNK, _CHUNK)]
            pltpu.make_async_copy(rows_v.at[b], dst, osem.at[b]).wait()

    return k(nap_pad, dst3)


def _scatter_call(tp, src3, zeros_n, n_slots, interpret=False):
    n_chunks = n_slots // (_NW * _CHUNK)
    rows_per_tile = N_NODES // 16
    mesh = plsc.VectorSubcoreMesh(core_axis_name="c", subcore_axis_name="s")

    @functools.partial(
        pl.kernel, mesh=mesh,
        out_type=jax.ShapeDtypeStruct((2, N_NODES, 32), jnp.float32),
        scratch_types=[
            pltpu.VMEM((n_chunks, _CHUNK), jnp.int32),
            pltpu.VMEM((_NBUF, _CHUNK, 32), jnp.float32),
            pltpu.VMEM_SHARED((N_NODES, 32), jnp.float32),
            pltpu.SemaphoreType.DMA((_NBUF,)),
            pltpu.SemaphoreType.DMA((_NBUF,)),
        ],
        compiler_params=pltpu.CompilerParams(use_tc_tiling_on_sc=False),
        interpret=interpret,
    )
    def k(tp_hbm, src_hbm, zeros_hbm, out_hbm, idx_v, rows_v, acc, gsem, ssem):
        c = lax.axis_index("c")
        s = lax.axis_index("s")
        w = c * 16 + s
        pltpu.sync_copy(zeros_hbm.at[pl.ds(s * rows_per_tile, rows_per_tile)],
                        acc.at[pl.ds(s * rows_per_tile, rows_per_tile)])
        plsc.subcore_barrier()
        pltpu.sync_copy(src_hbm.at[w], idx_v)
        base = w * (n_chunks * _CHUNK)
        n_grp = n_chunks // _NBUF

        def fire(j, b):
            pltpu.async_copy(tp_hbm.at[pl.ds(base + j * _CHUNK, _CHUNK)],
                             rows_v.at[b], gsem.at[b])

        for b in range(_NBUF):
            fire(b, b)

        def body(g, _):
            for b in range(_NBUF):
                j = g * _NBUF + b
                pltpu.make_async_copy(
                    tp_hbm.at[pl.ds(base + j * _CHUNK, _CHUNK)],
                    rows_v.at[b], gsem.at[b]).wait()
                dst = acc.at[idx_v.at[j]]
                pltpu.async_copy(rows_v.at[b], dst, ssem.at[b], add=True)

                @pl.when(j + _NBUF < n_chunks)
                def _():
                    pltpu.make_async_copy(rows_v.at[b], dst,
                                          ssem.at[b]).wait()
                    fire(j + _NBUF, b)
            return 0

        lax.fori_loop(0, n_grp, body, 0)
        for b in range(_NBUF):
            j = (n_grp - 1) * _NBUF + b
            pltpu.make_async_copy(rows_v.at[b], acc.at[idx_v.at[j]],
                                  ssem.at[b]).wait()
        plsc.subcore_barrier()
        pltpu.sync_copy(acc.at[pl.ds(s * rows_per_tile, rows_per_tile)],
                        out_hbm.at[c, pl.ds(s * rows_per_tile, rows_per_tile)])

    return k(tp, src3, zeros_n)



def kernel(node_attr, edge_index, edge_attr, edge_sh, W1, b1, W2, b2,
           bn_weight, bn_bias):
    n_edges = edge_attr.shape[0]
    e_pad = _NW * _CHUNK * ((n_edges + _NW * _CHUNK - 1) // (_NW * _CHUNK))
    blk = 1280
    nblk = e_pad // blk
    r_blk = blk // 4

    na_pad = jnp.pad(node_attr, ((0, 0), (0, 4)))
    pad_e = e_pad - n_edges

    def pack_idx(idx):
        ip = jnp.pad(idx, (0, pad_e)).reshape(nblk, 4, r_blk)
        return ip.swapaxes(1, 2).reshape(_NW, -1, _CHUNK)

    dst3 = pack_idx(edge_index[1])
    src3 = pack_idx(edge_index[0])

    W2f = jnp.concatenate([W2.T, b2.reshape(400, 1)], axis=1)
    p3 = jnp.pad(W2f[320:384].reshape(16, 4, 33),
                 ((0, 0), (0, 4), (0, 0))).reshape(128, 33)
    p4 = jnp.pad(W2f[384:400].reshape(4, 4, 33),
                 ((0, 0), (0, 4), (0, 0))).reshape(32, 33)
    W2Ta = jnp.concatenate([W2f[:320], p3, p4],
                           axis=0).astype(jnp.bfloat16)
    eat = edge_attr.T
    sht8 = jnp.pad(edge_sh, ((0, 0), (0, 4))).T
    zeros_n = jnp.zeros((N_NODES, 32), jnp.float32)

    xg = _gather_call(na_pad, dst3, e_pad)
    xg_p = jnp.reshape(xg, (e_pad // 4, 128))
    tp_p = _edge_call(eat, sht8, xg_p, W1.T, b1.reshape(32, 1), W2Ta,
                      n_edges, blk, e_pad, 0)
    tp = jnp.reshape(tp_p, (e_pad, 32))
    acc2 = _scatter_call(tp, src3, zeros_n, e_pad)
    return _final_call(acc2, node_attr, bn_weight.reshape(1, 20),
                       bn_bias.reshape(1, 16))

# --- scband reference (transcript-rebuilt; emitter-appended) ---
"""Pipeline reference for scband-tensor-product-conv-layer-14491219657358 (READ-ONLY COPY).

The authoritative reference and input builder live on the scoring server;
editing this copy changes nothing except your own understanding.
"""

import jax, jax.numpy as jnp
import numpy as np

N_NODES = 10000
N_EDGES = 160000
MUL0 = 16
MUL1 = 4
D_IN = MUL0 + 3 * MUL1  # 28
N_EDGE_FEAT = 32
HID = 32
# FullyConnectedTensorProduct paths for (16x0e+4x1o) x (1x0e+1x1o) -> (16x0e+4x1o):
#  p1: 0e x 0e -> 0e  weights [16,16]
#  p2: 1o x 1o -> 0e  weights [4,16]
#  p3: 0e x 1o -> 1o  weights [16,4]
#  p4: 1o x 0e -> 1o  weights [4,4]
W_N = MUL0*MUL0 + MUL1*MUL0 + MUL0*MUL1 + MUL1*MUL1  # 400


def setup_inputs(seed: int = 0):
    key = jax.random.key(seed)
    ks = jax.random.split(key, 10)
    node_attr = jax.random.normal(ks[0], (N_NODES, D_IN), jnp.float32)
    edge_index = jax.random.randint(ks[1], (2, N_EDGES), 0, N_NODES, dtype=jnp.int32)
    edge_attr = jax.random.normal(ks[2], (N_EDGES, N_EDGE_FEAT), jnp.float32)
    edge_sh = jax.random.normal(ks[3], (N_EDGES, 4), jnp.float32)
    W1 = jax.random.normal(ks[4], (N_EDGE_FEAT, HID), jnp.float32) / np.sqrt(N_EDGE_FEAT)
    b1 = jnp.zeros((HID,), jnp.float32)
    W2 = jax.random.normal(ks[5], (HID, W_N), jnp.float32) / np.sqrt(HID)
    b2 = jnp.zeros((W_N,), jnp.float32)
    bn_weight = jnp.ones((MUL0 + MUL1,), jnp.float32)
    bn_bias = jnp.zeros((MUL0,), jnp.float32)
    return {"node_attr": node_attr, "edge_index": edge_index, "edge_attr": edge_attr,
            "edge_sh": edge_sh, "W1": W1, "b1": b1, "W2": W2, "b2": b2,
            "bn_weight": bn_weight, "bn_bias": bn_bias}


def _tensor_product(x, sh, w):
    # x: [E, 28], sh: [E, 4], w: [E, 400]
    E = x.shape[0]
    xs = x[:, :MUL0]                       # [E,16] scalars
    xv = x[:, MUL0:].reshape(E, MUL1, 3)   # [E,4,3] vectors (l=1, odd)
    ss = sh[:, 0:1]                        # [E,1]  sh scalar
    sv = sh[:, 1:4]                        # [E,3]  sh vector
    o = 0
    w1 = w[:, o:o + MUL0*MUL0].reshape(E, MUL0, MUL0); o += MUL0*MUL0
    w2 = w[:, o:o + MUL1*MUL0].reshape(E, MUL1, MUL0); o += MUL1*MUL0
    w3 = w[:, o:o + MUL0*MUL1].reshape(E, MUL0, MUL1); o += MUL0*MUL1
    w4 = w[:, o:o + MUL1*MUL1].reshape(E, MUL1, MUL1); o += MUL1*MUL1
    # scalar output: 0e x 0e -> 0e  and  1o . 1o -> 0e (CG 1/sqrt(3))
    p1 = jnp.einsum('ei,eij->ej', xs * ss, w1)
    dots = jnp.einsum('eim,em->ei', xv, sv) / np.sqrt(3.0)
    p2 = jnp.einsum('ei,eij->ej', dots, w2)
    out0 = (p1 + p2) / np.sqrt(MUL0 + MUL1)
    # vector output: 0e x 1o -> 1o  and  1o x 0e -> 1o
    p3 = jnp.einsum('ei,eij,em->ejm', xs, w3, sv)
    p4 = jnp.einsum('eim,eij->ejm', xv * ss[:, :, None], w4)
    out1 = (p3 + p4) / np.sqrt(MUL0 + MUL1)
    return jnp.concatenate([out0, out1.reshape(E, 3 * MUL1)], axis=-1)


def reference(node_attr, edge_index, edge_attr, edge_sh, W1, b1, W2, b2, bn_weight, bn_bias):
    edge_src = edge_index[0]
    edge_dst = edge_index[1]
    # fc: edge_attr -> per-edge tensor-product weights (dropout p=0 is identity)
    w = jax.nn.relu(edge_attr @ W1 + b1) @ W2 + b2
    x_gather = jnp.take(node_attr, edge_dst, axis=0)
    tp = _tensor_product(x_gather, edge_sh, w)
    # scatter mean onto src nodes
    seg_sum = jax.ops.segment_sum(tp, edge_src, num_segments=N_NODES)
    cnt = jax.ops.segment_sum(jnp.ones((tp.shape[0], 1), tp.dtype), edge_src, num_segments=N_NODES)
    out = seg_sum / jnp.maximum(cnt, 1.0)
    # residual (in/out dims equal -> zero padding)
    out = out + node_attr
    # e3nn-style BatchNorm: standard BN on scalars, norm-based on vectors
    s = out[:, :MUL0]
    mean = jnp.mean(s, axis=0)
    var = jnp.var(s, axis=0)
    s = (s - mean) / jnp.sqrt(var + 1e-5) * bn_weight[:MUL0] + bn_bias
    v = out[:, MUL0:].reshape(-1, MUL1, 3)
    field_norm = jnp.mean(jnp.mean(v ** 2, axis=-1), axis=0)  # [MUL1]
    v = v / jnp.sqrt(field_norm + 1e-5)[None, :, None] * bn_weight[MUL0:][None, :, None]
    return jnp.concatenate([s, v.reshape(-1, 3 * MUL1)], axis=-1)

if __name__ == "__main__":
    import jax
    _d = setup_inputs()
    print(jax.jit(kernel)(*tuple(_d.values())))

</pallas_src>

<mosaic_0001>
#map = affine_map<(d0, d1) -> (0, 0)>
#map1 = affine_map<(d0, d1) -> (0, 0, 0)>
module attributes {stable_mosaic.version = 14 : i64} {
  func.func @k(%arg0: i32, %arg1: i32, %arg2: memref<10000x32xf32, #tpu.memory_space<hbm>>, %arg3: memref<32x20x256xi32, #tpu.memory_space<hbm>>, %arg4: memref<163840x32xf32, #tpu.memory_space<hbm>>, %arg5: memref<20x256xi32, #tpu.memory_space<vmem>>, %arg6: memref<4x256x32xf32, #tpu.memory_space<vmem>>, %arg7: memref<4x!tpu.dma_semaphore, #tpu.memory_space<semaphore_mem>>, %arg8: memref<4x!tpu.dma_semaphore, #tpu.memory_space<semaphore_mem>>) attributes {dimension_semantics = [#tpu.dimension_semantics<core_parallel>, #tpu.dimension_semantics<subcore_parallel>], iteration_bounds = array<i64: 2, 16>, scalar_prefetch = 0 : i64, scratch_operands = 4 : i64, tpu.core_type = #tpu.core_type<sc_vector_subcore>, window_params = [{transform_indices = #map}, {transform_indices = #map1}, {transform_indices = #map}]} {
    %mul3A = arith.constant 16 : i32
    %mul3A_0 = arith.muli %arg0, %mul3A : i32
    %add3A = arith.addi %mul3A_0, %arg1 : i32
    "tpu.region"() ({
      %run_scoped3A = tpu.sem_alloc : memref<!tpu.dma_semaphore, #tpu.memory_space<semaphore_mem>>
      %dma_start3A_139 = arith.constant 0 : i32
      %dma_start3A_140 = arith.constant 0 : i32
      %dma_start3A_141 = tpu.memref_slice %arg3[%add3A, %dma_start3A_139, %dma_start3A_140] : memref<32x20x256xi32, #tpu.memory_space<hbm>> -> memref<1x20x256xi32, #tpu.memory_space<hbm>>
      %dma_start3A_142 = tpu.memref_squeeze %dma_start3A_141 : memref<1x20x256xi32, #tpu.memory_space<hbm>> -> memref<20x256xi32, #tpu.memory_space<hbm>>
      %dma_start3A_143 = arith.constant 0 : i32
      %dma_start3A_144 = arith.constant 0 : i32
      %dma_start3A_145 = tpu.memref_slice %arg3[%add3A, %dma_start3A_143, %dma_start3A_144] : memref<32x20x256xi32, #tpu.memory_space<hbm>> -> memref<1x20x256xi32, #tpu.memory_space<hbm>>
      %dma_start3A_146 = tpu.memref_squeeze %dma_start3A_145 : memref<1x20x256xi32, #tpu.memory_space<hbm>> -> memref<20x256xi32, #tpu.memory_space<hbm>>
      tpu.enqueue_dma source(%dma_start3A_146 : memref<20x256xi32, #tpu.memory_space<hbm>>) target(%arg5 : memref<20x256xi32, #tpu.memory_space<vmem>>) target_semaphore(%run_scoped3A : memref<!tpu.dma_semaphore, #tpu.memory_space<semaphore_mem>>)
      %dma_wait3A_147 = arith.constant 0 : i32
      %dma_wait3A_148 = arith.constant 0 : i32
      %dma_wait3A_149 = tpu.memref_slice %arg3[%add3A, %dma_wait3A_147, %dma_wait3A_148] : memref<32x20x256xi32, #tpu.memory_space<hbm>> -> memref<1x20x256xi32, #tpu.memory_space<hbm>>
      %dma_wait3A_150 = tpu.memref_squeeze %dma_wait3A_149 : memref<1x20x256xi32, #tpu.memory_space<hbm>> -> memref<20x256xi32, #tpu.memory_space<hbm>>
      %dma_wait3A_151 = arith.constant 0 : i32
      %dma_wait3A_152 = arith.constant 0 : i32
      %dma_wait3A_153 = tpu.memref_slice %arg3[%add3A, %dma_wait3A_151, %dma_wait3A_152] : memref<32x20x256xi32, #tpu.memory_space<hbm>> -> memref<1x20x256xi32, #tpu.memory_space<hbm>>
      %dma_wait3A_154 = tpu.memref_squeeze %dma_wait3A_153 : memref<1x20x256xi32, #tpu.memory_space<hbm>> -> memref<20x256xi32, #tpu.memory_space<hbm>>
      tpu.wait_dma2 semaphore(%run_scoped3A : memref<!tpu.dma_semaphore, #tpu.memory_space<semaphore_mem>>) src(%dma_wait3A_154 : memref<20x256xi32, #tpu.memory_space<hbm>>) dst(%arg5 : memref<20x256xi32, #tpu.memory_space<vmem>>)
      tpu.yield
    }) : () -> ()
    %mul3A_1 = arith.constant 5120 : i32
    %mul3A_2 = arith.muli %add3A, %mul3A_1 : i32
    %dma_start3A = arith.constant 0 : i32
    %dma_start3A_3 = arith.constant 0 : i32
    %dma_start3A_4 = arith.constant 0 : i32
    %dma_start3A_5 = arith.constant 0 : i32
    %dma_start3A_6 = arith.constant 0 : i32
    %dma_start3A_7 = tpu.memref_slice %arg6[%dma_start3A_3, %dma_start3A_5, %dma_start3A_6] : memref<4x256x32xf32, #tpu.memory_space<vmem>> -> memref<1x256x32xf32, #tpu.memory_space<vmem>>
    %dma_start3A_8 = tpu.memref_squeeze %dma_start3A_7 : memref<1x256x32xf32, #tpu.memory_space<vmem>> -> memref<256x32xf32, #tpu.memory_space<vmem>>
    %dma_start3A_9 = arith.constant 0 : i32
    %dma_start3A_10 = tpu.memref_slice %arg5[%dma_start3A, %dma_start3A_9] : memref<20x256xi32, #tpu.memory_space<vmem>> -> memref<1x256xi32, #tpu.memory_space<vmem>>
    %dma_start3A_11 = tpu.memref_squeeze %dma_start3A_10 : memref<1x256xi32, #tpu.memory_space<vmem>> -> memref<256xi32, #tpu.memory_space<vmem>>
    %dma_start3A_12 = arith.constant 0 : i32
    %dma_start3A_13 = arith.constant 0 : i32
    %dma_start3A_14 = tpu.memref_slice %arg2[%dma_start3A_12, %dma_start3A_13] : memref<10000x32xf32, #tpu.memory_space<hbm>> -> memref<10000x32xf32, #tpu.memory_space<hbm>>
    %dma_start3A_15 = tpu.memref_slice %arg7[%dma_start3A_4] : memref<4x!tpu.dma_semaphore, #tpu.memory_space<semaphore_mem>> -> memref<1x!tpu.dma_semaphore, #tpu.memory_space<semaphore_mem>>
    %dma_start3A_16 = tpu.memref_squeeze %dma_start3A_15 : memref<1x!tpu.dma_semaphore, #tpu.memory_space<semaphore_mem>> -> memref<!tpu.dma_semaphore, #tpu.memory_space<semaphore_mem>>
    tpu.enqueue_indirect_dma source(%dma_start3A_14 : memref<10000x32xf32, #tpu.memory_space<hbm>>) target(%dma_start3A_8 : memref<256x32xf32, #tpu.memory_space<vmem>>) offsets(%dma_start3A_11 : memref<256xi32, #tpu.memory_space<vmem>>) semaphore(%dma_start3A_16 : memref<!tpu.dma_semaphore, #tpu.memory_space<semaphore_mem>>)
    %dma_start3A_17 = arith.constant 1 : i32
    %dma_start3A_18 = arith.constant 1 : i32
    %dma_start3A_19 = arith.constant 1 : i32
    %dma_start3A_20 = arith.constant 0 : i32
    %dma_start3A_21 = arith.constant 0 : i32
    %dma_start3A_22 = tpu.memref_slice %arg6[%dma_start3A_18, %dma_start3A_20, %dma_start3A_21] : memref<4x256x32xf32, #tpu.memory_space<vmem>> -> memref<1x256x32xf32, #tpu.memory_space<vmem>>
    %dma_start3A_23 = tpu.memref_squeeze %dma_start3A_22 : memref<1x256x32xf32, #tpu.memory_space<vmem>> -> memref<256x32xf32, #tpu.memory_space<vmem>>
    %dma_start3A_24 = arith.constant 0 : i32
    %dma_start3A_25 = tpu.memref_slice %arg5[%dma_start3A_17, %dma_start3A_24] : memref<20x256xi32, #tpu.memory_space<vmem>> -> memref<1x256xi32, #tpu.memory_space<vmem>>
    %dma_start3A_26 = tpu.memref_squeeze %dma_start3A_25 : memref<1x256xi32, #tpu.memory_space<vmem>> -> memref<256xi32, #tpu.memory_space<vmem>>
    %dma_start3A_27 = arith.constant 0 : i32
    %dma_start3A_28 = arith.constant 0 : i32
    %dma_start3A_29 = tpu.memref_slice %arg2[%dma_start3A_27, %dma_start3A_28] : memref<10000x32xf32, #tpu.memory_space<hbm>> -> memref<10000x32xf32, #tpu.memory_space<hbm>>
    %dma_start3A_30 = tpu.memref_slice %arg7[%dma_start3A_19] : memref<4x!tpu.dma_semaphore, #tpu.memory_space<semaphore_mem>> -> memref<1x!tpu.dma_semaphore, #tpu.memory_space<semaphore_mem>>
    %dma_start3A_31 = tpu.memref_squeeze %dma_start3A_30 : memref<1x!tpu.dma_semaphore, #tpu.memory_space<semaphore_mem>> -> memref<!tpu.dma_semaphore, #tpu.memory_space<semaphore_mem>>
    tpu.enqueue_indirect_dma source(%dma_start3A_29 : memref<10000x32xf32, #tpu.memory_space<hbm>>) target(%dma_start3A_23 : memref<256x32xf32, #tpu.memory_space<vmem>>) offsets(%dma_start3A_26 : memref<256xi32, #tpu.memory_space<vmem>>) semaphore(%dma_start3A_31 : memref<!tpu.dma_semaphore, #tpu.memory_space<semaphore_mem>>)
    %dma_start3A_32 = arith.constant 2 : i32
    %dma_start3A_33 = arith.constant 2 : i32
    %dma_start3A_34 = arith.constant 2 : i32
    %dma_start3A_35 = arith.constant 0 : i32
    %dma_start3A_36 = arith.constant 0 : i32
    %dma_start3A_37 = tpu.memref_slice %arg6[%dma_start3A_33, %dma_start3A_35, %dma_start3A_36] : memref<4x256x32xf32, #tpu.memory_space<vmem>> -> memref<1x256x32xf32, #tpu.memory_space<vmem>>
    %dma_start3A_38 = tpu.memref_squeeze %dma_start3A_37 : memref<1x256x32xf32, #tpu.memory_space<vmem>> -> memref<256x32xf32, #tpu.memory_space<vmem>>
    %dma_start3A_39 = arith.constant 0 : i32
    %dma_start3A_40 = tpu.memref_slice %arg5[%dma_start3A_32, %dma_start3A_39] : memref<20x256xi32, #tpu.memory_space<vmem>> -> memref<1x256xi32, #tpu.memory_space<vmem>>
    %dma_start3A_41 = tpu.memref_squeeze %dma_start3A_40 : memref<1x256xi32, #tpu.memory_space<vmem>> -> memref<256xi32, #tpu.memory_space<vmem>>
    %dma_start3A_42 = arith.constant 0 : i32
    %dma_start3A_43 = arith.constant 0 : i32
    %dma_start3A_44 = tpu.memref_slice %arg2[%dma_start3A_42, %dma_start3A_43] : memref<10000x32xf32, #tpu.memory_space<hbm>> -> memref<10000x32xf32, #tpu.memory_space<hbm>>
    %dma_start3A_45 = tpu.memref_slice %arg7[%dma_start3A_34] : memref<4x!tpu.dma_semaphore, #tpu.memory_space<semaphore_mem>> -> memref<1x!tpu.dma_semaphore, #tpu.memory_space<semaphore_mem>>
    %dma_start3A_46 = tpu.memref_squeeze %dma_start3A_45 : memref<1x!tpu.dma_semaphore, #tpu.memory_space<semaphore_mem>> -> memref<!tpu.dma_semaphore, #tpu.memory_space<semaphore_mem>>
    tpu.enqueue_indirect_dma source(%dma_start3A_44 : memref<10000x32xf32, #tpu.memory_space<hbm>>) target(%dma_start3A_38 : memref<256x32xf32, #tpu.memory_space<vmem>>) offsets(%dma_start3A_41 : memref<256xi32, #tpu.memory_space<vmem>>) semaphore(%dma_start3A_46 : memref<!tpu.dma_semaphore, #tpu.memory_space<semaphore_mem>>)
    %dma_start3A_47 = arith.constant 3 : i32
    %dma_start3A_48 = arith.constant 3 : i32
    %dma_start3A_49 = arith.constant 3 : i32
    %dma_start3A_50 = arith.constant 0 : i32
    %dma_start3A_51 = arith.constant 0 : i32
    %dma_start3A_52 = tpu.memref_slice %arg6[%dma_start3A_48, %dma_start3A_50, %dma_start3A_51] : memref<4x256x32xf32, #tpu.memory_space<vmem>> -> memref<1x256x32xf32, #tpu.memory_space<vmem>>
    %dma_start3A_53 = tpu.memref_squeeze %dma_start3A_52 : memref<1x256x32xf32, #tpu.memory_space<vmem>> -> memref<256x32xf32, #tpu.memory_space<vmem>>
    %dma_start3A_54 = arith.constant 0 : i32
    %dma_start3A_55 = tpu.memref_slice %arg5[%dma_start3A_47, %dma_start3A_54] : memref<20x256xi32, #tpu.memory_space<vmem>> -> memref<1x256xi32, #tpu.memory_space<vmem>>
    %dma_start3A_56 = tpu.memref_squeeze %dma_start3A_55 : memref<1x256xi32, #tpu.memory_space<vmem>> -> memref<256xi32, #tpu.memory_space<vmem>>
    %dma_start3A_57 = arith.constant 0 : i32
    %dma_start3A_58 = arith.constant 0 : i32
    %dma_start3A_59 = tpu.memref_slice %arg2[%dma_start3A_57, %dma_start3A_58] : memref<10000x32xf32, #tpu.memory_space<hbm>> -> memref<10000x32xf32, #tpu.memory_space<hbm>>
    %dma_start3A_60 = tpu.memref_slice %arg7[%dma_start3A_49] : memref<4x!tpu.dma_semaphore, #tpu.memory_space<semaphore_mem>> -> memref<1x!tpu.dma_semaphore, #tpu.memory_space<semaphore_mem>>
    %dma_start3A_61 = tpu.memref_squeeze %dma_start3A_60 : memref<1x!tpu.dma_semaphore, #tpu.memory_space<semaphore_mem>> -> memref<!tpu.dma_semaphore, #tpu.memory_space<semaphore_mem>>
    tpu.enqueue_indirect_dma source(%dma_start3A_59 : memref<10000x32xf32, #tpu.memory_space<hbm>>) target(%dma_start3A_53 : memref<256x32xf32, #tpu.memory_space<vmem>>) offsets(%dma_start3A_56 : memref<256xi32, #tpu.memory_space<vmem>>) semaphore(%dma_start3A_61 : memref<!tpu.dma_semaphore, #tpu.memory_space<semaphore_mem>>)
    %scan3A = arith.constant 0 : i32
    %scan3A_62 = arith.constant 0 : i32
    %scan3A_63 = arith.constant 5 : i32
    %scan3A_64 = arith.addi %scan3A_62, %scan3A_63 : i32
    %scan3A_65 = arith.constant 1 : i32
    %scan3A_66 = scf.for %scan3A_139 = %scan3A_62 to %scan3A_64 step %scan3A_65 iter_args(%scan3A_140 = %scan3A) -> (i32)  : i32 {
      %mul3A_141 = arith.constant 4 : i32
      %mul3A_142 = arith.muli %scan3A_139, %mul3A_141 : i32
      %add3A_143 = arith.constant 0 : i32
      %add3A_144 = arith.addi %mul3A_142, %add3A_143 : i32
      %dma_wait3A_145 = arith.constant 0 : i32
      %dma_wait3A_146 = arith.constant 0 : i32
      %dma_wait3A_147 = arith.constant 0 : i32
      %dma_wait3A_148 = arith.constant 0 : i32
      %dma_wait3A_149 = tpu.memref_slice %arg6[%dma_wait3A_145, %dma_wait3A_147, %dma_wait3A_148] : memref<4x256x32xf32, #tpu.memory_space<vmem>> -> memref<1x256x32xf32, #tpu.memory_space<vmem>>
      %dma_wait3A_150 = tpu.memref_squeeze %dma_wait3A_149 : memref<1x256x32xf32, #tpu.memory_space<vmem>> -> memref<256x32xf32, #tpu.memory_space<vmem>>
      %dma_wait3A_151 = arith.constant 0 : i32
      %dma_wait3A_152 = tpu.memref_slice %arg5[%add3A_144, %dma_wait3A_151] : memref<20x256xi32, #tpu.memory_space<vmem>> -> memref<1x256xi32, #tpu.memory_space<vmem>>
      %dma_wait3A_153 = tpu.memref_squeeze %dma_wait3A_152 : memref<1x256xi32, #tpu.memory_space<vmem>> -> memref<256xi32, #tpu.memory_space<vmem>>
      %dma_wait3A_154 = arith.constant 0 : i32
      %dma_wait3A_155 = arith.constant 0 : i32
      %dma_wait3A_156 = tpu.memref_slice %arg2[%dma_wait3A_154, %dma_wait3A_155] : memref<10000x32xf32, #tpu.memory_space<hbm>> -> memref<10000x32xf32, #tpu.memory_space<hbm>>
      %dma_wait3A_157 = tpu.memref_slice %arg7[%dma_wait3A_146] : memref<4x!tpu.dma_semaphore, #tpu.memory_space<semaphore_mem>> -> memref<1x!tpu.dma_semaphore, #tpu.memory_space<semaphore_mem>>
      %dma_wait3A_158 = tpu.memref_squeeze %dma_wait3A_157 : memref<1x!tpu.dma_semaphore, #tpu.memory_space<semaphore_mem>> -> memref<!tpu.dma_semaphore, #tpu.memory_space<semaphore_mem>>
      tpu.wait_indirect_dma semaphore(%dma_wait3A_158 : memref<!tpu.dma_semaphore, #tpu.memory_space<semaphore_mem>>) src(%dma_wait3A_156 : memref<10000x32xf32, #tpu.memory_space<hbm>>) dst(%dma_wait3A_150 : memref<256x32xf32, #tpu.memory_space<vmem>>)
      %mul3A_159 = arith.constant 256 : i32
      %mul3A_160 = arith.muli %add3A_144, %mul3A_159 : i32
      %add3A_161 = arith.addi %mul3A_2, %mul3A_160 : i32
      %dma_start3A_162 = arith.constant 0 : i32
      %dma_start3A_163 = arith.constant 0 : i32
      %dma_start3A_164 = arith.constant 0 : i32
      %dma_start3A_165 = arith.constant 0 : i32
      %dma_start3A_166 = tpu.memref_slice %arg6[%dma_start3A_162, %dma_start3A_164, %dma_start3A_165] : memref<4x256x32xf32, #tpu.memory_space<vmem>> -> memref<1x256x32xf32, #tpu.memory_space<vmem>>
      %dma_start3A_167 = tpu.memref_squeeze %dma_start3A_166 : memref<1x256x32xf32, #tpu.memory_space<vmem>> -> memref<256x32xf32, #tpu.memory_space<vmem>>
      %dma_start3A_168 = arith.constant 0 : i32
      %dma_start3A_169 = tpu.memref_slice %arg4[%add3A_161, %dma_start3A_168] : memref<163840x32xf32, #tpu.memory_space<hbm>> -> memref<256x32xf32, #tpu.memory_space<hbm>>
      %dma_start3A_170 = tpu.memref_slice %arg8[%dma_start3A_163] : memref<4x!tpu.dma_semaphore, #tpu.memory_space<semaphore_mem>> -> memref<1x!tpu.dma_semaphore, #tpu.memory_space<semaphore_mem>>
      %dma_start3A_171 = tpu.memref_squeeze %dma_start3A_170 : memref<1x!tpu.dma_semaphore, #tpu.memory_space<semaphore_mem>> -> memref<!tpu.dma_semaphore, #tpu.memory_space<semaphore_mem>>
      %dma_start3A_172 = arith.constant 0 : i32
      %dma_start3A_173 = tpu.memref_slice %arg4[%add3A_161, %dma_start3A_172] : memref<163840x32xf32, #tpu.memory_space<hbm>> -> memref<256x32xf32, #tpu.memory_space<hbm>>
      %dma_start3A_174 = arith.constant 0 : i32
      %dma_start3A_175 = arith.constant 0 : i32
      %dma_start3A_176 = tpu.memref_slice %arg6[%dma_start3A_162, %dma_start3A_174, %dma_start3A_175] : memref<4x256x32xf32, #tpu.memory_space<vmem>> -> memref<1x256x32xf32, #tpu.memory_space<vmem>>
      %dma_start3A_177 = tpu.memref_squeeze %dma_start3A_176 : memref<1x256x32xf32, #tpu.memory_space<vmem>> -> memref<256x32xf32, #tpu.memory_space<vmem>>
      tpu.enqueue_dma source(%dma_start3A_177 : memref<256x32xf32, #tpu.memory_space<vmem>>) target(%dma_start3A_173 : memref<256x32xf32, #tpu.memory_space<hbm>>) target_semaphore(%dma_start3A_171 : memref<!tpu.dma_semaphore, #tpu.memory_space<semaphore_mem>>)
      %add3A_178 = arith.constant 4 : i32
      %add3A_179 = arith.addi %add3A_144, %add3A_178 : i32
      %lt3A = arith.constant 20 : i32
      %lt3A_180 = arith.cmpi slt, %add3A_179, %lt3A : i32
      %convert_element_type3A = arith.extui %lt3A_180 : i1 to i32
      %cond3A = arith.constant 0 : i32
      %cond3A_181 = arith.cmpi ne, %convert_element_type3A, %cond3A : i32
      scf.if %cond3A_181 {
        %dma_wait3A_315 = arith.constant 0 : i32
        %dma_wait3A_316 = arith.constant 0 : i32
        %dma_wait3A_317 = arith.constant 0 : i32
        %dma_wait3A_318 = arith.constant 0 : i32
        %dma_wait3A_319 = tpu.memref_slice %arg6[%dma_wait3A_315, %dma_wait3A_317, %dma_wait3A_318] : memref<4x256x32xf32, #tpu.memory_space<vmem>> -> memref<1x256x32xf32, #tpu.memory_space<vmem>>
        %dma_wait3A_320 = tpu.memref_squeeze %dma_wait3A_319 : memref<1x256x32xf32, #tpu.memory_space<vmem>> -> memref<256x32xf32, #tpu.memory_space<vmem>>
        %dma_wait3A_321 = arith.constant 0 : i32
        %dma_wait3A_322 = tpu.memref_slice %arg4[%add3A_161, %dma_wait3A_321] : memref<163840x32xf32, #tpu.memory_space<hbm>> -> memref<256x32xf32, #tpu.memory_space<hbm>>
        %dma_wait3A_323 = tpu.memref_slice %arg8[%dma_wait3A_316] : memref<4x!tpu.dma_semaphore, #tpu.memory_space<semaphore_mem>> -> memref<1x!tpu.dma_semaphore, #tpu.memory_space<semaphore_mem>>
        %dma_wait3A_324 = tpu.memref_squeeze %dma_wait3A_323 : memref<1x!tpu.dma_semaphore, #tpu.memory_space<semaphore_mem>> -> memref<!tpu.dma_semaphore, #tpu.memory_space<semaphore_mem>>
        %dma_wait3A_325 = arith.constant 0 : i32
        %dma_wait3A_326 = tpu.memref_slice %arg4[%add3A_161, %dma_wait3A_325] : memref<163840x32xf32, #tpu.memory_space<hbm>> -> memref<256x32xf32, #tpu.memory_space<hbm>>
        %dma_wait3A_327 = arith.constant 0 : i32
        %dma_wait3A_328 = arith.constant 0 : i32
        %dma_wait3A_329 = tpu.memref_slice %arg6[%dma_wait3A_315, %dma_wait3A_327, %dma_wait3A_328] : memref<4x256x32xf32, #tpu.memory_space<vmem>> -> memref<1x256x32xf32, #tpu.memory_space<vmem>>
        %dma_wait3A_330 = tpu.memref_squeeze %dma_wait3A_329 : memref<1x256x32xf32, #tpu.memory_space<vmem>> -> memref<256x32xf32, #tpu.memory_space<vmem>>
        tpu.wait_dma2 semaphore(%dma_wait3A_324 : memref<!tpu.dma_semaphore, #tpu.memory_space<semaphore_mem>>) src(%dma_wait3A_330 : memref<256x32xf32, #tpu.memory_space<vmem>>) dst(%dma_wait3A_326 : memref<256x32xf32, #tpu.memory_space<hbm>>)
        %add3A_331 = arith.constant 4 : i32
        %add3A_332 = arith.addi %add3A_144, %add3A_331 : i32
        %dma_start3A_333 = arith.constant 0 : i32
        %dma_start3A_334 = arith.constant 0 : i32
        %dma_start3A_335 = arith.constant 0 : i32
        %dma_start3A_336 = arith.constant 0 : i32
        %dma_start3A_337 = tpu.memref_slice %arg6[%dma_start3A_333, %dma_start3A_335, %dma_start3A_336] : memref<4x256x32xf32, #tpu.memory_space<vmem>> -> memref<1x256x32xf32, #tpu.memory_space<vmem>>
        %dma_start3A_338 = tpu.memref_squeeze %dma_start3A_337 : memref<1x256x32xf32, #tpu.memory_space<vmem>> -> memref<256x32xf32, #tpu.memory_space<vmem>>
        %dma_start3A_339 = arith.constant 0 : i32
        %dma_start3A_340 = tpu.memref_slice %arg5[%add3A_332, %dma_start3A_339] : memref<20x256xi32, #tpu.memory_space<vmem>> -> memref<1x256xi32, #tpu.memory_space<vmem>>
        %dma_start3A_341 = tpu.memref_squeeze %dma_start3A_340 : memref<1x256xi32, #tpu.memory_space<vmem>> -> memref<256xi32, #tpu.memory_space<vmem>>
        %dma_start3A_342 = arith.constant 0 : i32
        %dma_start3A_343 = arith.constant 0 : i32
        %dma_start3A_344 = tpu.memref_slice %arg2[%dma_start3A_342, %dma_start3A_343] : memref<10000x32xf32, #tpu.memory_space<hbm>> -> memref<10000x32xf32, #tpu.memory_space<hbm>>
        %dma_start3A_345 = tpu.memref_slice %arg7[%dma_start3A_334] : memref<4x!tpu.dma_semaphore, #tpu.memory_space<semaphore_mem>> -> memref<1x!tpu.dma_semaphore, #tpu.memory_space<semaphore_mem>>
        %dma_start3A_346 = tpu.memref_squeeze %dma_start3A_345 : memref<1x!tpu.dma_semaphore, #tpu.memory_space<semaphore_mem>> -> memref<!tpu.dma_semaphore, #tpu.memory_space<semaphore_mem>>
        tpu.enqueue_indirect_dma source(%dma_start3A_344 : memref<10000x32xf32, #tpu.memory_space<hbm>>) target(%dma_start3A_338 : memref<256x32xf32, #tpu.memory_space<vmem>>) offsets(%dma_start3A_341 : memref<256xi32, #tpu.memory_space<vmem>>) semaphore(%dma_start3A_346 : memref<!tpu.dma_semaphore, #tpu.memory_space<semaphore_mem>>)
      } else {
      }
      %mul3A_182 = arith.constant 4 : i32
      %mul3A_183 = arith.muli %scan3A_139, %mul3A_182 : i32
      %add3A_184 = arith.constant 1 : i32
      %add3A_185 = arith.addi %mul3A_183, %add3A_184 : i32
      %dma_wait3A_186 = arith.constant 1 : i32
      %dma_wait3A_187 = arith.constant 1 : i32
      %dma_wait3A_188 = arith.constant 0 : i32
      %dma_wait3A_189 = arith.constant 0 : i32
      %dma_wait3A_190 = tpu.memref_slice %arg6[%dma_wait3A_186, %dma_wait3A_188, %dma_wait3A_189] : memref<4x256x32xf32, #tpu.memory_space<vmem>> -> memref<1x256x32xf32, #tpu.memory_space<vmem>>
      %dma_wait3A_191 = tpu.memref_squeeze %dma_wait3A_190 : memref<1x256x32xf32, #tpu.memory_space<vmem>> -> memref<256x32xf32, #tpu.memory_space<vmem>>
      %dma_wait3A_192 = arith.constant 0 : i32
      %dma_wait3A_193 = tpu.memref_slice %arg5[%add3A_185, %dma_wait3A_192] : memref<20x256xi32, #tpu.memory_space<vmem>> -> memref<1x256xi32, #tpu.memory_space<vmem>>
      %dma_wait3A_194 = tpu.memref_squeeze %dma_wait3A_193 : memref<1x256xi32, #tpu.memory_space<vmem>> -> memref<256xi32, #tpu.memory_space<vmem>>
      %dma_wait3A_195 = arith.constant 0 : i32
      %dma_wait3A_196 = arith.constant 0 : i32
      %dma_wait3A_197 = tpu.memref_slice %arg2[%dma_wait3A_195, %dma_wait3A_196] : memref<10000x32xf32, #tpu.memory_space<hbm>> -> memref<10000x32xf32, #tpu.memory_space<hbm>>
      %dma_wait3A_198 = tpu.memref_slice %arg7[%dma_wait3A_187] : memref<4x!tpu.dma_semaphore, #tpu.memory_space<semaphore_mem>> -> memref<1x!tpu.dma_semaphore, #tpu.memory_space<semaphore_mem>>
      %dma_wait3A_199 = tpu.memref_squeeze %dma_wait3A_198 : memref<1x!tpu.dma_semaphore, #tpu.memory_space<semaphore_mem>> -> memref<!tpu.dma_semaphore, #tpu.memory_space<semaphore_mem>>
      tpu.wait_indirect_dma semaphore(%dma_wait3A_199 : memref<!tpu.dma_semaphore, #tpu.memory_space<semaphore_mem>>) src(%dma_wait3A_197 : memref<10000x32xf32, #tpu.memory_space<hbm>>) dst(%dma_wait3A_191 : memref<256x32xf32, #tpu.memory_space<vmem>>)
      %mul3A_200 = arith.constant 256 : i32
      %mul3A_201 = arith.muli %add3A_185, %mul3A_200 : i32
      %add3A_202 = arith.addi %mul3A_2, %mul3A_201 : i32
      %dma_start3A_203 = arith.constant 1 : i32
      %dma_start3A_204 = arith.constant 1 : i32
      %dma_start3A_205 = arith.constant 0 : i32
      %dma_start3A_206 = arith.constant 0 : i32
      %dma_start3A_207 = tpu.memref_slice %arg6[%dma_start3A_203, %dma_start3A_205, %dma_start3A_206] : memref<4x256x32xf32, #tpu.memory_space<vmem>> -> memref<1x256x32xf32, #tpu.memory_space<vmem>>
      %dma_start3A_208 = tpu.memref_squeeze %dma_start3A_207 : memref<1x256x32xf32, #tpu.memory_space<vmem>> -> memref<256x32xf32, #tpu.memory_space<vmem>>
      %dma_start3A_209 = arith.constant 0 : i32
      %dma_start3A_210 = tpu.memref_slice %arg4[%add3A_202, %dma_start3A_209] : memref<163840x32xf32, #tpu.memory_space<hbm>> -> memref<256x32xf32, #tpu.memory_space<hbm>>
      %dma_start3A_211 = tpu.memref_slice %arg8[%dma_start3A_204] : memref<4x!tpu.dma_semaphore, #tpu.memory_space<semaphore_mem>> -> memref<1x!tpu.dma_semaphore, #tpu.memory_space<semaphore_mem>>
      %dma_start3A_212 = tpu.memref_squeeze %dma_start3A_211 : memref<1x!tpu.dma_semaphore, #tpu.memory_space<semaphore_mem>> -> memref<!tpu.dma_semaphore, #tpu.memory_space<semaphore_mem>>
      %dma_start3A_213 = arith.constant 0 : i32
      %dma_start3A_214 = tpu.memref_slice %arg4[%add3A_202, %dma_start3A_213] : memref<163840x32xf32, #tpu.memory_space<hbm>> -> memref<256x32xf32, #tpu.memory_space<hbm>>
      %dma_start3A_215 = arith.constant 0 : i32
      %dma_start3A_216 = arith.constant 0 : i32
      %dma_start3A_217 = tpu.memref_slice %arg6[%dma_start3A_203, %dma_start3A_215, %dma_start3A_216] : memref<4x256x32xf32, #tpu.memory_space<vmem>> -> memref<1x256x32xf32, #tpu.memory_space<vmem>>
      %dma_start3A_218 = tpu.memref_squeeze %dma_start3A_217 : memref<1x256x32xf32, #tpu.memory_space<vmem>> -> memref<256x32xf32, #tpu.memory_space<vmem>>
      tpu.enqueue_dma source(%dma_start3A_218 : memref<256x32xf32, #tpu.memory_space<vmem>>) target(%dma_start3A_214 : memref<256x32xf32, #tpu.memory_space<hbm>>) target_semaphore(%dma_start3A_212 : memref<!tpu.dma_semaphore, #tpu.memory_space<semaphore_mem>>)
      %add3A_219 = arith.constant 4 : i32
      %add3A_220 = arith.addi %add3A_185, %add3A_219 : i32
      %lt3A_221 = arith.constant 20 : i32
      %lt3A_222 = arith.cmpi slt, %add3A_220, %lt3A_221 : i32
      %convert_element_type3A_223 = arith.extui %lt3A_222 : i1 to i32
      %cond3A_224 = arith.constant 0 : i32
      %cond3A_225 = arith.cmpi ne, %convert_element_type3A_223, %cond3A_224 : i32
      scf.if %cond3A_225 {
        %dma_wait3A_315 = arith.constant 1 : i32
        %dma_wait3A_316 = arith.constant 1 : i32
        %dma_wait3A_317 = arith.constant 0 : i32
        %dma_wait3A_318 = arith.constant 0 : i32
        %dma_wait3A_319 = tpu.memref_slice %arg6[%dma_wait3A_315, %dma_wait3A_317, %dma_wait3A_318] : memref<4x256x32xf32, #tpu.memory_space<vmem>> -> memref<1x256x32xf32, #tpu.memory_space<vmem>>
        %dma_wait3A_320 = tpu.memref_squeeze %dma_wait3A_319 : memref<1x256x32xf32, #tpu.memory_space<vmem>> -> memref<256x32xf32, #tpu.memory_space<vmem>>
        %dma_wait3A_321 = arith.constant 0 : i32
        %dma_wait3A_322 = tpu.memref_slice %arg4[%add3A_202, %dma_wait3A_321] : memref<163840x32xf32, #tpu.memory_space<hbm>> -> memref<256x32xf32, #tpu.memory_space<hbm>>
        %dma_wait3A_323 = tpu.memref_slice %arg8[%dma_wait3A_316] : memref<4x!tpu.dma_semaphore, #tpu.memory_space<semaphore_mem>> -> memref<1x!tpu.dma_semaphore, #tpu.memory_space<semaphore_mem>>
        %dma_wait3A_324 = tpu.memref_squeeze %dma_wait3A_323 : memref<1x!tpu.dma_semaphore, #tpu.memory_space<semaphore_mem>> -> memref<!tpu.dma_semaphore, #tpu.memory_space<semaphore_mem>>
        %dma_wait3A_325 = arith.constant 0 : i32
        %dma_wait3A_326 = tpu.memref_slice %arg4[%add3A_202, %dma_wait3A_325] : memref<163840x32xf32, #tpu.memory_space<hbm>> -> memref<256x32xf32, #tpu.memory_space<hbm>>
        %dma_wait3A_327 = arith.constant 0 : i32
        %dma_wait3A_328 = arith.constant 0 : i32
        %dma_wait3A_329 = tpu.memref_slice %arg6[%dma_wait3A_315, %dma_wait3A_327, %dma_wait3A_328] : memref<4x256x32xf32, #tpu.memory_space<vmem>> -> memref<1x256x32xf32, #tpu.memory_space<vmem>>
        %dma_wait3A_330 = tpu.memref_squeeze %dma_wait3A_329 : memref<1x256x32xf32, #tpu.memory_space<vmem>> -> memref<256x32xf32, #tpu.memory_space<vmem>>
        tpu.wait_dma2 semaphore(%dma_wait3A_324 : memref<!tpu.dma_semaphore, #tpu.memory_space<semaphore_mem>>) src(%dma_wait3A_330 : memref<256x32xf32, #tpu.memory_space<vmem>>) dst(%dma_wait3A_326 : memref<256x32xf32, #tpu.memory_space<hbm>>)
        %add3A_331 = arith.constant 4 : i32
        %add3A_332 = arith.addi %add3A_185, %add3A_331 : i32
        %dma_start3A_333 = arith.constant 1 : i32
        %dma_start3A_334 = arith.constant 1 : i32
        %dma_start3A_335 = arith.constant 0 : i32
        %dma_start3A_336 = arith.constant 0 : i32
        %dma_start3A_337 = tpu.memref_slice %arg6[%dma_start3A_333, %dma_start3A_335, %dma_start3A_336] : memref<4x256x32xf32, #tpu.memory_space<vmem>> -> memref<1x256x32xf32, #tpu.memory_space<vmem>>
        %dma_start3A_338 = tpu.memref_squeeze %dma_start3A_337 : memref<1x256x32xf32, #tpu.memory_space<vmem>> -> memref<256x32xf32, #tpu.memory_space<vmem>>
        %dma_start3A_339 = arith.constant 0 : i32
        %dma_start3A_340 = tpu.memref_slice %arg5[%add3A_332, %dma_start3A_339] : memref<20x256xi32, #tpu.memory_space<vmem>> -> memref<1x256xi32, #tpu.memory_space<vmem>>
        %dma_start3A_341 = tpu.memref_squeeze %dma_start3A_340 : memref<1x256xi32, #tpu.memory_space<vmem>> -> memref<256xi32, #tpu.memory_space<vmem>>
        %dma_start3A_342 = arith.constant 0 : i32
        %dma_start3A_343 = arith.constant 0 : i32
        %dma_start3A_344 = tpu.memref_slice %arg2[%dma_start3A_342, %dma_start3A_343] : memref<10000x32xf32, #tpu.memory_space<hbm>> -> memref<10000x32xf32, #tpu.memory_space<hbm>>
        %dma_start3A_345 = tpu.memref_slice %arg7[%dma_start3A_334] : memref<4x!tpu.dma_semaphore, #tpu.memory_space<semaphore_mem>> -> memref<1x!tpu.dma_semaphore, #tpu.memory_space<semaphore_mem>>
        %dma_start3A_346 = tpu.memref_squeeze %dma_start3A_345 : memref<1x!tpu.dma_semaphore, #tpu.memory_space<semaphore_mem>> -> memref<!tpu.dma_semaphore, #tpu.memory_space<semaphore_mem>>
        tpu.enqueue_indirect_dma source(%dma_start3A_344 : memref<10000x32xf32, #tpu.memory_space<hbm>>) target(%dma_start3A_338 : memref<256x32xf32, #tpu.memory_space<vmem>>) offsets(%dma_start3A_341 : memref<256xi32, #tpu.memory_space<vmem>>) semaphore(%dma_start3A_346 : memref<!tpu.dma_semaphore, #tpu.memory_space<semaphore_mem>>)
      } else {
      }
      %mul3A_226 = arith.constant 4 : i32
      %mul3A_227 = arith.muli %scan3A_139, %mul3A_226 : i32
      %add3A_228 = arith.constant 2 : i32
      %add3A_229 = arith.addi %mul3A_227, %add3A_228 : i32
      %dma_wait3A_230 = arith.constant 2 : i32
      %dma_wait3A_231 = arith.constant 2 : i32
      %dma_wait3A_232 = arith.constant 0 : i32
      %dma_wait3A_233 = arith.constant 0 : i32
      %dma_wait3A_234 = tpu.memref_slice %arg6[%dma_wait3A_230, %dma_wait3A_232, %dma_wait3A_233] : memref<4x256x32xf32, #tpu.memory_space<vmem>> -> memref<1x256x32xf32, #tpu.memory_space<vmem>>
      %dma_wait3A_235 = tpu.memref_squeeze %dma_wait3A_234 : memref<1x256x32xf32, #tpu.memory_space<vmem>> -> memref<256x32xf32, #tpu.memory_space<vmem>>
      %dma_wait3A_236 = arith.constant 0 : i32
      %dma_wait3A_237 = tpu.memref_slice %arg5[%add3A_229, %dma_wait3A_236] : memref<20x256xi32, #tpu.memory_space<vmem>> -> memref<1x256xi32, #tpu.memory_space<vmem>>
      %dma_wait3A_238 = tpu.memref_squeeze %dma_wait3A_237 : memref<1x256xi32, #tpu.memory_space<vmem>> -> memref<256xi32, #tpu.memory_space<vmem>>
      %dma_wait3A_239 = arith.constant 0 : i32
      %dma_wait3A_240 = arith.constant 0 : i32
      %dma_wait3A_241 = tpu.memref_slice %arg2[%dma_wait3A_239, %dma_wait3A_240] : memref<10000x32xf32, #tpu.memory_space<hbm>> -> memref<10000x32xf32, #tpu.memory_space<hbm>>
      %dma_wait3A_242 = tpu.memref_slice %arg7[%dma_wait3A_231] : memref<4x!tpu.dma_semaphore, #tpu.memory_space<semaphore_mem>> -> memref<1x!tpu.dma_semaphore, #tpu.memory_space<semaphore_mem>>
      %dma_wait3A_243 = tpu.memref_squeeze %dma_wait3A_242 : memref<1x!tpu.dma_semaphore, #tpu.memory_space<semaphore_mem>> -> memref<!tpu.dma_semaphore, #tpu.memory_space<semaphore_mem>>
      tpu.wait_indirect_dma semaphore(%dma_wait3A_243 : memref<!tpu.dma_semaphore, #tpu.memory_space<semaphore_mem>>) src(%dma_wait3A_241 : memref<10000x32xf32, #tpu.memory_space<hbm>>) dst(%dma_wait3A_235 : memref<256x32xf32, #tpu.memory_space<vmem>>)
      %mul3A_244 = arith.constant 256 : i32
      %mul3A_245 = arith.muli %add3A_229, %mul3A_244 : i32
      %add3A_246 = arith.addi %mul3A_2, %mul3A_245 : i32
      %dma_start3A_247 = arith.constant 2 : i32
      %dma_start3A_248 = arith.constant 2 : i32
      %dma_start3A_249 = arith.constant 0 : i32
      %dma_start3A_250 = arith.constant 0 : i32
      %dma_start3A_251 = tpu.memref_slice %arg6[%dma_start3A_247, %dma_start3A_249, %dma_start3A_250] : memref<4x256x32xf32, #tpu.memory_space<vmem>> -> memref<1x256x32xf32, #tpu.memory_space<vmem>>
      %dma_start3A_252 = tpu.memref_squeeze %dma_start3A_251 : memref<1x256x32xf32, #tpu.memory_space<vmem>> -> memref<256x32xf32, #tpu.memory_space<vmem>>
      %dma_start3A_253 = arith.constant 0 : i32
      %dma_start3A_254 = tpu.memref_slice %arg4[%add3A_246, %dma_start3A_253] : memref<163840x32xf32, #tpu.memory_space<hbm>> -> memref<256x32xf32, #tpu.memory_space<hbm>>
      %dma_start3A_255 = tpu.memref_slice %arg8[%dma_start3A_248] : memref<4x!tpu.dma_semaphore, #tpu.memory_space<semaphore_mem>> -> memref<1x!tpu.dma_semaphore, #tpu.memory_space<semaphore_mem>>
      %dma_start3A_256 = tpu.memref_squeeze %dma_start3A_255 : memref<1x!tpu.dma_semaphore, #tpu.memory_space<semaphore_mem>> -> memref<!tpu.dma_semaphore, #tpu.memory_space<semaphore_mem>>
      %dma_start3A_257 = arith.constant 0 : i32
      %dma_start3A_258 = tpu.memref_slice %arg4[%add3A_246, %dma_start3A_257] : memref<163840x32xf32, #tpu.memory_space<hbm>> -> memref<256x32xf32, #tpu.memory_space<hbm>>
      %dma_start3A_259 = arith.constant 0 : i32
      %dma_start3A_260 = arith.constant 0 : i32
      %dma_start3A_261 = tpu.memref_slice %arg6[%dma_start3A_247, %dma_start3A_259, %dma_start3A_260] : memref<4x256x32xf32, #tpu.memory_space<vmem>> -> memref<1x256x32xf32, #tpu.memory_space<vmem>>
      %dma_start3A_262 = tpu.memref_squeeze %dma_start3A_261 : memref<1x256x32xf32, #tpu.memory_space<vmem>> -> memref<256x32xf32, #tpu.memory_space<vmem>>
      tpu.enqueue_dma source(%dma_start3A_262 : memref<256x32xf32, #tpu.memory_space<vmem>>) target(%dma_start3A_258 : memref<256x32xf32, #tpu.memory_space<hbm>>) target_semaphore(%dma_start3A_256 : memref<!tpu.dma_semaphore, #tpu.memory_space<semaphore_mem>>)
      %add3A_263 = arith.constant 4 : i32
      %add3A_264 = arith.addi %add3A_229, %add3A_263 : i32
      %lt3A_265 = arith.constant 20 : i32
      %lt3A_266 = arith.cmpi slt, %add3A_264, %lt3A_265 : i32
      %convert_element_type3A_267 = arith.extui %lt3A_266 : i1 to i32
      %cond3A_268 = arith.constant 0 : i32
      %cond3A_269 = arith.cmpi ne, %convert_element_type3A_267, %cond3A_268 : i32
      scf.if %cond3A_269 {
        %dma_wait3A_315 = arith.constant 2 : i32
        %dma_wait3A_316 = arith.constant 2 : i32
        %dma_wait3A_317 = arith.constant 0 : i32
        %dma_wait3A_318 = arith.constant 0 : i32
        %dma_wait3A_319 = tpu.memref_slice %arg6[%dma_wait3A_315, %dma_wait3A_317, %dma_wait3A_318] : memref<4x256x32xf32, #tpu.memory_space<vmem>> -> memref<1x256x32xf32, #tpu.memory_space<vmem>>
        %dma_wait3A_320 = tpu.memref_squeeze %dma_wait3A_319 : memref<1x256x32xf32, #tpu.memory_space<vmem>> -> memref<256x32xf32, #tpu.memory_space<vmem>>
        %dma_wait3A_321 = arith.constant 0 : i32
        %dma_wait3A_322 = tpu.memref_slice %arg4[%add3A_246, %dma_wait3A_321] : memref<163840x32xf32, #tpu.memory_space<hbm>> -> memref<256x32xf32, #tpu.memory_space<hbm>>
        %dma_wait3A_323 = tpu.memref_slice %arg8[%dma_wait3A_316] : memref<4x!tpu.dma_semaphore, #tpu.memory_space<semaphore_mem>> -> memref<1x!tpu.dma_semaphore, #tpu.memory_space<semaphore_mem>>
        %dma_wait3A_324 = tpu.memref_squeeze %dma_wait3A_323 : memref<1x!tpu.dma_semaphore, #tpu.memory_space<semaphore_mem>> -> memref<!tpu.dma_semaphore, #tpu.memory_space<semaphore_mem>>
        %dma_wait3A_325 = arith.constant 0 : i32
        %dma_wait3A_326 = tpu.memref_slice %arg4[%add3A_246, %dma_wait3A_325] : memref<163840x32xf32, #tpu.memory_space<hbm>> -> memref<256x32xf32, #tpu.memory_space<hbm>>
        %dma_wait3A_327 = arith.constant 0 : i32
        %dma_wait3A_328 = arith.constant 0 : i32
        %dma_wait3A_329 = tpu.memref_slice %arg6[%dma_wait3A_315, %dma_wait3A_327, %dma_wait3A_328] : memref<4x256x32xf32, #tpu.memory_space<vmem>> -> memref<1x256x32xf32, #tpu.memory_space<vmem>>
        %dma_wait3A_330 = tpu.memref_squeeze %dma_wait3A_329 : memref<1x256x32xf32, #tpu.memory_space<vmem>> -> memref<256x32xf32, #tpu.memory_space<vmem>>
        tpu.wait_dma2 semaphore(%dma_wait3A_324 : memref<!tpu.dma_semaphore, #tpu.memory_space<semaphore_mem>>) src(%dma_wait3A_330 : memref<256x32xf32, #tpu.memory_space<vmem>>) dst(%dma_wait3A_326 : memref<256x32xf32, #tpu.memory_space<hbm>>)
        %add3A_331 = arith.constant 4 : i32
        %add3A_332 = arith.addi %add3A_229, %add3A_331 : i32
        %dma_start3A_333 = arith.constant 2 : i32
        %dma_start3A_334 = arith.constant 2 : i32
        %dma_start3A_335 = arith.constant 0 : i32
        %dma_start3A_336 = arith.constant 0 : i32
        %dma_start3A_337 = tpu.memref_slice %arg6[%dma_start3A_333, %dma_start3A_335, %dma_start3A_336] : memref<4x256x32xf32, #tpu.memory_space<vmem>> -> memref<1x256x32xf32, #tpu.memory_space<vmem>>
        %dma_start3A_338 = tpu.memref_squeeze %dma_start3A_337 : memref<1x256x32xf32, #tpu.memory_space<vmem>> -> memref<256x32xf32, #tpu.memory_space<vmem>>
        %dma_start3A_339 = arith.constant 0 : i32
        %dma_start3A_340 = tpu.memref_slice %arg5[%add3A_332, %dma_start3A_339] : memref<20x256xi32, #tpu.memory_space<vmem>> -> memref<1x256xi32, #tpu.memory_space<vmem>>
        %dma_start3A_341 = tpu.memref_squeeze %dma_start3A_340 : memref<1x256xi32, #tpu.memory_space<vmem>> -> memref<256xi32, #tpu.memory_space<vmem>>
        %dma_start3A_342 = arith.constant 0 : i32
        %dma_start3A_343 = arith.constant 0 : i32
        %dma_start3A_344 = tpu.memref_slice %arg2[%dma_start3A_342, %dma_start3A_343] : memref<10000x32xf32, #tpu.memory_space<hbm>> -> memref<10000x32xf32, #tpu.memory_space<hbm>>
        %dma_start3A_345 = tpu.memref_slice %arg7[%dma_start3A_334] : memref<4x!tpu.dma_semaphore, #tpu.memory_space<semaphore_mem>> -> memref<1x!tpu.dma_semaphore, #tpu.memory_space<semaphore_mem>>
        %dma_start3A_346 = tpu.memref_squeeze %dma_start3A_345 : memref<1x!tpu.dma_semaphore, #tpu.memory_space<semaphore_mem>> -> memref<!tpu.dma_semaphore, #tpu.memory_space<semaphore_mem>>
        tpu.enqueue_indirect_dma source(%dma_start3A_344 : memref<10000x32xf32, #tpu.memory_space<hbm>>) target(%dma_start3A_338 : memref<256x32xf32, #tpu.memory_space<vmem>>) offsets(%dma_start3A_341 : memref<256xi32, #tpu.memory_space<vmem>>) semaphore(%dma_start3A_346 : memref<!tpu.dma_semaphore, #tpu.memory_space<semaphore_mem>>)
      } else {
      }
      %mul3A_270 = arith.constant 4 : i32
      %mul3A_271 = arith.muli %scan3A_139, %mul3A_270 : i32
      %add3A_272 = arith.constant 3 : i32
      %add3A_273 = arith.addi %mul3A_271, %add3A_272 : i32
      %dma_wait3A_274 = arith.constant 3 : i32
      %dma_wait3A_275 = arith.constant 3 : i32
      %dma_wait3A_276 = arith.constant 0 : i32
      %dma_wait3A_277 = arith.constant 0 : i32
      %dma_wait3A_278 = tpu.memref_slice %arg6[%dma_wait3A_274, %dma_wait3A_276, %dma_wait3A_277] : memref<4x256x32xf32, #tpu.memory_space<vmem>> -> memref<1x256x32xf32, #tpu.memory_space<vmem>>
      %dma_wait3A_279 = tpu.memref_squeeze %dma_wait3A_278 : memref<1x256x32xf32, #tpu.memory_space<vmem>> -> memref<256x32xf32, #tpu.memory_space<vmem>>
      %dma_wait3A_280 = arith.constant 0 : i32
      %dma_wait3A_281 = tpu.memref_slice %arg5[%add3A_273, %dma_wait3A_280] : memref<20x256xi32, #tpu.memory_space<vmem>> -> memref<1x256xi32, #tpu.memory_space<vmem>>
      %dma_wait3A_282 = tpu.memref_squeeze %dma_wait3A_281 : memref<1x256xi32, #tpu.memory_space<vmem>> -> memref<256xi32, #tpu.memory_space<vmem>>
      %dma_wait3A_283 = arith.constant 0 : i32
      %dma_wait3A_284 = arith.constant 0 : i32
      %dma_wait3A_285 = tpu.memref_slice %arg2[%dma_wait3A_283, %dma_wait3A_284] : memref<10000x32xf32, #tpu.memory_space<hbm>> -> memref<10000x32xf32, #tpu.memory_space<hbm>>
      %dma_wait3A_286 = tpu.memref_slice %arg7[%dma_wait3A_275] : memref<4x!tpu.dma_semaphore, #tpu.memory_space<semaphore_mem>> -> memref<1x!tpu.dma_semaphore, #tpu.memory_space<semaphore_mem>>
      %dma_wait3A_287 = tpu.memref_squeeze %dma_wait3A_286 : memref<1x!tpu.dma_semaphore, #tpu.memory_space<semaphore_mem>> -> memref<!tpu.dma_semaphore, #tpu.memory_space<semaphore_mem>>
      tpu.wait_indirect_dma semaphore(%dma_wait3A_287 : memref<!tpu.dma_semaphore, #tpu.memory_space<semaphore_mem>>) src(%dma_wait3A_285 : memref<10000x32xf32, #tpu.memory_space<hbm>>) dst(%dma_wait3A_279 : memref<256x32xf32, #tpu.memory_space<vmem>>)
      %mul3A_288 = arith.constant 256 : i32
      %mul3A_289 = arith.muli %add3A_273, %mul3A_288 : i32
      %add3A_290 = arith.addi %mul3A_2, %mul3A_289 : i32
      %dma_start3A_291 = arith.constant 3 : i32
      %dma_start3A_292 = arith.constant 3 : i32
      %dma_start3A_293 = arith.constant 0 : i32
      %dma_start3A_294 = arith.constant 0 : i32
      %dma_start3A_295 = tpu.memref_slice %arg6[%dma_start3A_291, %dma_start3A_293, %dma_start3A_294] : memref<4x256x32xf32, #tpu.memory_space<vmem>> -> memref<1x256x32xf32, #tpu.memory_space<vmem>>
      %dma_start3A_296 = tpu.memref_squeeze %dma_start3A_295 : memref<1x256x32xf32, #tpu.memory_space<vmem>> -> memref<256x32xf32, #tpu.memory_space<vmem>>
      %dma_start3A_297 = arith.constant 0 : i32
      %dma_start3A_298 = tpu.memref_slice %arg4[%add3A_290, %dma_start3A_297] : memref<163840x32xf32, #tpu.memory_space<hbm>> -> memref<256x32xf32, #tpu.memory_space<hbm>>
      %dma_start3A_299 = tpu.memref_slice %arg8[%dma_start3A_292] : memref<4x!tpu.dma_semaphore, #tpu.memory_space<semaphore_mem>> -> memref<1x!tpu.dma_semaphore, #tpu.memory_space<semaphore_mem>>
      %dma_start3A_300 = tpu.memref_squeeze %dma_start3A_299 : memref<1x!tpu.dma_semaphore, #tpu.memory_space<semaphore_mem>> -> memref<!tpu.dma_semaphore, #tpu.memory_space<semaphore_mem>>
      %dma_start3A_301 = arith.constant 0 : i32
      %dma_start3A_302 = tpu.memref_slice %arg4[%add3A_290, %dma_start3A_301] : memref<163840x32xf32, #tpu.memory_space<hbm>> -> memref<256x32xf32, #tpu.memory_space<hbm>>
      %dma_start3A_303 = arith.constant 0 : i32
      %dma_start3A_304 = arith.constant 0 : i32
      %dma_start3A_305 = tpu.memref_slice %arg6[%dma_start3A_291, %dma_start3A_303, %dma_start3A_304] : memref<4x256x32xf32, #tpu.memory_space<vmem>> -> memref<1x256x32xf32, #tpu.memory_space<vmem>>
      %dma_start3A_306 = tpu.memref_squeeze %dma_start3A_305 : memref<1x256x32xf32, #tpu.memory_space<vmem>> -> memref<256x32xf32, #tpu.memory_space<vmem>>
      tpu.enqueue_dma source(%dma_start3A_306 : memref<256x32xf32, #tpu.memory_space<vmem>>) target(%dma_start3A_302 : memref<256x32xf32, #tpu.memory_space<hbm>>) target_semaphore(%dma_start3A_300 : memref<!tpu.dma_semaphore, #tpu.memory_space<semaphore_mem>>)
      %add3A_307 = arith.constant 4 : i32
      %add3A_308 = arith.addi %add3A_273, %add3A_307 : i32
      %lt3A_309 = arith.constant 20 : i32
      %lt3A_310 = arith.cmpi slt, %add3A_308, %lt3A_309 : i32
      %convert_element_type3A_311 = arith.extui %lt3A_310 : i1 to i32
      %cond3A_312 = arith.constant 0 : i32
      %cond3A_313 = arith.cmpi ne, %convert_element_type3A_311, %cond3A_312 : i32
      scf.if %cond3A_313 {
        %dma_wait3A_315 = arith.constant 3 : i32
        %dma_wait3A_316 = arith.constant 3 : i32
        %dma_wait3A_317 = arith.constant 0 : i32
        %dma_wait3A_318 = arith.constant 0 : i32
        %dma_wait3A_319 = tpu.memref_slice %arg6[%dma_wait3A_315, %dma_wait3A_317, %dma_wait3A_318] : memref<4x256x32xf32, #tpu.memory_space<vmem>> -> memref<1x256x32xf32, #tpu.memory_space<vmem>>
        %dma_wait3A_320 = tpu.memref_squeeze %dma_wait3A_319 : memref<1x256x32xf32, #tpu.memory_space<vmem>> -> memref<256x32xf32, #tpu.memory_space<vmem>>
        %dma_wait3A_321 = arith.constant 0 : i32
        %dma_wait3A_322 = tpu.memref_slice %arg4[%add3A_290, %dma_wait3A_321] : memref<163840x32xf32, #tpu.memory_space<hbm>> -> memref<256x32xf32, #tpu.memory_space<hbm>>
        %dma_wait3A_323 = tpu.memref_slice %arg8[%dma_wait3A_316] : memref<4x!tpu.dma_semaphore, #tpu.memory_space<semaphore_mem>> -> memref<1x!tpu.dma_semaphore, #tpu.memory_space<semaphore_mem>>
        %dma_wait3A_324 = tpu.memref_squeeze %dma_wait3A_323 : memref<1x!tpu.dma_semaphore, #tpu.memory_space<semaphore_mem>> -> memref<!tpu.dma_semaphore, #tpu.memory_space<semaphore_mem>>
        %dma_wait3A_325 = arith.constant 0 : i32
        %dma_wait3A_326 = tpu.memref_slice %arg4[%add3A_290, %dma_wait3A_325] : memref<163840x32xf32, #tpu.memory_space<hbm>> -> memref<256x32xf32, #tpu.memory_space<hbm>>
        %dma_wait3A_327 = arith.constant 0 : i32
        %dma_wait3A_328 = arith.constant 0 : i32
        %dma_wait3A_329 = tpu.memref_slice %arg6[%dma_wait3A_315, %dma_wait3A_327, %dma_wait3A_328] : memref<4x256x32xf32, #tpu.memory_space<vmem>> -> memref<1x256x32xf32, #tpu.memory_space<vmem>>
        %dma_wait3A_330 = tpu.memref_squeeze %dma_wait3A_329 : memref<1x256x32xf32, #tpu.memory_space<vmem>> -> memref<256x32xf32, #tpu.memory_space<vmem>>
        tpu.wait_dma2 semaphore(%dma_wait3A_324 : memref<!tpu.dma_semaphore, #tpu.memory_space<semaphore_mem>>) src(%dma_wait3A_330 : memref<256x32xf32, #tpu.memory_space<vmem>>) dst(%dma_wait3A_326 : memref<256x32xf32, #tpu.memory_space<hbm>>)
        %add3A_331 = arith.constant 4 : i32
        %add3A_332 = arith.addi %add3A_273, %add3A_331 : i32
        %dma_start3A_333 = arith.constant 3 : i32
        %dma_start3A_334 = arith.constant 3 : i32
        %dma_start3A_335 = arith.constant 0 : i32
        %dma_start3A_336 = arith.constant 0 : i32
        %dma_start3A_337 = tpu.memref_slice %arg6[%dma_start3A_333, %dma_start3A_335, %dma_start3A_336] : memref<4x256x32xf32, #tpu.memory_space<vmem>> -> memref<1x256x32xf32, #tpu.memory_space<vmem>>
        %dma_start3A_338 = tpu.memref_squeeze %dma_start3A_337 : memref<1x256x32xf32, #tpu.memory_space<vmem>> -> memref<256x32xf32, #tpu.memory_space<vmem>>
        %dma_start3A_339 = arith.constant 0 : i32
        %dma_start3A_340 = tpu.memref_slice %arg5[%add3A_332, %dma_start3A_339] : memref<20x256xi32, #tpu.memory_space<vmem>> -> memref<1x256xi32, #tpu.memory_space<vmem>>
        %dma_start3A_341 = tpu.memref_squeeze %dma_start3A_340 : memref<1x256xi32, #tpu.memory_space<vmem>> -> memref<256xi32, #tpu.memory_space<vmem>>
        %dma_start3A_342 = arith.constant 0 : i32
        %dma_start3A_343 = arith.constant 0 : i32
        %dma_start3A_344 = tpu.memref_slice %arg2[%dma_start3A_342, %dma_start3A_343] : memref<10000x32xf32, #tpu.memory_space<hbm>> -> memref<10000x32xf32, #tpu.memory_space<hbm>>
        %dma_start3A_345 = tpu.memref_slice %arg7[%dma_start3A_334] : memref<4x!tpu.dma_semaphore, #tpu.memory_space<semaphore_mem>> -> memref<1x!tpu.dma_semaphore, #tpu.memory_space<semaphore_mem>>
        %dma_start3A_346 = tpu.memref_squeeze %dma_start3A_345 : memref<1x!tpu.dma_semaphore, #tpu.memory_space<semaphore_mem>> -> memref<!tpu.dma_semaphore, #tpu.memory_space<semaphore_mem>>
        tpu.enqueue_indirect_dma source(%dma_start3A_344 : memref<10000x32xf32, #tpu.memory_space<hbm>>) target(%dma_start3A_338 : memref<256x32xf32, #tpu.memory_space<vmem>>) offsets(%dma_start3A_341 : memref<256xi32, #tpu.memory_space<vmem>>) semaphore(%dma_start3A_346 : memref<!tpu.dma_semaphore, #tpu.memory_space<semaphore_mem>>)
      } else {
      }
      %scan3A_314 = arith.constant 0 : i32
      scf.yield %scan3A_314 : i32
    }
    %scan3A_67 = arith.constant 5 : i32
    %add3A_68 = arith.constant 4096 : i32
    %add3A_69 = arith.addi %mul3A_2, %add3A_68 : i32
    %dma_wait3A = arith.constant 0 : i32
    %dma_wait3A_70 = arith.constant 0 : i32
    %dma_wait3A_71 = arith.constant 0 : i32
    %dma_wait3A_72 = arith.constant 0 : i32
    %dma_wait3A_73 = tpu.memref_slice %arg6[%dma_wait3A, %dma_wait3A_71, %dma_wait3A_72] : memref<4x256x32xf32, #tpu.memory_space<vmem>> -> memref<1x256x32xf32, #tpu.memory_space<vmem>>
    %dma_wait3A_74 = tpu.memref_squeeze %dma_wait3A_73 : memref<1x256x32xf32, #tpu.memory_space<vmem>> -> memref<256x32xf32, #tpu.memory_space<vmem>>
    %dma_wait3A_75 = arith.constant 0 : i32
    %dma_wait3A_76 = tpu.memref_slice %arg4[%add3A_69, %dma_wait3A_75] : memref<163840x32xf32, #tpu.memory_space<hbm>> -> memref<256x32xf32, #tpu.memory_space<hbm>>
    %dma_wait3A_77 = tpu.memref_slice %arg8[%dma_wait3A_70] : memref<4x!tpu.dma_semaphore, #tpu.memory_space<semaphore_mem>> -> memref<1x!tpu.dma_semaphore, #tpu.memory_space<semaphore_mem>>
    %dma_wait3A_78 = tpu.memref_squeeze %dma_wait3A_77 : memref<1x!tpu.dma_semaphore, #tpu.memory_space<semaphore_mem>> -> memref<!tpu.dma_semaphore, #tpu.memory_space<semaphore_mem>>
    %dma_wait3A_79 = arith.constant 0 : i32
    %dma_wait3A_80 = tpu.memref_slice %arg4[%add3A_69, %dma_wait3A_79] : memref<163840x32xf32, #tpu.memory_space<hbm>> -> memref<256x32xf32, #tpu.memory_space<hbm>>
    %dma_wait3A_81 = arith.constant 0 : i32
    %dma_wait3A_82 = arith.constant 0 : i32
    %dma_wait3A_83 = tpu.memref_slice %arg6[%dma_wait3A, %dma_wait3A_81, %dma_wait3A_82] : memref<4x256x32xf32, #tpu.memory_space<vmem>> -> memref<1x256x32xf32, #tpu.memory_space<vmem>>
    %dma_wait3A_84 = tpu.memref_squeeze %dma_wait3A_83 : memref<1x256x32xf32, #tpu.memory_space<vmem>> -> memref<256x32xf32, #tpu.memory_space<vmem>>
    tpu.wait_dma2 semaphore(%dma_wait3A_78 : memref<!tpu.dma_semaphore, #tpu.memory_space<semaphore_mem>>) src(%dma_wait3A_84 : memref<256x32xf32, #tpu.memory_space<vmem>>) dst(%dma_wait3A_80 : memref<256x32xf32, #tpu.memory_space<hbm>>)
    %add3A_85 = arith.constant 4352 : i32
    %add3A_86 = arith.addi %mul3A_2, %add3A_85 : i32
    %dma_wait3A_87 = arith.constant 1 : i32
    %dma_wait3A_88 = arith.constant 1 : i32
    %dma_wait3A_89 = arith.constant 0 : i32
    %dma_wait3A_90 = arith.constant 0 : i32
    %dma_wait3A_91 = tpu.memref_slice %arg6[%dma_wait3A_87, %dma_wait3A_89, %dma_wait3A_90] : memref<4x256x32xf32, #tpu.memory_space<vmem>> -> memref<1x256x32xf32, #tpu.memory_space<vmem>>
    %dma_wait3A_92 = tpu.memref_squeeze %dma_wait3A_91 : memref<1x256x32xf32, #tpu.memory_space<vmem>> -> memref<256x32xf32, #tpu.memory_space<vmem>>
    %dma_wait3A_93 = arith.constant 0 : i32
    %dma_wait3A_94 = tpu.memref_slice %arg4[%add3A_86, %dma_wait3A_93] : memref<163840x32xf32, #tpu.memory_space<hbm>> -> memref<256x32xf32, #tpu.memory_space<hbm>>
    %dma_wait3A_95 = tpu.memref_slice %arg8[%dma_wait3A_88] : memref<4x!tpu.dma_semaphore, #tpu.memory_space<semaphore_mem>> -> memref<1x!tpu.dma_semaphore, #tpu.memory_space<semaphore_mem>>
    %dma_wait3A_96 = tpu.memref_squeeze %dma_wait3A_95 : memref<1x!tpu.dma_semaphore, #tpu.memory_space<semaphore_mem>> -> memref<!tpu.dma_semaphore, #tpu.memory_space<semaphore_mem>>
    %dma_wait3A_97 = arith.constant 0 : i32
    %dma_wait3A_98 = tpu.memref_slice %arg4[%add3A_86, %dma_wait3A_97] : memref<163840x32xf32, #tpu.memory_space<hbm>> -> memref<256x32xf32, #tpu.memory_space<hbm>>
    %dma_wait3A_99 = arith.constant 0 : i32
    %dma_wait3A_100 = arith.constant 0 : i32
    %dma_wait3A_101 = tpu.memref_slice %arg6[%dma_wait3A_87, %dma_wait3A_99, %dma_wait3A_100] : memref<4x256x32xf32, #tpu.memory_space<vmem>> -> memref<1x256x32xf32, #tpu.memory_space<vmem>>
    %dma_wait3A_102 = tpu.memref_squeeze %dma_wait3A_101 : memref<1x256x32xf32, #tpu.memory_space<vmem>> -> memref<256x32xf32, #tpu.memory_space<vmem>>
    tpu.wait_dma2 semaphore(%dma_wait3A_96 : memref<!tpu.dma_semaphore, #tpu.memory_space<semaphore_mem>>) src(%dma_wait3A_102 : memref<256x32xf32, #tpu.memory_space<vmem>>) dst(%dma_wait3A_98 : memref<256x32xf32, #tpu.memory_space<hbm>>)
    %add3A_103 = arith.constant 4608 : i32
    %add3A_104 = arith.addi %mul3A_2, %add3A_103 : i32
    %dma_wait3A_105 = arith.constant 2 : i32
    %dma_wait3A_106 = arith.constant 2 : i32
    %dma_wait3A_107 = arith.constant 0 : i32
    %dma_wait3A_108 = arith.constant 0 : i32
    %dma_wait3A_109 = tpu.memref_slice %arg6[%dma_wait3A_105, %dma_wait3A_107, %dma_wait3A_108] : memref<4x256x32xf32, #tpu.memory_space<vmem>> -> memref<1x256x32xf32, #tpu.memory_space<vmem>>
    %dma_wait3A_110 = tpu.memref_squeeze %dma_wait3A_109 : memref<1x256x32xf32, #tpu.memory_space<vmem>> -> memref<256x32xf32, #tpu.memory_space<vmem>>
    %dma_wait3A_111 = arith.constant 0 : i32
    %dma_wait3A_112 = tpu.memref_slice %arg4[%add3A_104, %dma_wait3A_111] : memref<163840x32xf32, #tpu.memory_space<hbm>> -> memref<256x32xf32, #tpu.memory_space<hbm>>
    %dma_wait3A_113 = tpu.memref_slice %arg8[%dma_wait3A_106] : memref<4x!tpu.dma_semaphore, #tpu.memory_space<semaphore_mem>> -> memref<1x!tpu.dma_semaphore, #tpu.memory_space<semaphore_mem>>
    %dma_wait3A_114 = tpu.memref_squeeze %dma_wait3A_113 : memref<1x!tpu.dma_semaphore, #tpu.memory_space<semaphore_mem>> -> memref<!tpu.dma_semaphore, #tpu.memory_space<semaphore_mem>>
    %dma_wait3A_115 = arith.constant 0 : i32
    %dma_wait3A_116 = tpu.memref_slice %arg4[%add3A_104, %dma_wait3A_115] : memref<163840x32xf32, #tpu.memory_space<hbm>> -> memref<256x32xf32, #tpu.memory_space<hbm>>
    %dma_wait3A_117 = arith.constant 0 : i32
    %dma_wait3A_118 = arith.constant 0 : i32
    %dma_wait3A_119 = tpu.memref_slice %arg6[%dma_wait3A_105, %dma_wait3A_117, %dma_wait3A_118] : memref<4x256x32xf32, #tpu.memory_space<vmem>> -> memref<1x256x32xf32, #tpu.memory_space<vmem>>
    %dma_wait3A_120 = tpu.memref_squeeze %dma_wait3A_119 : memref<1x256x32xf32, #tpu.memory_space<vmem>> -> memref<256x32xf32, #tpu.memory_space<vmem>>
    tpu.wait_dma2 semaphore(%dma_wait3A_114 : memref<!tpu.dma_semaphore, #tpu.memory_space<semaphore_mem>>) src(%dma_wait3A_120 : memref<256x32xf32, #tpu.memory_space<vmem>>) dst(%dma_wait3A_116 : memref<256x32xf32, #tpu.memory_space<hbm>>)
    %add3A_121 = arith.constant 4864 : i32
    %add3A_122 = arith.addi %mul3A_2, %add3A_121 : i32
    %dma_wait3A_123 = arith.constant 3 : i32
    %dma_wait3A_124 = arith.constant 3 : i32
    %dma_wait3A_125 = arith.constant 0 : i32
    %dma_wait3A_126 = arith.constant 0 : i32
    %dma_wait3A_127 = tpu.memref_slice %arg6[%dma_wait3A_123, %dma_wait3A_125, %dma_wait3A_126] : memref<4x256x32xf32, #tpu.memory_space<vmem>> -> memref<1x256x32xf32, #tpu.memory_space<vmem>>
    %dma_wait3A_128 = tpu.memref_squeeze %dma_wait3A_127 : memref<1x256x32xf32, #tpu.memory_space<vmem>> -> memref<256x32xf32, #tpu.memory_space<vmem>>
    %dma_wait3A_129 = arith.constant 0 : i32
    %dma_wait3A_130 = tpu.memref_slice %arg4[%add3A_122, %dma_wait3A_129] : memref<163840x32xf32, #tpu.memory_space<hbm>> -> memref<256x32xf32, #tpu.memory_space<hbm>>
    %dma_wait3A_131 = tpu.memref_slice %arg8[%dma_wait3A_124] : memref<4x!tpu.dma_semaphore, #tpu.memory_space<semaphore_mem>> -> memref<1x!tpu.dma_semaphore, #tpu.memory_space<semaphore_mem>>
    %dma_wait3A_132 = tpu.memref_squeeze %dma_wait3A_131 : memref<1x!tpu.dma_semaphore, #tpu.memory_space<semaphore_mem>> -> memref<!tpu.dma_semaphore, #tpu.memory_space<semaphore_mem>>
    %dma_wait3A_133 = arith.constant 0 : i32
    %dma_wait3A_134 = tpu.memref_slice %arg4[%add3A_122, %dma_wait3A_133] : memref<163840x32xf32, #tpu.memory_space<hbm>> -> memref<256x32xf32, #tpu.memory_space<hbm>>
    %dma_wait3A_135 = arith.constant 0 : i32
    %dma_wait3A_136 = arith.constant 0 : i32
    %dma_wait3A_137 = tpu.memref_slice %arg6[%dma_wait3A_123, %dma_wait3A_135, %dma_wait3A_136] : memref<4x256x32xf32, #tpu.memory_space<vmem>> -> memref<1x256x32xf32, #tpu.memory_space<vmem>>
    %dma_wait3A_138 = tpu.memref_squeeze %dma_wait3A_137 : memref<1x256x32xf32, #tpu.memory_space<vmem>> -> memref<256x32xf32, #tpu.memory_space<vmem>>
    tpu.wait_dma2 semaphore(%dma_wait3A_132 : memref<!tpu.dma_semaphore, #tpu.memory_space<semaphore_mem>>) src(%dma_wait3A_138 : memref<256x32xf32, #tpu.memory_space<vmem>>) dst(%dma_wait3A_134 : memref<256x32xf32, #tpu.memory_space<hbm>>)
    return
  }
}

#map = affine_map<(d0, d1) -> (0, 0)>
#map1 = affine_map<(d0, d1) -> (0, 0, 0)>
module attributes {stable_mosaic.version = 14 : i64} {
  func.func @k(%arg0: i32, %arg1: i32, %arg2: memref<163840x32xf32, #tpu.memory_space<hbm>>, %arg3: memref<32x20x256xi32, #tpu.memory_space<hbm>>, %arg4: memref<10000x32xf32, #tpu.memory_space<hbm>>, %arg5: memref<2x10000x32xf32, #tpu.memory_space<hbm>>, %arg6: memref<20x256xi32, #tpu.memory_space<vmem>>, %arg7: memref<4x256x32xf32, #tpu.memory_space<vmem>>, %arg8: memref<10000x32xf32, #tpu.memory_space<vmem_shared>>, %arg9: memref<4x!tpu.dma_semaphore, #tpu.memory_space<semaphore_mem>>, %arg10: memref<4x!tpu.dma_semaphore, #tpu.memory_space<semaphore_mem>>) attributes {dimension_semantics = [#tpu.dimension_semantics<core_parallel>, #tpu.dimension_semantics<subcore_parallel>], iteration_bounds = array<i64: 2, 16>, scalar_prefetch = 0 : i64, scratch_operands = 5 : i64, tpu.core_type = #tpu.core_type<sc_vector_subcore>, window_params = [{transform_indices = #map}, {transform_indices = #map1}, {transform_indices = #map}, {transform_indices = #map1}]} {
    %mul3A = arith.constant 16 : i32
    %mul3A_0 = arith.muli %arg0, %mul3A : i32
    %add3A = arith.addi %mul3A_0, %arg1 : i32
    %mul3A_1 = arith.constant 625 : i32
    %mul3A_2 = arith.muli %arg1, %mul3A_1 : i32
    %mul3A_3 = arith.constant 625 : i32
    %mul3A_4 = arith.muli %arg1, %mul3A_3 : i32
    "tpu.region"() ({
      %run_scoped3A = tpu.sem_alloc : memref<!tpu.dma_semaphore, #tpu.memory_space<semaphore_mem>>
      %dma_start3A_148 = arith.constant 0 : i32
      %dma_start3A_149 = tpu.memref_slice %arg8[%mul3A_4, %dma_start3A_148] : memref<10000x32xf32, #tpu.memory_space<vmem_shared>> -> memref<625x32xf32, #tpu.memory_space<vmem_shared>>
      %dma_start3A_150 = arith.constant 0 : i32
      %dma_start3A_151 = tpu.memref_slice %arg4[%mul3A_2, %dma_start3A_150] : memref<10000x32xf32, #tpu.memory_space<hbm>> -> memref<625x32xf32, #tpu.memory_space<hbm>>
      tpu.enqueue_dma source(%dma_start3A_151 : memref<625x32xf32, #tpu.memory_space<hbm>>) target(%dma_start3A_149 : memref<625x32xf32, #tpu.memory_space<vmem_shared>>) target_semaphore(%run_scoped3A : memref<!tpu.dma_semaphore, #tpu.memory_space<semaphore_mem>>)
      %dma_wait3A_152 = arith.constant 0 : i32
      %dma_wait3A_153 = tpu.memref_slice %arg8[%mul3A_4, %dma_wait3A_152] : memref<10000x32xf32, #tpu.memory_space<vmem_shared>> -> memref<625x32xf32, #tpu.memory_space<vmem_shared>>
      %dma_wait3A_154 = arith.constant 0 : i32
      %dma_wait3A_155 = tpu.memref_slice %arg4[%mul3A_2, %dma_wait3A_154] : memref<10000x32xf32, #tpu.memory_space<hbm>> -> memref<625x32xf32, #tpu.memory_space<hbm>>
      tpu.wait_dma2 semaphore(%run_scoped3A : memref<!tpu.dma_semaphore, #tpu.memory_space<semaphore_mem>>) src(%dma_wait3A_155 : memref<625x32xf32, #tpu.memory_space<hbm>>) dst(%dma_wait3A_153 : memref<625x32xf32, #tpu.memory_space<vmem_shared>>)
      tpu.yield
    }) : () -> ()
    %barrier3A = arith.constant 0 : index
    tpu.barrier barrier_id(%barrier3A)
    "tpu.region"() ({
      %run_scoped3A = tpu.sem_alloc : memref<!tpu.dma_semaphore, #tpu.memory_space<semaphore_mem>>
      %dma_start3A_148 = arith.constant 0 : i32
      %dma_start3A_149 = arith.constant 0 : i32
      %dma_start3A_150 = tpu.memref_slice %arg3[%add3A, %dma_start3A_148, %dma_start3A_149] : memref<32x20x256xi32, #tpu.memory_space<hbm>> -> memref<1x20x256xi32, #tpu.memory_space<hbm>>
      %dma_start3A_151 = tpu.memref_squeeze %dma_start3A_150 : memref<1x20x256xi32, #tpu.memory_space<hbm>> -> memref<20x256xi32, #tpu.memory_space<hbm>>
      %dma_start3A_152 = arith.constant 0 : i32
      %dma_start3A_153 = arith.constant 0 : i32
      %dma_start3A_154 = tpu.memref_slice %arg3[%add3A, %dma_start3A_152, %dma_start3A_153] : memref<32x20x256xi32, #tpu.memory_space<hbm>> -> memref<1x20x256xi32, #tpu.memory_space<hbm>>
      %dma_start3A_155 = tpu.memref_squeeze %dma_start3A_154 : memref<1x20x256xi32, #tpu.memory_space<hbm>> -> memref<20x256xi32, #tpu.memory_space<hbm>>
      tpu.enqueue_dma source(%dma_start3A_155 : memref<20x256xi32, #tpu.memory_space<hbm>>) target(%arg6 : memref<20x256xi32, #tpu.memory_space<vmem>>) target_semaphore(%run_scoped3A : memref<!tpu.dma_semaphore, #tpu.memory_space<semaphore_mem>>)
      %dma_wait3A_156 = arith.constant 0 : i32
      %dma_wait3A_157 = arith.constant 0 : i32
      %dma_wait3A_158 = tpu.memref_slice %arg3[%add3A, %dma_wait3A_156, %dma_wait3A_157] : memref<32x20x256xi32, #tpu.memory_space<hbm>> -> memref<1x20x256xi32, #tpu.memory_space<hbm>>
      %dma_wait3A_159 = tpu.memref_squeeze %dma_wait3A_158 : memref<1x20x256xi32, #tpu.memory_space<hbm>> -> memref<20x256xi32, #tpu.memory_space<hbm>>
      %dma_wait3A_160 = arith.constant 0 : i32
      %dma_wait3A_161 = arith.constant 0 : i32
      %dma_wait3A_162 = tpu.memref_slice %arg3[%add3A, %dma_wait3A_160, %dma_wait3A_161] : memref<32x20x256xi32, #tpu.memory_space<hbm>> -> memref<1x20x256xi32, #tpu.memory_space<hbm>>
      %dma_wait3A_163 = tpu.memref_squeeze %dma_wait3A_162 : memref<1x20x256xi32, #tpu.memory_space<hbm>> -> memref<20x256xi32, #tpu.memory_space<hbm>>
      tpu.wait_dma2 semaphore(%run_scoped3A : memref<!tpu.dma_semaphore, #tpu.memory_space<semaphore_mem>>) src(%dma_wait3A_163 : memref<20x256xi32, #tpu.memory_space<hbm>>) dst(%arg6 : memref<20x256xi32, #tpu.memory_space<vmem>>)
      tpu.yield
    }) : () -> ()
    %mul3A_5 = arith.constant 5120 : i32
    %mul3A_6 = arith.muli %add3A, %mul3A_5 : i32
    %add3A_7 = arith.constant 0 : i32
    %add3A_8 = arith.addi %mul3A_6, %add3A_7 : i32
    %dma_start3A = arith.constant 0 : i32
    %dma_start3A_9 = arith.constant 0 : i32
    %dma_start3A_10 = arith.constant 0 : i32
    %dma_start3A_11 = arith.constant 0 : i32
    %dma_start3A_12 = tpu.memref_slice %arg7[%dma_start3A, %dma_start3A_10, %dma_start3A_11] : memref<4x256x32xf32, #tpu.memory_space<vmem>> -> memref<1x256x32xf32, #tpu.memory_space<vmem>>
    %dma_start3A_13 = tpu.memref_squeeze %dma_start3A_12 : memref<1x256x32xf32, #tpu.memory_space<vmem>> -> memref<256x32xf32, #tpu.memory_space<vmem>>
    %dma_start3A_14 = arith.constant 0 : i32
    %dma_start3A_15 = tpu.memref_slice %arg2[%add3A_8, %dma_start3A_14] : memref<163840x32xf32, #tpu.memory_space<hbm>> -> memref<256x32xf32, #tpu.memory_space<hbm>>
    %dma_start3A_16 = tpu.memref_slice %arg9[%dma_start3A_9] : memref<4x!tpu.dma_semaphore, #tpu.memory_space<semaphore_mem>> -> memref<1x!tpu.dma_semaphore, #tpu.memory_space<semaphore_mem>>
    %dma_start3A_17 = tpu.memref_squeeze %dma_start3A_16 : memref<1x!tpu.dma_semaphore, #tpu.memory_space<semaphore_mem>> -> memref<!tpu.dma_semaphore, #tpu.memory_space<semaphore_mem>>
    %dma_start3A_18 = arith.constant 0 : i32
    %dma_start3A_19 = arith.constant 0 : i32
    %dma_start3A_20 = tpu.memref_slice %arg7[%dma_start3A, %dma_start3A_18, %dma_start3A_19] : memref<4x256x32xf32, #tpu.memory_space<vmem>> -> memref<1x256x32xf32, #tpu.memory_space<vmem>>
    %dma_start3A_21 = tpu.memref_squeeze %dma_start3A_20 : memref<1x256x32xf32, #tpu.memory_space<vmem>> -> memref<256x32xf32, #tpu.memory_space<vmem>>
    %dma_start3A_22 = arith.constant 0 : i32
    %dma_start3A_23 = tpu.memref_slice %arg2[%add3A_8, %dma_start3A_22] : memref<163840x32xf32, #tpu.memory_space<hbm>> -> memref<256x32xf32, #tpu.memory_space<hbm>>
    tpu.enqueue_dma source(%dma_start3A_23 : memref<256x32xf32, #tpu.memory_space<hbm>>) target(%dma_start3A_21 : memref<256x32xf32, #tpu.memory_space<vmem>>) target_semaphore(%dma_start3A_17 : memref<!tpu.dma_semaphore, #tpu.memory_space<semaphore_mem>>)
    %add3A_24 = arith.constant 256 : i32
    %add3A_25 = arith.addi %mul3A_6, %add3A_24 : i32
    %dma_start3A_26 = arith.constant 1 : i32
    %dma_start3A_27 = arith.constant 1 : i32
    %dma_start3A_28 = arith.constant 0 : i32
    %dma_start3A_29 = arith.constant 0 : i32
    %dma_start3A_30 = tpu.memref_slice %arg7[%dma_start3A_26, %dma_start3A_28, %dma_start3A_29] : memref<4x256x32xf32, #tpu.memory_space<vmem>> -> memref<1x256x32xf32, #tpu.memory_space<vmem>>
    %dma_start3A_31 = tpu.memref_squeeze %dma_start3A_30 : memref<1x256x32xf32, #tpu.memory_space<vmem>> -> memref<256x32xf32, #tpu.memory_space<vmem>>
    %dma_start3A_32 = arith.constant 0 : i32
    %dma_start3A_33 = tpu.memref_slice %arg2[%add3A_25, %dma_start3A_32] : memref<163840x32xf32, #tpu.memory_space<hbm>> -> memref<256x32xf32, #tpu.memory_space<hbm>>
    %dma_start3A_34 = tpu.memref_slice %arg9[%dma_start3A_27] : memref<4x!tpu.dma_semaphore, #tpu.memory_space<semaphore_mem>> -> memref<1x!tpu.dma_semaphore, #tpu.memory_space<semaphore_mem>>
    %dma_start3A_35 = tpu.memref_squeeze %dma_start3A_34 : memref<1x!tpu.dma_semaphore, #tpu.memory_space<semaphore_mem>> -> memref<!tpu.dma_semaphore, #tpu.memory_space<semaphore_mem>>
    %dma_start3A_36 = arith.constant 0 : i32
    %dma_start3A_37 = arith.constant 0 : i32
    %dma_start3A_38 = tpu.memref_slice %arg7[%dma_start3A_26, %dma_start3A_36, %dma_start3A_37] : memref<4x256x32xf32, #tpu.memory_space<vmem>> -> memref<1x256x32xf32, #tpu.memory_space<vmem>>
    %dma_start3A_39 = tpu.memref_squeeze %dma_start3A_38 : memref<1x256x32xf32, #tpu.memory_space<vmem>> -> memref<256x32xf32, #tpu.memory_space<vmem>>
    %dma_start3A_40 = arith.constant 0 : i32
    %dma_start3A_41 = tpu.memref_slice %arg2[%add3A_25, %dma_start3A_40] : memref<163840x32xf32, #tpu.memory_space<hbm>> -> memref<256x32xf32, #tpu.memory_space<hbm>>
    tpu.enqueue_dma source(%dma_start3A_41 : memref<256x32xf32, #tpu.memory_space<hbm>>) target(%dma_start3A_39 : memref<256x32xf32, #tpu.memory_space<vmem>>) target_semaphore(%dma_start3A_35 : memref<!tpu.dma_semaphore, #tpu.memory_space<semaphore_mem>>)
    %add3A_42 = arith.constant 512 : i32
    %add3A_43 = arith.addi %mul3A_6, %add3A_42 : i32
    %dma_start3A_44 = arith.constant 2 : i32
    %dma_start3A_45 = arith.constant 2 : i32
    %dma_start3A_46 = arith.constant 0 : i32
    %dma_start3A_47 = arith.constant 0 : i32
    %dma_start3A_48 = tpu.memref_slice %arg7[%dma_start3A_44, %dma_start3A_46, %dma_start3A_47] : memref<4x256x32xf32, #tpu.memory_space<vmem>> -> memref<1x256x32xf32, #tpu.memory_space<vmem>>
    %dma_start3A_49 = tpu.memref_squeeze %dma_start3A_48 : memref<1x256x32xf32, #tpu.memory_space<vmem>> -> memref<256x32xf32, #tpu.memory_space<vmem>>
    %dma_start3A_50 = arith.constant 0 : i32
    %dma_start3A_51 = tpu.memref_slice %arg2[%add3A_43, %dma_start3A_50] : memref<163840x32xf32, #tpu.memory_space<hbm>> -> memref<256x32xf32, #tpu.memory_space<hbm>>
    %dma_start3A_52 = tpu.memref_slice %arg9[%dma_start3A_45] : memref<4x!tpu.dma_semaphore, #tpu.memory_space<semaphore_mem>> -> memref<1x!tpu.dma_semaphore, #tpu.memory_space<semaphore_mem>>
    %dma_start3A_53 = tpu.memref_squeeze %dma_start3A_52 : memref<1x!tpu.dma_semaphore, #tpu.memory_space<semaphore_mem>> -> memref<!tpu.dma_semaphore, #tpu.memory_space<semaphore_mem>>
    %dma_start3A_54 = arith.constant 0 : i32
    %dma_start3A_55 = arith.constant 0 : i32
    %dma_start3A_56 = tpu.memref_slice %arg7[%dma_start3A_44, %dma_start3A_54, %dma_start3A_55] : memref<4x256x32xf32, #tpu.memory_space<vmem>> -> memref<1x256x32xf32, #tpu.memory_space<vmem>>
    %dma_start3A_57 = tpu.memref_squeeze %dma_start3A_56 : memref<1x256x32xf32, #tpu.memory_space<vmem>> -> memref<256x32xf32, #tpu.memory_space<vmem>>
    %dma_start3A_58 = arith.constant 0 : i32
    %dma_start3A_59 = tpu.memref_slice %arg2[%add3A_43, %dma_start3A_58] : memref<163840x32xf32, #tpu.memory_space<hbm>> -> memref<256x32xf32, #tpu.memory_space<hbm>>
    tpu.enqueue_dma source(%dma_start3A_59 : memref<256x32xf32, #tpu.memory_space<hbm>>) target(%dma_start3A_57 : memref<256x32xf32, #tpu.memory_space<vmem>>) target_semaphore(%dma_start3A_53 : memref<!tpu.dma_semaphore, #tpu.memory_space<semaphore_mem>>)
    %add3A_60 = arith.constant 768 : i32
    %add3A_61 = arith.addi %mul3A_6, %add3A_60 : i32
    %dma_start3A_62 = arith.constant 3 : i32
    %dma_start3A_63 = arith.constant 3 : i32
    %dma_start3A_64 = arith.constant 0 : i32
    %dma_start3A_65 = arith.constant 0 : i32
    %dma_start3A_66 = tpu.memref_slice %arg7[%dma_start3A_62, %dma_start3A_64, %dma_start3A_65] : memref<4x256x32xf32, #tpu.memory_space<vmem>> -> memref<1x256x32xf32, #tpu.memory_space<vmem>>
    %dma_start3A_67 = tpu.memref_squeeze %dma_start3A_66 : memref<1x256x32xf32, #tpu.memory_space<vmem>> -> memref<256x32xf32, #tpu.memory_space<vmem>>
    %dma_start3A_68 = arith.constant 0 : i32
    %dma_start3A_69 = tpu.memref_slice %arg2[%add3A_61, %dma_start3A_68] : memref<163840x32xf32, #tpu.memory_space<hbm>> -> memref<256x32xf32, #tpu.memory_space<hbm>>
    %dma_start3A_70 = tpu.memref_slice %arg9[%dma_start3A_63] : memref<4x!tpu.dma_semaphore, #tpu.memory_space<semaphore_mem>> -> memref<1x!tpu.dma_semaphore, #tpu.memory_space<semaphore_mem>>
    %dma_start3A_71 = tpu.memref_squeeze %dma_start3A_70 : memref<1x!tpu.dma_semaphore, #tpu.memory_space<semaphore_mem>> -> memref<!tpu.dma_semaphore, #tpu.memory_space<semaphore_mem>>
    %dma_start3A_72 = arith.constant 0 : i32
    %dma_start3A_73 = arith.constant 0 : i32
    %dma_start3A_74 = tpu.memref_slice %arg7[%dma_start3A_62, %dma_start3A_72, %dma_start3A_73] : memref<4x256x32xf32, #tpu.memory_space<vmem>> -> memref<1x256x32xf32, #tpu.memory_space<vmem>>
    %dma_start3A_75 = tpu.memref_squeeze %dma_start3A_74 : memref<1x256x32xf32, #tpu.memory_space<vmem>> -> memref<256x32xf32, #tpu.memory_space<vmem>>
    %dma_start3A_76 = arith.constant 0 : i32
    %dma_start3A_77 = tpu.memref_slice %arg2[%add3A_61, %dma_start3A_76] : memref<163840x32xf32, #tpu.memory_space<hbm>> -> memref<256x32xf32, #tpu.memory_space<hbm>>
    tpu.enqueue_dma source(%dma_start3A_77 : memref<256x32xf32, #tpu.memory_space<hbm>>) target(%dma_start3A_75 : memref<256x32xf32, #tpu.memory_space<vmem>>) target_semaphore(%dma_start3A_71 : memref<!tpu.dma_semaphore, #tpu.memory_space<semaphore_mem>>)
    %scan3A = arith.constant 0 : i32
    %scan3A_78 = arith.constant 0 : i32
    %scan3A_79 = arith.constant 5 : i32
    %scan3A_80 = arith.addi %scan3A_78, %scan3A_79 : i32
    %scan3A_81 = arith.constant 1 : i32
    %scan3A_82 = scf.for %scan3A_148 = %scan3A_78 to %scan3A_80 step %scan3A_81 iter_args(%scan3A_149 = %scan3A) -> (i32)  : i32 {
      %mul3A_150 = arith.constant 4 : i32
      %mul3A_151 = arith.muli %scan3A_148, %mul3A_150 : i32
      %add3A_152 = arith.constant 0 : i32
      %add3A_153 = arith.addi %mul3A_151, %add3A_152 : i32
      %mul3A_154 = arith.constant 256 : i32
      %mul3A_155 = arith.muli %add3A_153, %mul3A_154 : i32
      %add3A_156 = arith.addi %mul3A_6, %mul3A_155 : i32
      %dma_wait3A_157 = arith.constant 0 : i32
      %dma_wait3A_158 = arith.constant 0 : i32
      %dma_wait3A_159 = arith.constant 0 : i32
      %dma_wait3A_160 = arith.constant 0 : i32
      %dma_wait3A_161 = tpu.memref_slice %arg7[%dma_wait3A_157, %dma_wait3A_159, %dma_wait3A_160] : memref<4x256x32xf32, #tpu.memory_space<vmem>> -> memref<1x256x32xf32, #tpu.memory_space<vmem>>
      %dma_wait3A_162 = tpu.memref_squeeze %dma_wait3A_161 : memref<1x256x32xf32, #tpu.memory_space<vmem>> -> memref<256x32xf32, #tpu.memory_space<vmem>>
      %dma_wait3A_163 = arith.constant 0 : i32
      %dma_wait3A_164 = tpu.memref_slice %arg2[%add3A_156, %dma_wait3A_163] : memref<163840x32xf32, #tpu.memory_space<hbm>> -> memref<256x32xf32, #tpu.memory_space<hbm>>
      %dma_wait3A_165 = tpu.memref_slice %arg9[%dma_wait3A_158] : memref<4x!tpu.dma_semaphore, #tpu.memory_space<semaphore_mem>> -> memref<1x!tpu.dma_semaphore, #tpu.memory_space<semaphore_mem>>
      %dma_wait3A_166 = tpu.memref_squeeze %dma_wait3A_165 : memref<1x!tpu.dma_semaphore, #tpu.memory_space<semaphore_mem>> -> memref<!tpu.dma_semaphore, #tpu.memory_space<semaphore_mem>>
      %dma_wait3A_167 = arith.constant 0 : i32
      %dma_wait3A_168 = arith.constant 0 : i32
      %dma_wait3A_169 = tpu.memref_slice %arg7[%dma_wait3A_157, %dma_wait3A_167, %dma_wait3A_168] : memref<4x256x32xf32, #tpu.memory_space<vmem>> -> memref<1x256x32xf32, #tpu.memory_space<vmem>>
      %dma_wait3A_170 = tpu.memref_squeeze %dma_wait3A_169 : memref<1x256x32xf32, #tpu.memory_space<vmem>> -> memref<256x32xf32, #tpu.memory_space<vmem>>
      %dma_wait3A_171 = arith.constant 0 : i32
      %dma_wait3A_172 = tpu.memref_slice %arg2[%add3A_156, %dma_wait3A_171] : memref<163840x32xf32, #tpu.memory_space<hbm>> -> memref<256x32xf32, #tpu.memory_space<hbm>>
      tpu.wait_dma2 semaphore(%dma_wait3A_166 : memref<!tpu.dma_semaphore, #tpu.memory_space<semaphore_mem>>) src(%dma_wait3A_172 : memref<256x32xf32, #tpu.memory_space<hbm>>) dst(%dma_wait3A_170 : memref<256x32xf32, #tpu.memory_space<vmem>>)
      %dma_start3A_173 = arith.constant 0 : i32
      %dma_start3A_174 = arith.constant 0 : i32
      %dma_start3A_175 = arith.constant 0 : i32
      %dma_start3A_176 = arith.constant 0 : i32
      %dma_start3A_177 = tpu.memref_slice %arg7[%dma_start3A_173, %dma_start3A_175, %dma_start3A_176] : memref<4x256x32xf32, #tpu.memory_space<vmem>> -> memref<1x256x32xf32, #tpu.memory_space<vmem>>
      %dma_start3A_178 = tpu.memref_squeeze %dma_start3A_177 : memref<1x256x32xf32, #tpu.memory_space<vmem>> -> memref<256x32xf32, #tpu.memory_space<vmem>>
      %dma_start3A_179 = arith.constant 0 : i32
      %dma_start3A_180 = tpu.memref_slice %arg6[%add3A_153, %dma_start3A_179] : memref<20x256xi32, #tpu.memory_space<vmem>> -> memref<1x256xi32, #tpu.memory_space<vmem>>
      %dma_start3A_181 = tpu.memref_squeeze %dma_start3A_180 : memref<1x256xi32, #tpu.memory_space<vmem>> -> memref<256xi32, #tpu.memory_space<vmem>>
      %dma_start3A_182 = arith.constant 0 : i32
      %dma_start3A_183 = arith.constant 0 : i32
      %dma_start3A_184 = tpu.memref_slice %arg8[%dma_start3A_182, %dma_start3A_183] : memref<10000x32xf32, #tpu.memory_space<vmem_shared>> -> memref<10000x32xf32, #tpu.memory_space<vmem_shared>>
      %dma_start3A_185 = tpu.memref_slice %arg10[%dma_start3A_174] : memref<4x!tpu.dma_semaphore, #tpu.memory_space<semaphore_mem>> -> memref<1x!tpu.dma_semaphore, #tpu.memory_space<semaphore_mem>>
      %dma_start3A_186 = tpu.memref_squeeze %dma_start3A_185 : memref<1x!tpu.dma_semaphore, #tpu.memory_space<semaphore_mem>> -> memref<!tpu.dma_semaphore, #tpu.memory_space<semaphore_mem>>
      tpu.enqueue_indirect_dma source(%dma_start3A_178 : memref<256x32xf32, #tpu.memory_space<vmem>>) target(%dma_start3A_184 : memref<10000x32xf32, #tpu.memory_space<vmem_shared>>) offsets(%dma_start3A_181 : memref<256xi32, #tpu.memory_space<vmem>>) semaphore(%dma_start3A_186 : memref<!tpu.dma_semaphore, #tpu.memory_space<semaphore_mem>>) {add = true}
      %add3A_187 = arith.constant 4 : i32
      %add3A_188 = arith.addi %add3A_153, %add3A_187 : i32
      %lt3A = arith.constant 20 : i32
      %lt3A_189 = arith.cmpi slt, %add3A_188, %lt3A : i32
      %convert_element_type3A = arith.extui %lt3A_189 : i1 to i32
      %cond3A = arith.constant 0 : i32
      %cond3A_190 = arith.cmpi ne, %convert_element_type3A, %cond3A : i32
      scf.if %cond3A_190 {
        %dma_wait3A_324 = arith.constant 0 : i32
        %dma_wait3A_325 = arith.constant 0 : i32
        %dma_wait3A_326 = arith.constant 0 : i32
        %dma_wait3A_327 = arith.constant 0 : i32
        %dma_wait3A_328 = tpu.memref_slice %arg7[%dma_wait3A_324, %dma_wait3A_326, %dma_wait3A_327] : memref<4x256x32xf32, #tpu.memory_space<vmem>> -> memref<1x256x32xf32, #tpu.memory_space<vmem>>
        %dma_wait3A_329 = tpu.memref_squeeze %dma_wait3A_328 : memref<1x256x32xf32, #tpu.memory_space<vmem>> -> memref<256x32xf32, #tpu.memory_space<vmem>>
        %dma_wait3A_330 = arith.constant 0 : i32
        %dma_wait3A_331 = tpu.memref_slice %arg6[%add3A_153, %dma_wait3A_330] : memref<20x256xi32, #tpu.memory_space<vmem>> -> memref<1x256xi32, #tpu.memory_space<vmem>>
        %dma_wait3A_332 = tpu.memref_squeeze %dma_wait3A_331 : memref<1x256xi32, #tpu.memory_space<vmem>> -> memref<256xi32, #tpu.memory_space<vmem>>
        %dma_wait3A_333 = arith.constant 0 : i32
        %dma_wait3A_334 = arith.constant 0 : i32
        %dma_wait3A_335 = tpu.memref_slice %arg8[%dma_wait3A_333, %dma_wait3A_334] : memref<10000x32xf32, #tpu.memory_space<vmem_shared>> -> memref<10000x32xf32, #tpu.memory_space<vmem_shared>>
        %dma_wait3A_336 = tpu.memref_slice %arg10[%dma_wait3A_325] : memref<4x!tpu.dma_semaphore, #tpu.memory_space<semaphore_mem>> -> memref<1x!tpu.dma_semaphore, #tpu.memory_space<semaphore_mem>>
        %dma_wait3A_337 = tpu.memref_squeeze %dma_wait3A_336 : memref<1x!tpu.dma_semaphore, #tpu.memory_space<semaphore_mem>> -> memref<!tpu.dma_semaphore, #tpu.memory_space<semaphore_mem>>
        tpu.wait_indirect_dma semaphore(%dma_wait3A_337 : memref<!tpu.dma_semaphore, #tpu.memory_space<semaphore_mem>>) src(%dma_wait3A_329 : memref<256x32xf32, #tpu.memory_space<vmem>>) dst(%dma_wait3A_335 : memref<10000x32xf32, #tpu.memory_space<vmem_shared>>)
        %add3A_338 = arith.constant 4 : i32
        %add3A_339 = arith.addi %add3A_153, %add3A_338 : i32
        %mul3A_340 = arith.constant 256 : i32
        %mul3A_341 = arith.muli %add3A_339, %mul3A_340 : i32
        %add3A_342 = arith.addi %mul3A_6, %mul3A_341 : i32
        %dma_start3A_343 = arith.constant 0 : i32
        %dma_start3A_344 = arith.constant 0 : i32
        %dma_start3A_345 = arith.constant 0 : i32
        %dma_start3A_346 = arith.constant 0 : i32
        %dma_start3A_347 = tpu.memref_slice %arg7[%dma_start3A_343, %dma_start3A_345, %dma_start3A_346] : memref<4x256x32xf32, #tpu.memory_space<vmem>> -> memref<1x256x32xf32, #tpu.memory_space<vmem>>
        %dma_start3A_348 = tpu.memref_squeeze %dma_start3A_347 : memref<1x256x32xf32, #tpu.memory_space<vmem>> -> memref<256x32xf32, #tpu.memory_space<vmem>>
        %dma_start3A_349 = arith.constant 0 : i32
        %dma_start3A_350 = tpu.memref_slice %arg2[%add3A_342, %dma_start3A_349] : memref<163840x32xf32, #tpu.memory_space<hbm>> -> memref<256x32xf32, #tpu.memory_space<hbm>>
        %dma_start3A_351 = tpu.memref_slice %arg9[%dma_start3A_344] : memref<4x!tpu.dma_semaphore, #tpu.memory_space<semaphore_mem>> -> memref<1x!tpu.dma_semaphore, #tpu.memory_space<semaphore_mem>>
        %dma_start3A_352 = tpu.memref_squeeze %dma_start3A_351 : memref<1x!tpu.dma_semaphore, #tpu.memory_space<semaphore_mem>> -> memref<!tpu.dma_semaphore, #tpu.memory_space<semaphore_mem>>
        %dma_start3A_353 = arith.constant 0 : i32
        %dma_start3A_354 = arith.constant 0 : i32
        %dma_start3A_355 = tpu.memref_slice %arg7[%dma_start3A_343, %dma_start3A_353, %dma_start3A_354] : memref<4x256x32xf32, #tpu.memory_space<vmem>> -> memref<1x256x32xf32, #tpu.memory_space<vmem>>
        %dma_start3A_356 = tpu.memref_squeeze %dma_start3A_355 : memref<1x256x32xf32, #tpu.memory_space<vmem>> -> memref<256x32xf32, #tpu.memory_space<vmem>>
        %dma_start3A_357 = arith.constant 0 : i32
        %dma_start3A_358 = tpu.memref_slice %arg2[%add3A_342, %dma_start3A_357] : memref<163840x32xf32, #tpu.memory_space<hbm>> -> memref<256x32xf32, #tpu.memory_space<hbm>>
        tpu.enqueue_dma source(%dma_start3A_358 : memref<256x32xf32, #tpu.memory_space<hbm>>) target(%dma_start3A_356 : memref<256x32xf32, #tpu.memory_space<vmem>>) target_semaphore(%dma_start3A_352 : memref<!tpu.dma_semaphore, #tpu.memory_space<semaphore_mem>>)
      } else {
      }
      %mul3A_191 = arith.constant 4 : i32
      %mul3A_192 = arith.muli %scan3A_148, %mul3A_191 : i32
      %add3A_193 = arith.constant 1 : i32
      %add3A_194 = arith.addi %mul3A_192, %add3A_193 : i32
      %mul3A_195 = arith.constant 256 : i32
      %mul3A_196 = arith.muli %add3A_194, %mul3A_195 : i32
      %add3A_197 = arith.addi %mul3A_6, %mul3A_196 : i32
      %dma_wait3A_198 = arith.constant 1 : i32
      %dma_wait3A_199 = arith.constant 1 : i32
      %dma_wait3A_200 = arith.constant 0 : i32
      %dma_wait3A_201 = arith.constant 0 : i32
      %dma_wait3A_202 = tpu.memref_slice %arg7[%dma_wait3A_198, %dma_wait3A_200, %dma_wait3A_201] : memref<4x256x32xf32, #tpu.memory_space<vmem>> -> memref<1x256x32xf32, #tpu.memory_space<vmem>>
      %dma_wait3A_203 = tpu.memref_squeeze %dma_wait3A_202 : memref<1x256x32xf32, #tpu.memory_space<vmem>> -> memref<256x32xf32, #tpu.memory_space<vmem>>
      %dma_wait3A_204 = arith.constant 0 : i32
      %dma_wait3A_205 = tpu.memref_slice %arg2[%add3A_197, %dma_wait3A_204] : memref<163840x32xf32, #tpu.memory_space<hbm>> -> memref<256x32xf32, #tpu.memory_space<hbm>>
      %dma_wait3A_206 = tpu.memref_slice %arg9[%dma_wait3A_199] : memref<4x!tpu.dma_semaphore, #tpu.memory_space<semaphore_mem>> -> memref<1x!tpu.dma_semaphore, #tpu.memory_space<semaphore_mem>>
      %dma_wait3A_207 = tpu.memref_squeeze %dma_wait3A_206 : memref<1x!tpu.dma_semaphore, #tpu.memory_space<semaphore_mem>> -> memref<!tpu.dma_semaphore, #tpu.memory_space<semaphore_mem>>
      %dma_wait3A_208 = arith.constant 0 : i32
      %dma_wait3A_209 = arith.constant 0 : i32
      %dma_wait3A_210 = tpu.memref_slice %arg7[%dma_wait3A_198, %dma_wait3A_208, %dma_wait3A_209] : memref<4x256x32xf32, #tpu.memory_space<vmem>> -> memref<1x256x32xf32, #tpu.memory_space<vmem>>
      %dma_wait3A_211 = tpu.memref_squeeze %dma_wait3A_210 : memref<1x256x32xf32, #tpu.memory_space<vmem>> -> memref<256x32xf32, #tpu.memory_space<vmem>>
      %dma_wait3A_212 = arith.constant 0 : i32
      %dma_wait3A_213 = tpu.memref_slice %arg2[%add3A_197, %dma_wait3A_212] : memref<163840x32xf32, #tpu.memory_space<hbm>> -> memref<256x32xf32, #tpu.memory_space<hbm>>
      tpu.wait_dma2 semaphore(%dma_wait3A_207 : memref<!tpu.dma_semaphore, #tpu.memory_space<semaphore_mem>>) src(%dma_wait3A_213 : memref<256x32xf32, #tpu.memory_space<hbm>>) dst(%dma_wait3A_211 : memref<256x32xf32, #tpu.memory_space<vmem>>)
      %dma_start3A_214 = arith.constant 1 : i32
      %dma_start3A_215 = arith.constant 1 : i32
      %dma_start3A_216 = arith.constant 0 : i32
      %dma_start3A_217 = arith.constant 0 : i32
      %dma_start3A_218 = tpu.memref_slice %arg7[%dma_start3A_214, %dma_start3A_216, %dma_start3A_217] : memref<4x256x32xf32, #tpu.memory_space<vmem>> -> memref<1x256x32xf32, #tpu.memory_space<vmem>>
      %dma_start3A_219 = tpu.memref_squeeze %dma_start3A_218 : memref<1x256x32xf32, #tpu.memory_space<vmem>> -> memref<256x32xf32, #tpu.memory_space<vmem>>
      %dma_start3A_220 = arith.constant 0 : i32
      %dma_start3A_221 = tpu.memref_slice %arg6[%add3A_194, %dma_start3A_220] : memref<20x256xi32, #tpu.memory_space<vmem>> -> memref<1x256xi32, #tpu.memory_space<vmem>>
      %dma_start3A_222 = tpu.memref_squeeze %dma_start3A_221 : memref<1x256xi32, #tpu.memory_space<vmem>> -> memref<256xi32, #tpu.memory_space<vmem>>
      %dma_start3A_223 = arith.constant 0 : i32
      %dma_start3A_224 = arith.constant 0 : i32
      %dma_start3A_225 = tpu.memref_slice %arg8[%dma_start3A_223, %dma_start3A_224] : memref<10000x32xf32, #tpu.memory_space<vmem_shared>> -> memref<10000x32xf32, #tpu.memory_space<vmem_shared>>
      %dma_start3A_226 = tpu.memref_slice %arg10[%dma_start3A_215] : memref<4x!tpu.dma_semaphore, #tpu.memory_space<semaphore_mem>> -> memref<1x!tpu.dma_semaphore, #tpu.memory_space<semaphore_mem>>
      %dma_start3A_227 = tpu.memref_squeeze %dma_start3A_226 : memref<1x!tpu.dma_semaphore, #tpu.memory_space<semaphore_mem>> -> memref<!tpu.dma_semaphore, #tpu.memory_space<semaphore_mem>>
      tpu.enqueue_indirect_dma source(%dma_start3A_219 : memref<256x32xf32, #tpu.memory_space<vmem>>) target(%dma_start3A_225 : memref<10000x32xf32, #tpu.memory_space<vmem_shared>>) offsets(%dma_start3A_222 : memref<256xi32, #tpu.memory_space<vmem>>) semaphore(%dma_start3A_227 : memref<!tpu.dma_semaphore, #tpu.memory_space<semaphore_mem>>) {add = true}
      %add3A_228 = arith.constant 4 : i32
      %add3A_229 = arith.addi %add3A_194, %add3A_228 : i32
      %lt3A_230 = arith.constant 20 : i32
      %lt3A_231 = arith.cmpi slt, %add3A_229, %lt3A_230 : i32
      %convert_element_type3A_232 = arith.extui %lt3A_231 : i1 to i32
      %cond3A_233 = arith.constant 0 : i32
      %cond3A_234 = arith.cmpi ne, %convert_element_type3A_232, %cond3A_233 : i32
      scf.if %cond3A_234 {
        %dma_wait3A_324 = arith.constant 1 : i32
        %dma_wait3A_325 = arith.constant 1 : i32
        %dma_wait3A_326 = arith.constant 0 : i32
        %dma_wait3A_327 = arith.constant 0 : i32
        %dma_wait3A_328 = tpu.memref_slice %arg7[%dma_wait3A_324, %dma_wait3A_326, %dma_wait3A_327] : memref<4x256x32xf32, #tpu.memory_space<vmem>> -> memref<1x256x32xf32, #tpu.memory_space<vmem>>
        %dma_wait3A_329 = tpu.memref_squeeze %dma_wait3A_328 : memref<1x256x32xf32, #tpu.memory_space<vmem>> -> memref<256x32xf32, #tpu.memory_space<vmem>>
        %dma_wait3A_330 = arith.constant 0 : i32
        %dma_wait3A_331 = tpu.memref_slice %arg6[%add3A_194, %dma_wait3A_330] : memref<20x256xi32, #tpu.memory_space<vmem>> -> memref<1x256xi32, #tpu.memory_space<vmem>>
        %dma_wait3A_332 = tpu.memref_squeeze %dma_wait3A_331 : memref<1x256xi32, #tpu.memory_space<vmem>> -> memref<256xi32, #tpu.memory_space<vmem>>
        %dma_wait3A_333 = arith.constant 0 : i32
        %dma_wait3A_334 = arith.constant 0 : i32
        %dma_wait3A_335 = tpu.memref_slice %arg8[%dma_wait3A_333, %dma_wait3A_334] : memref<10000x32xf32, #tpu.memory_space<vmem_shared>> -> memref<10000x32xf32, #tpu.memory_space<vmem_shared>>
        %dma_wait3A_336 = tpu.memref_slice %arg10[%dma_wait3A_325] : memref<4x!tpu.dma_semaphore, #tpu.memory_space<semaphore_mem>> -> memref<1x!tpu.dma_semaphore, #tpu.memory_space<semaphore_mem>>
        %dma_wait3A_337 = tpu.memref_squeeze %dma_wait3A_336 : memref<1x!tpu.dma_semaphore, #tpu.memory_space<semaphore_mem>> -> memref<!tpu.dma_semaphore, #tpu.memory_space<semaphore_mem>>
        tpu.wait_indirect_dma semaphore(%dma_wait3A_337 : memref<!tpu.dma_semaphore, #tpu.memory_space<semaphore_mem>>) src(%dma_wait3A_329 : memref<256x32xf32, #tpu.memory_space<vmem>>) dst(%dma_wait3A_335 : memref<10000x32xf32, #tpu.memory_space<vmem_shared>>)
        %add3A_338 = arith.constant 4 : i32
        %add3A_339 = arith.addi %add3A_194, %add3A_338 : i32
        %mul3A_340 = arith.constant 256 : i32
        %mul3A_341 = arith.muli %add3A_339, %mul3A_340 : i32
        %add3A_342 = arith.addi %mul3A_6, %mul3A_341 : i32
        %dma_start3A_343 = arith.constant 1 : i32
        %dma_start3A_344 = arith.constant 1 : i32
        %dma_start3A_345 = arith.constant 0 : i32
        %dma_start3A_346 = arith.constant 0 : i32
        %dma_start3A_347 = tpu.memref_slice %arg7[%dma_start3A_343, %dma_start3A_345, %dma_start3A_346] : memref<4x256x32xf32, #tpu.memory_space<vmem>> -> memref<1x256x32xf32, #tpu.memory_space<vmem>>
        %dma_start3A_348 = tpu.memref_squeeze %dma_start3A_347 : memref<1x256x32xf32, #tpu.memory_space<vmem>> -> memref<256x32xf32, #tpu.memory_space<vmem>>
        %dma_start3A_349 = arith.constant 0 : i32
        %dma_start3A_350 = tpu.memref_slice %arg2[%add3A_342, %dma_start3A_349] : memref<163840x32xf32, #tpu.memory_space<hbm>> -> memref<256x32xf32, #tpu.memory_space<hbm>>
        %dma_start3A_351 = tpu.memref_slice %arg9[%dma_start3A_344] : memref<4x!tpu.dma_semaphore, #tpu.memory_space<semaphore_mem>> -> memref<1x!tpu.dma_semaphore, #tpu.memory_space<semaphore_mem>>
        %dma_start3A_352 = tpu.memref_squeeze %dma_start3A_351 : memref<1x!tpu.dma_semaphore, #tpu.memory_space<semaphore_mem>> -> memref<!tpu.dma_semaphore, #tpu.memory_space<semaphore_mem>>
        %dma_start3A_353 = arith.constant 0 : i32
        %dma_start3A_354 = arith.constant 0 : i32
        %dma_start3A_355 = tpu.memref_slice %arg7[%dma_start3A_343, %dma_start3A_353, %dma_start3A_354] : memref<4x256x32xf32, #tpu.memory_space<vmem>> -> memref<1x256x32xf32, #tpu.memory_space<vmem>>
        %dma_start3A_356 = tpu.memref_squeeze %dma_start3A_355 : memref<1x256x32xf32, #tpu.memory_space<vmem>> -> memref<256x32xf32, #tpu.memory_space<vmem>>
        %dma_start3A_357 = arith.constant 0 : i32
        %dma_start3A_358 = tpu.memref_slice %arg2[%add3A_342, %dma_start3A_357] : memref<163840x32xf32, #tpu.memory_space<hbm>> -> memref<256x32xf32, #tpu.memory_space<hbm>>
        tpu.enqueue_dma source(%dma_start3A_358 : memref<256x32xf32, #tpu.memory_space<hbm>>) target(%dma_start3A_356 : memref<256x32xf32, #tpu.memory_space<vmem>>) target_semaphore(%dma_start3A_352 : memref<!tpu.dma_semaphore, #tpu.memory_space<semaphore_mem>>)
      } else {
      }
      %mul3A_235 = arith.constant 4 : i32
      %mul3A_236 = arith.muli %scan3A_148, %mul3A_235 : i32
      %add3A_237 = arith.constant 2 : i32
      %add3A_238 = arith.addi %mul3A_236, %add3A_237 : i32
      %mul3A_239 = arith.constant 256 : i32
      %mul3A_240 = arith.muli %add3A_238, %mul3A_239 : i32
      %add3A_241 = arith.addi %mul3A_6, %mul3A_240 : i32
      %dma_wait3A_242 = arith.constant 2 : i32
      %dma_wait3A_243 = arith.constant 2 : i32
      %dma_wait3A_244 = arith.constant 0 : i32
      %dma_wait3A_245 = arith.constant 0 : i32
      %dma_wait3A_246 = tpu.memref_slice %arg7[%dma_wait3A_242, %dma_wait3A_244, %dma_wait3A_245] : memref<4x256x32xf32, #tpu.memory_space<vmem>> -> memref<1x256x32xf32, #tpu.memory_space<vmem>>
      %dma_wait3A_247 = tpu.memref_squeeze %dma_wait3A_246 : memref<1x256x32xf32, #tpu.memory_space<vmem>> -> memref<256x32xf32, #tpu.memory_space<vmem>>
      %dma_wait3A_248 = arith.constant 0 : i32
      %dma_wait3A_249 = tpu.memref_slice %arg2[%add3A_241, %dma_wait3A_248] : memref<163840x32xf32, #tpu.memory_space<hbm>> -> memref<256x32xf32, #tpu.memory_space<hbm>>
      %dma_wait3A_250 = tpu.memref_slice %arg9[%dma_wait3A_243] : memref<4x!tpu.dma_semaphore, #tpu.memory_space<semaphore_mem>> -> memref<1x!tpu.dma_semaphore, #tpu.memory_space<semaphore_mem>>
      %dma_wait3A_251 = tpu.memref_squeeze %dma_wait3A_250 : memref<1x!tpu.dma_semaphore, #tpu.memory_space<semaphore_mem>> -> memref<!tpu.dma_semaphore, #tpu.memory_space<semaphore_mem>>
      %dma_wait3A_252 = arith.constant 0 : i32
      %dma_wait3A_253 = arith.constant 0 : i32
      %dma_wait3A_254 = tpu.memref_slice %arg7[%dma_wait3A_242, %dma_wait3A_252, %dma_wait3A_253] : memref<4x256x32xf32, #tpu.memory_space<vmem>> -> memref<1x256x32xf32, #tpu.memory_space<vmem>>
      %dma_wait3A_255 = tpu.memref_squeeze %dma_wait3A_254 : memref<1x256x32xf32, #tpu.memory_space<vmem>> -> memref<256x32xf32, #tpu.memory_space<vmem>>
      %dma_wait3A_256 = arith.constant 0 : i32
      %dma_wait3A_257 = tpu.memref_slice %arg2[%add3A_241, %dma_wait3A_256] : memref<163840x32xf32, #tpu.memory_space<hbm>> -> memref<256x32xf32, #tpu.memory_space<hbm>>
      tpu.wait_dma2 semaphore(%dma_wait3A_251 : memref<!tpu.dma_semaphore, #tpu.memory_space<semaphore_mem>>) src(%dma_wait3A_257 : memref<256x32xf32, #tpu.memory_space<hbm>>) dst(%dma_wait3A_255 : memref<256x32xf32, #tpu.memory_space<vmem>>)
      %dma_start3A_258 = arith.constant 2 : i32
      %dma_start3A_259 = arith.constant 2 : i32
      %dma_start3A_260 = arith.constant 0 : i32
      %dma_start3A_261 = arith.constant 0 : i32
      %dma_start3A_262 = tpu.memref_slice %arg7[%dma_start3A_258, %dma_start3A_260, %dma_start3A_261] : memref<4x256x32xf32, #tpu.memory_space<vmem>> -> memref<1x256x32xf32, #tpu.memory_space<vmem>>
      %dma_start3A_263 = tpu.memref_squeeze %dma_start3A_262 : memref<1x256x32xf32, #tpu.memory_space<vmem>> -> memref<256x32xf32, #tpu.memory_space<vmem>>
      %dma_start3A_264 = arith.constant 0 : i32
      %dma_start3A_265 = tpu.memref_slice %arg6[%add3A_238, %dma_start3A_264] : memref<20x256xi32, #tpu.memory_space<vmem>> -> memref<1x256xi32, #tpu.memory_space<vmem>>
      %dma_start3A_266 = tpu.memref_squeeze %dma_start3A_265 : memref<1x256xi32, #tpu.memory_space<vmem>> -> memref<256xi32, #tpu.memory_space<vmem>>
      %dma_start3A_267 = arith.constant 0 : i32
      %dma_start3A_268 = arith.constant 0 : i32
      %dma_start3A_269 = tpu.memref_slice %arg8[%dma_start3A_267, %dma_start3A_268] : memref<10000x32xf32, #tpu.memory_space<vmem_shared>> -> memref<10000x32xf32, #tpu.memory_space<vmem_shared>>
      %dma_start3A_270 = tpu.memref_slice %arg10[%dma_start3A_259] : memref<4x!tpu.dma_semaphore, #tpu.memory_space<semaphore_mem>> -> memref<1x!tpu.dma_semaphore, #tpu.memory_space<semaphore_mem>>
      %dma_start3A_271 = tpu.memref_squeeze %dma_start3A_270 : memref<1x!tpu.dma_semaphore, #tpu.memory_space<semaphore_mem>> -> memref<!tpu.dma_semaphore, #tpu.memory_space<semaphore_mem>>
      tpu.enqueue_indirect_dma source(%dma_start3A_263 : memref<256x32xf32, #tpu.memory_space<vmem>>) target(%dma_start3A_269 : memref<10000x32xf32, #tpu.memory_space<vmem_shared>>) offsets(%dma_start3A_266 : memref<256xi32, #tpu.memory_space<vmem>>) semaphore(%dma_start3A_271 : memref<!tpu.dma_semaphore, #tpu.memory_space<semaphore_mem>>) {add = true}
      %add3A_272 = arith.constant 4 : i32
      %add3A_273 = arith.addi %add3A_238, %add3A_272 : i32
      %lt3A_274 = arith.constant 20 : i32
      %lt3A_275 = arith.cmpi slt, %add3A_273, %lt3A_274 : i32
      %convert_element_type3A_276 = arith.extui %lt3A_275 : i1 to i32
      %cond3A_277 = arith.constant 0 : i32
      %cond3A_278 = arith.cmpi ne, %convert_element_type3A_276, %cond3A_277 : i32
      scf.if %cond3A_278 {
        %dma_wait3A_324 = arith.constant 2 : i32
        %dma_wait3A_325 = arith.constant 2 : i32
        %dma_wait3A_326 = arith.constant 0 : i32
        %dma_wait3A_327 = arith.constant 0 : i32
        %dma_wait3A_328 = tpu.memref_slice %arg7[%dma_wait3A_324, %dma_wait3A_326, %dma_wait3A_327] : memref<4x256x32xf32, #tpu.memory_space<vmem>> -> memref<1x256x32xf32, #tpu.memory_space<vmem>>
        %dma_wait3A_329 = tpu.memref_squeeze %dma_wait3A_328 : memref<1x256x32xf32, #tpu.memory_space<vmem>> -> memref<256x32xf32, #tpu.memory_space<vmem>>
        %dma_wait3A_330 = arith.constant 0 : i32
        %dma_wait3A_331 = tpu.memref_slice %arg6[%add3A_238, %dma_wait3A_330] : memref<20x256xi32, #tpu.memory_space<vmem>> -> memref<1x256xi32, #tpu.memory_space<vmem>>
        %dma_wait3A_332 = tpu.memref_squeeze %dma_wait3A_331 : memref<1x256xi32, #tpu.memory_space<vmem>> -> memref<256xi32, #tpu.memory_space<vmem>>
        %dma_wait3A_333 = arith.constant 0 : i32
        %dma_wait3A_334 = arith.constant 0 : i32
        %dma_wait3A_335 = tpu.memref_slice %arg8[%dma_wait3A_333, %dma_wait3A_334] : memref<10000x32xf32, #tpu.memory_space<vmem_shared>> -> memref<10000x32xf32, #tpu.memory_space<vmem_shared>>
        %dma_wait3A_336 = tpu.memref_slice %arg10[%dma_wait3A_325] : memref<4x!tpu.dma_semaphore, #tpu.memory_space<semaphore_mem>> -> memref<1x!tpu.dma_semaphore, #tpu.memory_space<semaphore_mem>>
        %dma_wait3A_337 = tpu.memref_squeeze %dma_wait3A_336 : memref<1x!tpu.dma_semaphore, #tpu.memory_space<semaphore_mem>> -> memref<!tpu.dma_semaphore, #tpu.memory_space<semaphore_mem>>
        tpu.wait_indirect_dma semaphore(%dma_wait3A_337 : memref<!tpu.dma_semaphore, #tpu.memory_space<semaphore_mem>>) src(%dma_wait3A_329 : memref<256x32xf32, #tpu.memory_space<vmem>>) dst(%dma_wait3A_335 : memref<10000x32xf32, #tpu.memory_space<vmem_shared>>)
        %add3A_338 = arith.constant 4 : i32
        %add3A_339 = arith.addi %add3A_238, %add3A_338 : i32
        %mul3A_340 = arith.constant 256 : i32
        %mul3A_341 = arith.muli %add3A_339, %mul3A_340 : i32
        %add3A_342 = arith.addi %mul3A_6, %mul3A_341 : i32
        %dma_start3A_343 = arith.constant 2 : i32
        %dma_start3A_344 = arith.constant 2 : i32
        %dma_start3A_345 = arith.constant 0 : i32
        %dma_start3A_346 = arith.constant 0 : i32
        %dma_start3A_347 = tpu.memref_slice %arg7[%dma_start3A_343, %dma_start3A_345, %dma_start3A_346] : memref<4x256x32xf32, #tpu.memory_space<vmem>> -> memref<1x256x32xf32, #tpu.memory_space<vmem>>
        %dma_start3A_348 = tpu.memref_squeeze %dma_start3A_347 : memref<1x256x32xf32, #tpu.memory_space<vmem>> -> memref<256x32xf32, #tpu.memory_space<vmem>>
        %dma_start3A_349 = arith.constant 0 : i32
        %dma_start3A_350 = tpu.memref_slice %arg2[%add3A_342, %dma_start3A_349] : memref<163840x32xf32, #tpu.memory_space<hbm>> -> memref<256x32xf32, #tpu.memory_space<hbm>>
        %dma_start3A_351 = tpu.memref_slice %arg9[%dma_start3A_344] : memref<4x!tpu.dma_semaphore, #tpu.memory_space<semaphore_mem>> -> memref<1x!tpu.dma_semaphore, #tpu.memory_space<semaphore_mem>>
        %dma_start3A_352 = tpu.memref_squeeze %dma_start3A_351 : memref<1x!tpu.dma_semaphore, #tpu.memory_space<semaphore_mem>> -> memref<!tpu.dma_semaphore, #tpu.memory_space<semaphore_mem>>
        %dma_start3A_353 = arith.constant 0 : i32
        %dma_start3A_354 = arith.constant 0 : i32
        %dma_start3A_355 = tpu.memref_slice %arg7[%dma_start3A_343, %dma_start3A_353, %dma_start3A_354] : memref<4x256x32xf32, #tpu.memory_space<vmem>> -> memref<1x256x32xf32, #tpu.memory_space<vmem>>
        %dma_start3A_356 = tpu.memref_squeeze %dma_start3A_355 : memref<1x256x32xf32, #tpu.memory_space<vmem>> -> memref<256x32xf32, #tpu.memory_space<vmem>>
        %dma_start3A_357 = arith.constant 0 : i32
        %dma_start3A_358 = tpu.memref_slice %arg2[%add3A_342, %dma_start3A_357] : memref<163840x32xf32, #tpu.memory_space<hbm>> -> memref<256x32xf32, #tpu.memory_space<hbm>>
        tpu.enqueue_dma source(%dma_start3A_358 : memref<256x32xf32, #tpu.memory_space<hbm>>) target(%dma_start3A_356 : memref<256x32xf32, #tpu.memory_space<vmem>>) target_semaphore(%dma_start3A_352 : memref<!tpu.dma_semaphore, #tpu.memory_space<semaphore_mem>>)
      } else {
      }
      %mul3A_279 = arith.constant 4 : i32
      %mul3A_280 = arith.muli %scan3A_148, %mul3A_279 : i32
      %add3A_281 = arith.constant 3 : i32
      %add3A_282 = arith.addi %mul3A_280, %add3A_281 : i32
      %mul3A_283 = arith.constant 256 : i32
      %mul3A_284 = arith.muli %add3A_282, %mul3A_283 : i32
      %add3A_285 = arith.addi %mul3A_6, %mul3A_284 : i32
      %dma_wait3A_286 = arith.constant 3 : i32
      %dma_wait3A_287 = arith.constant 3 : i32
      %dma_wait3A_288 = arith.constant 0 : i32
      %dma_wait3A_289 = arith.constant 0 : i32
      %dma_wait3A_290 = tpu.memref_slice %arg7[%dma_wait3A_286, %dma_wait3A_288, %dma_wait3A_289] : memref<4x256x32xf32, #tpu.memory_space<vmem>> -> memref<1x256x32xf32, #tpu.memory_space<vmem>>
      %dma_wait3A_291 = tpu.memref_squeeze %dma_wait3A_290 : memref<1x256x32xf32, #tpu.memory_space<vmem>> -> memref<256x32xf32, #tpu.memory_space<vmem>>
      %dma_wait3A_292 = arith.constant 0 : i32
      %dma_wait3A_293 = tpu.memref_slice %arg2[%add3A_285, %dma_wait3A_292] : memref<163840x32xf32, #tpu.memory_space<hbm>> -> memref<256x32xf32, #tpu.memory_space<hbm>>
      %dma_wait3A_294 = tpu.memref_slice %arg9[%dma_wait3A_287] : memref<4x!tpu.dma_semaphore, #tpu.memory_space<semaphore_mem>> -> memref<1x!tpu.dma_semaphore, #tpu.memory_space<semaphore_mem>>
      %dma_wait3A_295 = tpu.memref_squeeze %dma_wait3A_294 : memref<1x!tpu.dma_semaphore, #tpu.memory_space<semaphore_mem>> -> memref<!tpu.dma_semaphore, #tpu.memory_space<semaphore_mem>>
      %dma_wait3A_296 = arith.constant 0 : i32
      %dma_wait3A_297 = arith.constant 0 : i32
      %dma_wait3A_298 = tpu.memref_slice %arg7[%dma_wait3A_286, %dma_wait3A_296, %dma_wait3A_297] : memref<4x256x32xf32, #tpu.memory_space<vmem>> -> memref<1x256x32xf32, #tpu.memory_space<vmem>>
      %dma_wait3A_299 = tpu.memref_squeeze %dma_wait3A_298 : memref<1x256x32xf32, #tpu.memory_space<vmem>> -> memref<256x32xf32, #tpu.memory_space<vmem>>
      %dma_wait3A_300 = arith.constant 0 : i32
      %dma_wait3A_301 = tpu.memref_slice %arg2[%add3A_285, %dma_wait3A_300] : memref<163840x32xf32, #tpu.memory_space<hbm>> -> memref<256x32xf32, #tpu.memory_space<hbm>>
      tpu.wait_dma2 semaphore(%dma_wait3A_295 : memref<!tpu.dma_semaphore, #tpu.memory_space<semaphore_mem>>) src(%dma_wait3A_301 : memref<256x32xf32, #tpu.memory_space<hbm>>) dst(%dma_wait3A_299 : memref<256x32xf32, #tpu.memory_space<vmem>>)
      %dma_start3A_302 = arith.constant 3 : i32
      %dma_start3A_303 = arith.constant 3 : i32
      %dma_start3A_304 = arith.constant 0 : i32
      %dma_start3A_305 = arith.constant 0 : i32
      %dma_start3A_306 = tpu.memref_slice %arg7[%dma_start3A_302, %dma_start3A_304, %dma_start3A_305] : memref<4x256x32xf32, #tpu.memory_space<vmem>> -> memref<1x256x32xf32, #tpu.memory_space<vmem>>
      %dma_start3A_307 = tpu.memref_squeeze %dma_start3A_306 : memref<1x256x32xf32, #tpu.memory_space<vmem>> -> memref<256x32xf32, #tpu.memory_space<vmem>>
      %dma_start3A_308 = arith.constant 0 : i32
      %dma_start3A_309 = tpu.memref_slice %arg6[%add3A_282, %dma_start3A_308] : memref<20x256xi32, #tpu.memory_space<vmem>> -> memref<1x256xi32, #tpu.memory_space<vmem>>
      %dma_start3A_310 = tpu.memref_squeeze %dma_start3A_309 : memref<1x256xi32, #tpu.memory_space<vmem>> -> memref<256xi32, #tpu.memory_space<vmem>>
      %dma_start3A_311 = arith.constant 0 : i32
      %dma_start3A_312 = arith.constant 0 : i32
      %dma_start3A_313 = tpu.memref_slice %arg8[%dma_start3A_311, %dma_start3A_312] : memref<10000x32xf32, #tpu.memory_space<vmem_shared>> -> memref<10000x32xf32, #tpu.memory_space<vmem_shared>>
      %dma_start3A_314 = tpu.memref_slice %arg10[%dma_start3A_303] : memref<4x!tpu.dma_semaphore, #tpu.memory_space<semaphore_mem>> -> memref<1x!tpu.dma_semaphore, #tpu.memory_space<semaphore_mem>>
      %dma_start3A_315 = tpu.memref_squeeze %dma_start3A_314 : memref<1x!tpu.dma_semaphore, #tpu.memory_space<semaphore_mem>> -> memref<!tpu.dma_semaphore, #tpu.memory_space<semaphore_mem>>
      tpu.enqueue_indirect_dma source(%dma_start3A_307 : memref<256x32xf32, #tpu.memory_space<vmem>>) target(%dma_start3A_313 : memref<10000x32xf32, #tpu.memory_space<vmem_shared>>) offsets(%dma_start3A_310 : memref<256xi32, #tpu.memory_space<vmem>>) semaphore(%dma_start3A_315 : memref<!tpu.dma_semaphore, #tpu.memory_space<semaphore_mem>>) {add = true}
      %add3A_316 = arith.constant 4 : i32
      %add3A_317 = arith.addi %add3A_282, %add3A_316 : i32
      %lt3A_318 = arith.constant 20 : i32
      %lt3A_319 = arith.cmpi slt, %add3A_317, %lt3A_318 : i32
      %convert_element_type3A_320 = arith.extui %lt3A_319 : i1 to i32
      %cond3A_321 = arith.constant 0 : i32
      %cond3A_322 = arith.cmpi ne, %convert_element_type3A_320, %cond3A_321 : i32
      scf.if %cond3A_322 {
        %dma_wait3A_324 = arith.constant 3 : i32
        %dma_wait3A_325 = arith.constant 3 : i32
        %dma_wait3A_326 = arith.constant 0 : i32
        %dma_wait3A_327 = arith.constant 0 : i32
        %dma_wait3A_328 = tpu.memref_slice %arg7[%dma_wait3A_324, %dma_wait3A_326, %dma_wait3A_327] : memref<4x256x32xf32, #tpu.memory_space<vmem>> -> memref<1x256x32xf32, #tpu.memory_space<vmem>>
        %dma_wait3A_329 = tpu.memref_squeeze %dma_wait3A_328 : memref<1x256x32xf32, #tpu.memory_space<vmem>> -> memref<256x32xf32, #tpu.memory_space<vmem>>
        %dma_wait3A_330 = arith.constant 0 : i32
        %dma_wait3A_331 = tpu.memref_slice %arg6[%add3A_282, %dma_wait3A_330] : memref<20x256xi32, #tpu.memory_space<vmem>> -> memref<1x256xi32, #tpu.memory_space<vmem>>
        %dma_wait3A_332 = tpu.memref_squeeze %dma_wait3A_331 : memref<1x256xi32, #tpu.memory_space<vmem>> -> memref<256xi32, #tpu.memory_space<vmem>>
        %dma_wait3A_333 = arith.constant 0 : i32
        %dma_wait3A_334 = arith.constant 0 : i32
        %dma_wait3A_335 = tpu.memref_slice %arg8[%dma_wait3A_333, %dma_wait3A_334] : memref<10000x32xf32, #tpu.memory_space<vmem_shared>> -> memref<10000x32xf32, #tpu.memory_space<vmem_shared>>
        %dma_wait3A_336 = tpu.memref_slice %arg10[%dma_wait3A_325] : memref<4x!tpu.dma_semaphore, #tpu.memory_space<semaphore_mem>> -> memref<1x!tpu.dma_semaphore, #tpu.memory_space<semaphore_mem>>
        %dma_wait3A_337 = tpu.memref_squeeze %dma_wait3A_336 : memref<1x!tpu.dma_semaphore, #tpu.memory_space<semaphore_mem>> -> memref<!tpu.dma_semaphore, #tpu.memory_space<semaphore_mem>>
        tpu.wait_indirect_dma semaphore(%dma_wait3A_337 : memref<!tpu.dma_semaphore, #tpu.memory_space<semaphore_mem>>) src(%dma_wait3A_329 : memref<256x32xf32, #tpu.memory_space<vmem>>) dst(%dma_wait3A_335 : memref<10000x32xf32, #tpu.memory_space<vmem_shared>>)
        %add3A_338 = arith.constant 4 : i32
        %add3A_339 = arith.addi %add3A_282, %add3A_338 : i32
        %mul3A_340 = arith.constant 256 : i32
        %mul3A_341 = arith.muli %add3A_339, %mul3A_340 : i32
        %add3A_342 = arith.addi %mul3A_6, %mul3A_341 : i32
        %dma_start3A_343 = arith.constant 3 : i32
        %dma_start3A_344 = arith.constant 3 : i32
        %dma_start3A_345 = arith.constant 0 : i32
        %dma_start3A_346 = arith.constant 0 : i32
        %dma_start3A_347 = tpu.memref_slice %arg7[%dma_start3A_343, %dma_start3A_345, %dma_start3A_346] : memref<4x256x32xf32, #tpu.memory_space<vmem>> -> memref<1x256x32xf32, #tpu.memory_space<vmem>>
        %dma_start3A_348 = tpu.memref_squeeze %dma_start3A_347 : memref<1x256x32xf32, #tpu.memory_space<vmem>> -> memref<256x32xf32, #tpu.memory_space<vmem>>
        %dma_start3A_349 = arith.constant 0 : i32
        %dma_start3A_350 = tpu.memref_slice %arg2[%add3A_342, %dma_start3A_349] : memref<163840x32xf32, #tpu.memory_space<hbm>> -> memref<256x32xf32, #tpu.memory_space<hbm>>
        %dma_start3A_351 = tpu.memref_slice %arg9[%dma_start3A_344] : memref<4x!tpu.dma_semaphore, #tpu.memory_space<semaphore_mem>> -> memref<1x!tpu.dma_semaphore, #tpu.memory_space<semaphore_mem>>
        %dma_start3A_352 = tpu.memref_squeeze %dma_start3A_351 : memref<1x!tpu.dma_semaphore, #tpu.memory_space<semaphore_mem>> -> memref<!tpu.dma_semaphore, #tpu.memory_space<semaphore_mem>>
        %dma_start3A_353 = arith.constant 0 : i32
        %dma_start3A_354 = arith.constant 0 : i32
        %dma_start3A_355 = tpu.memref_slice %arg7[%dma_start3A_343, %dma_start3A_353, %dma_start3A_354] : memref<4x256x32xf32, #tpu.memory_space<vmem>> -> memref<1x256x32xf32, #tpu.memory_space<vmem>>
        %dma_start3A_356 = tpu.memref_squeeze %dma_start3A_355 : memref<1x256x32xf32, #tpu.memory_space<vmem>> -> memref<256x32xf32, #tpu.memory_space<vmem>>
        %dma_start3A_357 = arith.constant 0 : i32
        %dma_start3A_358 = tpu.memref_slice %arg2[%add3A_342, %dma_start3A_357] : memref<163840x32xf32, #tpu.memory_space<hbm>> -> memref<256x32xf32, #tpu.memory_space<hbm>>
        tpu.enqueue_dma source(%dma_start3A_358 : memref<256x32xf32, #tpu.memory_space<hbm>>) target(%dma_start3A_356 : memref<256x32xf32, #tpu.memory_space<vmem>>) target_semaphore(%dma_start3A_352 : memref<!tpu.dma_semaphore, #tpu.memory_space<semaphore_mem>>)
      } else {
      }
      %scan3A_323 = arith.constant 0 : i32
      scf.yield %scan3A_323 : i32
    }
    %scan3A_83 = arith.constant 5 : i32
    %dma_wait3A = arith.constant 0 : i32
    %dma_wait3A_84 = arith.constant 16 : i32
    %dma_wait3A_85 = arith.constant 0 : i32
    %dma_wait3A_86 = arith.constant 0 : i32
    %dma_wait3A_87 = arith.constant 0 : i32
    %dma_wait3A_88 = tpu.memref_slice %arg7[%dma_wait3A, %dma_wait3A_86, %dma_wait3A_87] : memref<4x256x32xf32, #tpu.memory_space<vmem>> -> memref<1x256x32xf32, #tpu.memory_space<vmem>>
    %dma_wait3A_89 = tpu.memref_squeeze %dma_wait3A_88 : memref<1x256x32xf32, #tpu.memory_space<vmem>> -> memref<256x32xf32, #tpu.memory_space<vmem>>
    %dma_wait3A_90 = arith.constant 0 : i32
    %dma_wait3A_91 = tpu.memref_slice %arg6[%dma_wait3A_84, %dma_wait3A_90] : memref<20x256xi32, #tpu.memory_space<vmem>> -> memref<1x256xi32, #tpu.memory_space<vmem>>
    %dma_wait3A_92 = tpu.memref_squeeze %dma_wait3A_91 : memref<1x256xi32, #tpu.memory_space<vmem>> -> memref<256xi32, #tpu.memory_space<vmem>>
    %dma_wait3A_93 = arith.constant 0 : i32
    %dma_wait3A_94 = arith.constant 0 : i32
    %dma_wait3A_95 = tpu.memref_slice %arg8[%dma_wait3A_93, %dma_wait3A_94] : memref<10000x32xf32, #tpu.memory_space<vmem_shared>> -> memref<10000x32xf32, #tpu.memory_space<vmem_shared>>
    %dma_wait3A_96 = tpu.memref_slice %arg10[%dma_wait3A_85] : memref<4x!tpu.dma_semaphore, #tpu.memory_space<semaphore_mem>> -> memref<1x!tpu.dma_semaphore, #tpu.memory_space<semaphore_mem>>
    %dma_wait3A_97 = tpu.memref_squeeze %dma_wait3A_96 : memref<1x!tpu.dma_semaphore, #tpu.memory_space<semaphore_mem>> -> memref<!tpu.dma_semaphore, #tpu.memory_space<semaphore_mem>>
    tpu.wait_indirect_dma semaphore(%dma_wait3A_97 : memref<!tpu.dma_semaphore, #tpu.memory_space<semaphore_mem>>) src(%dma_wait3A_89 : memref<256x32xf32, #tpu.memory_space<vmem>>) dst(%dma_wait3A_95 : memref<10000x32xf32, #tpu.memory_space<vmem_shared>>)
    %dma_wait3A_98 = arith.constant 1 : i32
    %dma_wait3A_99 = arith.constant 17 : i32
    %dma_wait3A_100 = arith.constant 1 : i32
    %dma_wait3A_101 = arith.constant 0 : i32
    %dma_wait3A_102 = arith.constant 0 : i32
    %dma_wait3A_103 = tpu.memref_slice %arg7[%dma_wait3A_98, %dma_wait3A_101, %dma_wait3A_102] : memref<4x256x32xf32, #tpu.memory_space<vmem>> -> memref<1x256x32xf32, #tpu.memory_space<vmem>>
    %dma_wait3A_104 = tpu.memref_squeeze %dma_wait3A_103 : memref<1x256x32xf32, #tpu.memory_space<vmem>> -> memref<256x32xf32, #tpu.memory_space<vmem>>
    %dma_wait3A_105 = arith.constant 0 : i32
    %dma_wait3A_106 = tpu.memref_slice %arg6[%dma_wait3A_99, %dma_wait3A_105] : memref<20x256xi32, #tpu.memory_space<vmem>> -> memref<1x256xi32, #tpu.memory_space<vmem>>
    %dma_wait3A_107 = tpu.memref_squeeze %dma_wait3A_106 : memref<1x256xi32, #tpu.memory_space<vmem>> -> memref<256xi32, #tpu.memory_space<vmem>>
    %dma_wait3A_108 = arith.constant 0 : i32
    %dma_wait3A_109 = arith.constant 0 : i32
    %dma_wait3A_110 = tpu.memref_slice %arg8[%dma_wait3A_108, %dma_wait3A_109] : memref<10000x32xf32, #tpu.memory_space<vmem_shared>> -> memref<10000x32xf32, #tpu.memory_space<vmem_shared>>
    %dma_wait3A_111 = tpu.memref_slice %arg10[%dma_wait3A_100] : memref<4x!tpu.dma_semaphore, #tpu.memory_space<semaphore_mem>> -> memref<1x!tpu.dma_semaphore, #tpu.memory_space<semaphore_mem>>
    %dma_wait3A_112 = tpu.memref_squeeze %dma_wait3A_111 : memref<1x!tpu.dma_semaphore, #tpu.memory_space<semaphore_mem>> -> memref<!tpu.dma_semaphore, #tpu.memory_space<semaphore_mem>>
    tpu.wait_indirect_dma semaphore(%dma_wait3A_112 : memref<!tpu.dma_semaphore, #tpu.memory_space<semaphore_mem>>) src(%dma_wait3A_104 : memref<256x32xf32, #tpu.memory_space<vmem>>) dst(%dma_wait3A_110 : memref<10000x32xf32, #tpu.memory_space<vmem_shared>>)
    %dma_wait3A_113 = arith.constant 2 : i32
    %dma_wait3A_114 = arith.constant 18 : i32
    %dma_wait3A_115 = arith.constant 2 : i32
    %dma_wait3A_116 = arith.constant 0 : i32
    %dma_wait3A_117 = arith.constant 0 : i32
    %dma_wait3A_118 = tpu.memref_slice %arg7[%dma_wait3A_113, %dma_wait3A_116, %dma_wait3A_117] : memref<4x256x32xf32, #tpu.memory_space<vmem>> -> memref<1x256x32xf32, #tpu.memory_space<vmem>>
    %dma_wait3A_119 = tpu.memref_squeeze %dma_wait3A_118 : memref<1x256x32xf32, #tpu.memory_space<vmem>> -> memref<256x32xf32, #tpu.memory_space<vmem>>
    %dma_wait3A_120 = arith.constant 0 : i32
    %dma_wait3A_121 = tpu.memref_slice %arg6[%dma_wait3A_114, %dma_wait3A_120] : memref<20x256xi32, #tpu.memory_space<vmem>> -> memref<1x256xi32, #tpu.memory_space<vmem>>
    %dma_wait3A_122 = tpu.memref_squeeze %dma_wait3A_121 : memref<1x256xi32, #tpu.memory_space<vmem>> -> memref<256xi32, #tpu.memory_space<vmem>>
    %dma_wait3A_123 = arith.constant 0 : i32
    %dma_wait3A_124 = arith.constant 0 : i32
    %dma_wait3A_125 = tpu.memref_slice %arg8[%dma_wait3A_123, %dma_wait3A_124] : memref<10000x32xf32, #tpu.memory_space<vmem_shared>> -> memref<10000x32xf32, #tpu.memory_space<vmem_shared>>
    %dma_wait3A_126 = tpu.memref_slice %arg10[%dma_wait3A_115] : memref<4x!tpu.dma_semaphore, #tpu.memory_space<semaphore_mem>> -> memref<1x!tpu.dma_semaphore, #tpu.memory_space<semaphore_mem>>
    %dma_wait3A_127 = tpu.memref_squeeze %dma_wait3A_126 : memref<1x!tpu.dma_semaphore, #tpu.memory_space<semaphore_mem>> -> memref<!tpu.dma_semaphore, #tpu.memory_space<semaphore_mem>>
    tpu.wait_indirect_dma semaphore(%dma_wait3A_127 : memref<!tpu.dma_semaphore, #tpu.memory_space<semaphore_mem>>) src(%dma_wait3A_119 : memref<256x32xf32, #tpu.memory_space<vmem>>) dst(%dma_wait3A_125 : memref<10000x32xf32, #tpu.memory_space<vmem_shared>>)
    %dma_wait3A_128 = arith.constant 3 : i32
    %dma_wait3A_129 = arith.constant 19 : i32
    %dma_wait3A_130 = arith.constant 3 : i32
    %dma_wait3A_131 = arith.constant 0 : i32
    %dma_wait3A_132 = arith.constant 0 : i32
    %dma_wait3A_133 = tpu.memref_slice %arg7[%dma_wait3A_128, %dma_wait3A_131, %dma_wait3A_132] : memref<4x256x32xf32, #tpu.memory_space<vmem>> -> memref<1x256x32xf32, #tpu.memory_space<vmem>>
    %dma_wait3A_134 = tpu.memref_squeeze %dma_wait3A_133 : memref<1x256x32xf32, #tpu.memory_space<vmem>> -> memref<256x32xf32, #tpu.memory_space<vmem>>
    %dma_wait3A_135 = arith.constant 0 : i32
    %dma_wait3A_136 = tpu.memref_slice %arg6[%dma_wait3A_129, %dma_wait3A_135] : memref<20x256xi32, #tpu.memory_space<vmem>> -> memref<1x256xi32, #tpu.memory_space<vmem>>
    %dma_wait3A_137 = tpu.memref_squeeze %dma_wait3A_136 : memref<1x256xi32, #tpu.memory_space<vmem>> -> memref<256xi32, #tpu.memory_space<vmem>>
    %dma_wait3A_138 = arith.constant 0 : i32
    %dma_wait3A_139 = arith.constant 0 : i32
    %dma_wait3A_140 = tpu.memref_slice %arg8[%dma_wait3A_138, %dma_wait3A_139] : memref<10000x32xf32, #tpu.memory_space<vmem_shared>> -> memref<10000x32xf32, #tpu.memory_space<vmem_shared>>
    %dma_wait3A_141 = tpu.memref_slice %arg10[%dma_wait3A_130] : memref<4x!tpu.dma_semaphore, #tpu.memory_space<semaphore_mem>> -> memref<1x!tpu.dma_semaphore, #tpu.memory_space<semaphore_mem>>
    %dma_wait3A_142 = tpu.memref_squeeze %dma_wait3A_141 : memref<1x!tpu.dma_semaphore, #tpu.memory_space<semaphore_mem>> -> memref<!tpu.dma_semaphore, #tpu.memory_space<semaphore_mem>>
    tpu.wait_indirect_dma semaphore(%dma_wait3A_142 : memref<!tpu.dma_semaphore, #tpu.memory_space<semaphore_mem>>) src(%dma_wait3A_134 : memref<256x32xf32, #tpu.memory_space<vmem>>) dst(%dma_wait3A_140 : memref<10000x32xf32, #tpu.memory_space<vmem_shared>>)
    %barrier3A_143 = arith.constant 0 : index
    tpu.barrier barrier_id(%barrier3A_143)
    %mul3A_144 = arith.constant 625 : i32
    %mul3A_145 = arith.muli %arg1, %mul3A_144 : i32
    %mul3A_146 = arith.constant 625 : i32
    %mul3A_147 = arith.muli %arg1, %mul3A_146 : i32
    "tpu.region"() ({
      %run_scoped3A = tpu.sem_alloc : memref<!tpu.dma_semaphore, #tpu.memory_space<semaphore_mem>>
      %dma_start3A_148 = arith.constant 0 : i32
      %dma_start3A_149 = tpu.memref_slice %arg5[%arg0, %mul3A_147, %dma_start3A_148] : memref<2x10000x32xf32, #tpu.memory_space<hbm>> -> memref<1x625x32xf32, #tpu.memory_space<hbm>>
      %dma_start3A_150 = tpu.memref_squeeze %dma_start3A_149 : memref<1x625x32xf32, #tpu.memory_space<hbm>> -> memref<625x32xf32, #tpu.memory_space<hbm>>
      %dma_start3A_151 = arith.constant 0 : i32
      %dma_start3A_152 = tpu.memref_slice %arg8[%mul3A_145, %dma_start3A_151] : memref<10000x32xf32, #tpu.memory_space<vmem_shared>> -> memref<625x32xf32, #tpu.memory_space<vmem_shared>>
      tpu.enqueue_dma source(%dma_start3A_152 : memref<625x32xf32, #tpu.memory_space<vmem_shared>>) target(%dma_start3A_150 : memref<625x32xf32, #tpu.memory_space<hbm>>) target_semaphore(%run_scoped3A : memref<!tpu.dma_semaphore, #tpu.memory_space<semaphore_mem>>)
      %dma_wait3A_153 = arith.constant 0 : i32
      %dma_wait3A_154 = tpu.memref_slice %arg5[%arg0, %mul3A_147, %dma_wait3A_153] : memref<2x10000x32xf32, #tpu.memory_space<hbm>> -> memref<1x625x32xf32, #tpu.memory_space<hbm>>
      %dma_wait3A_155 = tpu.memref_squeeze %dma_wait3A_154 : memref<1x625x32xf32, #tpu.memory_space<hbm>> -> memref<625x32xf32, #tpu.memory_space<hbm>>
      %dma_wait3A_156 = arith.constant 0 : i32
      %dma_wait3A_157 = tpu.memref_slice %arg8[%mul3A_145, %dma_wait3A_156] : memref<10000x32xf32, #tpu.memory_space<vmem_shared>> -> memref<625x32xf32, #tpu.memory_space<vmem_shared>>
      tpu.wait_dma2 semaphore(%run_scoped3A : memref<!tpu.dma_semaphore, #tpu.memory_space<semaphore_mem>>) src(%dma_wait3A_157 : memref<625x32xf32, #tpu.memory_space<vmem_shared>>) dst(%dma_wait3A_155 : memref<625x32xf32, #tpu.memory_space<hbm>>)
      tpu.yield
    }) : () -> ()
    return
  }
}

module attributes {stable_mosaic.version = 14 : i64} {
  func.func @_edge_body(%arg0: i32, %arg1: memref<32x1280xf32, #tpu.memory_space<vmem>>, %arg2: memref<8x1280xf32, #tpu.memory_space<vmem>>, %arg3: memref<320x128xf32, #tpu.memory_space<vmem>>, %arg4: memref<32x32xf32, #tpu.memory_space<vmem>>, %arg5: memref<32x1xf32, #tpu.memory_space<vmem>>, %arg6: memref<480x33xbf16, #tpu.memory_space<vmem>>, %arg7: memref<320x128xf32, #tpu.memory_space<vmem>>) attributes {dimension_semantics = [#tpu.dimension_semantics<arbitrary>], iteration_bounds = array<i64: 128>, scalar_prefetch = 0 : i64, scratch_operands = 0 : i64, tpu.core_type = #tpu.core_type<tc>, window_params = [{transform_indices = @transform_0, window_bounds = array<i64: 32, 1280>}, {transform_indices = @transform_1, window_bounds = array<i64: 8, 1280>}, {transform_indices = @transform_2, window_bounds = array<i64: 320, 128>}, {pipeline_mode = #tpu.pipeline_mode<synchronous>, transform_indices = @transform_3, window_bounds = array<i64: 32, 32>}, {pipeline_mode = #tpu.pipeline_mode<synchronous>, transform_indices = @transform_4, window_bounds = array<i64: 32, 1>}, {pipeline_mode = #tpu.pipeline_mode<synchronous>, transform_indices = @transform_5, window_bounds = array<i64: 480, 33>}, {transform_indices = @transform_6, window_bounds = array<i64: 320, 128>}]} {
    %get3A = arith.constant 0 : index
    %get3A_0 = arith.constant 0 : index
    %get3A_1 = vector.load %arg1[%get3A, %get3A_0] : memref<32x1280xf32, #tpu.memory_space<vmem>>, vector<32x1280xf32>
    %get3A_2 = arith.constant 0 : index
    %get3A_3 = arith.constant 0 : index
    %get3A_4 = vector.load %arg4[%get3A_2, %get3A_3] : memref<32x32xf32, #tpu.memory_space<vmem>>, vector<32x32xf32>
    %dot_general3A = arith.constant dense<0.000000e+00> : vector<32x1280xf32>
    %dot_general3A_5 = tpu.matmul %get3A_4, %get3A_1, %dot_general3A {dimension_numbers = #tpu.dot_dimension_numbers<[1], [0], [0], [1], [0, 0, 1, 1], [], []>, transpose_lhs_hint = false} : vector<32x32xf32>, vector<32x1280xf32>, vector<32x1280xf32> -> vector<32x1280xf32>
    %get3A_6 = arith.constant 0 : index
    %get3A_7 = arith.constant 0 : index
    %get3A_8 = vector.load %arg5[%get3A_6, %get3A_7] : memref<32x1xf32, #tpu.memory_space<vmem>>, vector<32x1xf32>
    %add3A = vector.broadcast %get3A_8 : vector<32x1xf32> to vector<32x1280xf32>
    %add3A_9 = arith.addf %dot_general3A_5, %add3A : vector<32x1280xf32>
    %max3A = arith.constant 0.000000e+00 : f32
    %max3A_10 = vector.broadcast %max3A : f32 to vector<32x1280xf32>
    %max3A_11 = arith.maximumf %add3A_9, %max3A_10 : vector<32x1280xf32>
    %broadcast_in_dim3A = arith.constant 1.000000e+00 : f32
    %broadcast_in_dim3A_12 = vector.broadcast %broadcast_in_dim3A : f32 to vector<1x1280xf32>
    %concatenate3A = tpu.concatenate %max3A_11, %broadcast_in_dim3A_12 in 0 : vector<32x1280xf32>, vector<1x1280xf32> -> vector<33x1280xf32>
    %convert_element_type3A = arith.truncf %concatenate3A : vector<33x1280xf32> to vector<33x1280xbf16>
    %get3A_13 = arith.constant 0 : index
    %get3A_14 = arith.constant 0 : index
    %get3A_15 = vector.load %arg3[%get3A_13, %get3A_14] : memref<320x128xf32, #tpu.memory_space<vmem>>, vector<320x128xf32>
    %transpose3A = tpu.transpose %get3A_15, [1, 0] : vector<320x128xf32> -> vector<128x320xf32>
    %slice3A = vector.extract_strided_slice %transpose3A {offsets = [0, 0], sizes = [32, 320], strides = [1, 1]} : vector<128x320xf32> to vector<32x320xf32>
    %slice3A_16 = vector.extract_strided_slice %transpose3A {offsets = [32, 0], sizes = [32, 320], strides = [1, 1]} : vector<128x320xf32> to vector<32x320xf32>
    %slice3A_17 = vector.extract_strided_slice %transpose3A {offsets = [64, 0], sizes = [32, 320], strides = [1, 1]} : vector<128x320xf32> to vector<32x320xf32>
    %slice3A_18 = vector.extract_strided_slice %transpose3A {offsets = [96, 0], sizes = [32, 320], strides = [1, 1]} : vector<128x320xf32> to vector<32x320xf32>
    %concatenate3A_19 = tpu.concatenate %slice3A, %slice3A_16, %slice3A_17, %slice3A_18 in 1 : vector<32x320xf32>, vector<32x320xf32>, vector<32x320xf32>, vector<32x320xf32> -> vector<32x1280xf32>
    %get3A_20 = arith.constant 0 : index
    %get3A_21 = arith.constant 0 : index
    %get3A_22 = vector.load %arg2[%get3A_20, %get3A_21] : memref<8x1280xf32, #tpu.memory_space<vmem>>, vector<8x1280xf32>
    %slice3A_23 = vector.extract_strided_slice %get3A_22 {offsets = [0, 0], sizes = [4, 1280], strides = [1, 1]} : vector<8x1280xf32> to vector<4x1280xf32>
    %slice3A_24 = vector.extract_strided_slice %slice3A_23 {offsets = [0, 0], sizes = [1, 1280], strides = [1, 1]} : vector<4x1280xf32> to vector<1x1280xf32>
    %slice3A_25 = vector.extract_strided_slice %concatenate3A_19 {offsets = [0, 0], sizes = [16, 1280], strides = [1, 1]} : vector<32x1280xf32> to vector<16x1280xf32>
    %mul3A = vector.broadcast %slice3A_24 : vector<1x1280xf32> to vector<16x1280xf32>
    %mul3A_26 = arith.mulf %slice3A_25, %mul3A : vector<16x1280xf32>
    %slice3A_27 = vector.extract_strided_slice %concatenate3A_19 {offsets = [16, 0], sizes = [1, 1280], strides = [1, 1]} : vector<32x1280xf32> to vector<1x1280xf32>
    %slice3A_28 = vector.extract_strided_slice %slice3A_23 {offsets = [1, 0], sizes = [1, 1280], strides = [1, 1]} : vector<4x1280xf32> to vector<1x1280xf32>
    %mul3A_29 = arith.mulf %slice3A_27, %slice3A_28 : vector<1x1280xf32>
    %slice3A_30 = vector.extract_strided_slice %concatenate3A_19 {offsets = [17, 0], sizes = [1, 1280], strides = [1, 1]} : vector<32x1280xf32> to vector<1x1280xf32>
    %slice3A_31 = vector.extract_strided_slice %slice3A_23 {offsets = [2, 0], sizes = [1, 1280], strides = [1, 1]} : vector<4x1280xf32> to vector<1x1280xf32>
    %mul3A_32 = arith.mulf %slice3A_30, %slice3A_31 : vector<1x1280xf32>
    %add3A_33 = arith.addf %mul3A_29, %mul3A_32 : vector<1x1280xf32>
    %slice3A_34 = vector.extract_strided_slice %concatenate3A_19 {offsets = [18, 0], sizes = [1, 1280], strides = [1, 1]} : vector<32x1280xf32> to vector<1x1280xf32>
    %slice3A_35 = vector.extract_strided_slice %slice3A_23 {offsets = [3, 0], sizes = [1, 1280], strides = [1, 1]} : vector<4x1280xf32> to vector<1x1280xf32>
    %mul3A_36 = arith.mulf %slice3A_34, %slice3A_35 : vector<1x1280xf32>
    %add3A_37 = arith.addf %add3A_33, %mul3A_36 : vector<1x1280xf32>
    %slice3A_38 = vector.extract_strided_slice %concatenate3A_19 {offsets = [19, 0], sizes = [1, 1280], strides = [1, 1]} : vector<32x1280xf32> to vector<1x1280xf32>
    %slice3A_39 = vector.extract_strided_slice %slice3A_23 {offsets = [1, 0], sizes = [1, 1280], strides = [1, 1]} : vector<4x1280xf32> to vector<1x1280xf32>
    %mul3A_40 = arith.mulf %slice3A_38, %slice3A_39 : vector<1x1280xf32>
    %slice3A_41 = vector.extract_strided_slice %concatenate3A_19 {offsets = [20, 0], sizes = [1, 1280], strides = [1, 1]} : vector<32x1280xf32> to vector<1x1280xf32>
    %slice3A_42 = vector.extract_strided_slice %slice3A_23 {offsets = [2, 0], sizes = [1, 1280], strides = [1, 1]} : vector<4x1280xf32> to vector<1x1280xf32>
    %mul3A_43 = arith.mulf %slice3A_41, %slice3A_42 : vector<1x1280xf32>
    %add3A_44 = arith.addf %mul3A_40, %mul3A_43 : vector<1x1280xf32>
    %slice3A_45 = vector.extract_strided_slice %concatenate3A_19 {offsets = [21, 0], sizes = [1, 1280], strides = [1, 1]} : vector<32x1280xf32> to vector<1x1280xf32>
    %slice3A_46 = vector.extract_strided_slice %slice3A_23 {offsets = [3, 0], sizes = [1, 1280], strides = [1, 1]} : vector<4x1280xf32> to vector<1x1280xf32>
    %mul3A_47 = arith.mulf %slice3A_45, %slice3A_46 : vector<1x1280xf32>
    %add3A_48 = arith.addf %add3A_44, %mul3A_47 : vector<1x1280xf32>
    %slice3A_49 = vector.extract_strided_slice %concatenate3A_19 {offsets = [22, 0], sizes = [1, 1280], strides = [1, 1]} : vector<32x1280xf32> to vector<1x1280xf32>
    %slice3A_50 = vector.extract_strided_slice %slice3A_23 {offsets = [1, 0], sizes = [1, 1280], strides = [1, 1]} : vector<4x1280xf32> to vector<1x1280xf32>
    %mul3A_51 = arith.mulf %slice3A_49, %slice3A_50 : vector<1x1280xf32>
    %slice3A_52 = vector.extract_strided_slice %concatenate3A_19 {offsets = [23, 0], sizes = [1, 1280], strides = [1, 1]} : vector<32x1280xf32> to vector<1x1280xf32>
    %slice3A_53 = vector.extract_strided_slice %slice3A_23 {offsets = [2, 0], sizes = [1, 1280], strides = [1, 1]} : vector<4x1280xf32> to vector<1x1280xf32>
    %mul3A_54 = arith.mulf %slice3A_52, %slice3A_53 : vector<1x1280xf32>
    %add3A_55 = arith.addf %mul3A_51, %mul3A_54 : vector<1x1280xf32>
    %slice3A_56 = vector.extract_strided_slice %concatenate3A_19 {offsets = [24, 0], sizes = [1, 1280], strides = [1, 1]} : vector<32x1280xf32> to vector<1x1280xf32>
    %slice3A_57 = vector.extract_strided_slice %slice3A_23 {offsets = [3, 0], sizes = [1, 1280], strides = [1, 1]} : vector<4x1280xf32> to vector<1x1280xf32>
    %mul3A_58 = arith.mulf %slice3A_56, %slice3A_57 : vector<1x1280xf32>
    %add3A_59 = arith.addf %add3A_55, %mul3A_58 : vector<1x1280xf32>
    %slice3A_60 = vector.extract_strided_slice %concatenate3A_19 {offsets = [25, 0], sizes = [1, 1280], strides = [1, 1]} : vector<32x1280xf32> to vector<1x1280xf32>
    %slice3A_61 = vector.extract_strided_slice %slice3A_23 {offsets = [1, 0], sizes = [1, 1280], strides = [1, 1]} : vector<4x1280xf32> to vector<1x1280xf32>
    %mul3A_62 = arith.mulf %slice3A_60, %slice3A_61 : vector<1x1280xf32>
    %slice3A_63 = vector.extract_strided_slice %concatenate3A_19 {offsets = [26, 0], sizes = [1, 1280], strides = [1, 1]} : vector<32x1280xf32> to vector<1x1280xf32>
    %slice3A_64 = vector.extract_strided_slice %slice3A_23 {offsets = [2, 0], sizes = [1, 1280], strides = [1, 1]} : vector<4x1280xf32> to vector<1x1280xf32>
    %mul3A_65 = arith.mulf %slice3A_63, %slice3A_64 : vector<1x1280xf32>
    %add3A_66 = arith.addf %mul3A_62, %mul3A_65 : vector<1x1280xf32>
    %slice3A_67 = vector.extract_strided_slice %concatenate3A_19 {offsets = [27, 0], sizes = [1, 1280], strides = [1, 1]} : vector<32x1280xf32> to vector<1x1280xf32>
    %slice3A_68 = vector.extract_strided_slice %slice3A_23 {offsets = [3, 0], sizes = [1, 1280], strides = [1, 1]} : vector<4x1280xf32> to vector<1x1280xf32>
    %mul3A_69 = arith.mulf %slice3A_67, %slice3A_68 : vector<1x1280xf32>
    %add3A_70 = arith.addf %add3A_66, %mul3A_69 : vector<1x1280xf32>
    %concatenate3A_71 = tpu.concatenate %add3A_37, %add3A_48, %add3A_59, %add3A_70 in 0 : vector<1x1280xf32>, vector<1x1280xf32>, vector<1x1280xf32>, vector<1x1280xf32> -> vector<4x1280xf32>
    %mul3A_72 = arith.constant 0.577350259 : f32
    %mul3A_73 = vector.broadcast %mul3A_72 : f32 to vector<4x1280xf32>
    %mul3A_74 = arith.mulf %concatenate3A_71, %mul3A_73 : vector<4x1280xf32>
    %add3A_75 = arith.constant 0 : i32
    %add3A_76 = arith.addi %arg0, %add3A_75 : i32
    %mul3A_77 = arith.constant 1280 : i32
    %mul3A_78 = arith.muli %add3A_76, %mul3A_77 : i32
    %iota3A = tpu.iota {dimensions = array<i32: 1>} : vector<1x1280xi32>
    %add3A_79 = vector.broadcast %mul3A_78 : i32 to vector<1x1280xi32>
    %add3A_80 = arith.addi %add3A_79, %iota3A : vector<1x1280xi32>
    %lt3A = arith.constant 160000 : i32
    %lt3A_81 = vector.broadcast %lt3A : i32 to vector<1x1280xi32>
    %lt3A_82 = arith.cmpi slt, %add3A_80, %lt3A_81 : vector<1x1280xi32>
    %jit3A = arith.constant 1.000000e+00 : f32
    %jit3A_83 = arith.constant 0.000000e+00 : f32
    %broadcast_in_dim3A_84 = vector.broadcast %jit3A : f32 to vector<1x1280xf32>
    %broadcast_in_dim3A_85 = vector.broadcast %jit3A_83 : f32 to vector<1x1280xf32>
    %select_n3A = arith.select %lt3A_82, %broadcast_in_dim3A_84, %broadcast_in_dim3A_85 : vector<1x1280xi1>, vector<1x1280xf32>
    %get3A_86 = arith.constant 0 : index
    %get3A_87 = arith.constant 0 : index
    %get3A_88 = vector.load %arg6[%get3A_86, %get3A_87] : memref<480x33xbf16, #tpu.memory_space<vmem>>, vector<480x33xbf16>
    %dot_general3A_89 = arith.constant dense<0.000000e+00> : vector<480x1280xf32>
    %dot_general3A_90 = tpu.matmul %get3A_88, %convert_element_type3A, %dot_general3A_89 {dimension_numbers = #tpu.dot_dimension_numbers<[1], [0], [0], [1], [0, 0, 1, 1], [], []>, transpose_lhs_hint = false} : vector<480x33xbf16>, vector<33x1280xbf16>, vector<480x1280xf32> -> vector<480x1280xf32>
    %slice3A_91 = vector.extract_strided_slice %mul3A_26 {offsets = [0, 0], sizes = [1, 1280], strides = [1, 1]} : vector<16x1280xf32> to vector<1x1280xf32>
    %slice3A_92 = vector.extract_strided_slice %dot_general3A_90 {offsets = [0, 0], sizes = [16, 1280], strides = [1, 1]} : vector<480x1280xf32> to vector<16x1280xf32>
    %mul3A_93 = vector.broadcast %slice3A_91 : vector<1x1280xf32> to vector<16x1280xf32>
    %mul3A_94 = arith.mulf %mul3A_93, %slice3A_92 : vector<16x1280xf32>
    %slice3A_95 = vector.extract_strided_slice %mul3A_26 {offsets = [1, 0], sizes = [1, 1280], strides = [1, 1]} : vector<16x1280xf32> to vector<1x1280xf32>
    %slice3A_96 = vector.extract_strided_slice %dot_general3A_90 {offsets = [16, 0], sizes = [16, 1280], strides = [1, 1]} : vector<480x1280xf32> to vector<16x1280xf32>
    %mul3A_97 = vector.broadcast %slice3A_95 : vector<1x1280xf32> to vector<16x1280xf32>
    %mul3A_98 = arith.mulf %mul3A_97, %slice3A_96 : vector<16x1280xf32>
    %add3A_99 = arith.addf %mul3A_94, %mul3A_98 : vector<16x1280xf32>
    %slice3A_100 = vector.extract_strided_slice %mul3A_26 {offsets = [2, 0], sizes = [1, 1280], strides = [1, 1]} : vector<16x1280xf32> to vector<1x1280xf32>
    %slice3A_101 = vector.extract_strided_slice %dot_general3A_90 {offsets = [32, 0], sizes = [16, 1280], strides = [1, 1]} : vector<480x1280xf32> to vector<16x1280xf32>
    %mul3A_102 = vector.broadcast %slice3A_100 : vector<1x1280xf32> to vector<16x1280xf32>
    %mul3A_103 = arith.mulf %mul3A_102, %slice3A_101 : vector<16x1280xf32>
    %add3A_104 = arith.addf %add3A_99, %mul3A_103 : vector<16x1280xf32>
    %slice3A_105 = vector.extract_strided_slice %mul3A_26 {offsets = [3, 0], sizes = [1, 1280], strides = [1, 1]} : vector<16x1280xf32> to vector<1x1280xf32>
    %slice3A_106 = vector.extract_strided_slice %dot_general3A_90 {offsets = [48, 0], sizes = [16, 1280], strides = [1, 1]} : vector<480x1280xf32> to vector<16x1280xf32>
    %mul3A_107 = vector.broadcast %slice3A_105 : vector<1x1280xf32> to vector<16x1280xf32>
    %mul3A_108 = arith.mulf %mul3A_107, %slice3A_106 : vector<16x1280xf32>
    %add3A_109 = arith.addf %add3A_104, %mul3A_108 : vector<16x1280xf32>
    %slice3A_110 = vector.extract_strided_slice %mul3A_26 {offsets = [4, 0], sizes = [1, 1280], strides = [1, 1]} : vector<16x1280xf32> to vector<1x1280xf32>
    %slice3A_111 = vector.extract_strided_slice %dot_general3A_90 {offsets = [64, 0], sizes = [16, 1280], strides = [1, 1]} : vector<480x1280xf32> to vector<16x1280xf32>
    %mul3A_112 = vector.broadcast %slice3A_110 : vector<1x1280xf32> to vector<16x1280xf32>
    %mul3A_113 = arith.mulf %mul3A_112, %slice3A_111 : vector<16x1280xf32>
    %add3A_114 = arith.addf %add3A_109, %mul3A_113 : vector<16x1280xf32>
    %slice3A_115 = vector.extract_strided_slice %mul3A_26 {offsets = [5, 0], sizes = [1, 1280], strides = [1, 1]} : vector<16x1280xf32> to vector<1x1280xf32>
    %slice3A_116 = vector.extract_strided_slice %dot_general3A_90 {offsets = [80, 0], sizes = [16, 1280], strides = [1, 1]} : vector<480x1280xf32> to vector<16x1280xf32>
    %mul3A_117 = vector.broadcast %slice3A_115 : vector<1x1280xf32> to vector<16x1280xf32>
    %mul3A_118 = arith.mulf %mul3A_117, %slice3A_116 : vector<16x1280xf32>
    %add3A_119 = arith.addf %add3A_114, %mul3A_118 : vector<16x1280xf32>
    %slice3A_120 = vector.extract_strided_slice %mul3A_26 {offsets = [6, 0], sizes = [1, 1280], strides = [1, 1]} : vector<16x1280xf32> to vector<1x1280xf32>
    %slice3A_121 = vector.extract_strided_slice %dot_general3A_90 {offsets = [96, 0], sizes = [16, 1280], strides = [1, 1]} : vector<480x1280xf32> to vector<16x1280xf32>
    %mul3A_122 = vector.broadcast %slice3A_120 : vector<1x1280xf32> to vector<16x1280xf32>
    %mul3A_123 = arith.mulf %mul3A_122, %slice3A_121 : vector<16x1280xf32>
    %add3A_124 = arith.addf %add3A_119, %mul3A_123 : vector<16x1280xf32>
    %slice3A_125 = vector.extract_strided_slice %mul3A_26 {offsets = [7, 0], sizes = [1, 1280], strides = [1, 1]} : vector<16x1280xf32> to vector<1x1280xf32>
    %slice3A_126 = vector.extract_strided_slice %dot_general3A_90 {offsets = [112, 0], sizes = [16, 1280], strides = [1, 1]} : vector<480x1280xf32> to vector<16x1280xf32>
    %mul3A_127 = vector.broadcast %slice3A_125 : vector<1x1280xf32> to vector<16x1280xf32>
    %mul3A_128 = arith.mulf %mul3A_127, %slice3A_126 : vector<16x1280xf32>
    %add3A_129 = arith.addf %add3A_124, %mul3A_128 : vector<16x1280xf32>
    %slice3A_130 = vector.extract_strided_slice %mul3A_26 {offsets = [8, 0], sizes = [1, 1280], strides = [1, 1]} : vector<16x1280xf32> to vector<1x1280xf32>
    %slice3A_131 = vector.extract_strided_slice %dot_general3A_90 {offsets = [128, 0], sizes = [16, 1280], strides = [1, 1]} : vector<480x1280xf32> to vector<16x1280xf32>
    %mul3A_132 = vector.broadcast %slice3A_130 : vector<1x1280xf32> to vector<16x1280xf32>
    %mul3A_133 = arith.mulf %mul3A_132, %slice3A_131 : vector<16x1280xf32>
    %add3A_134 = arith.addf %add3A_129, %mul3A_133 : vector<16x1280xf32>
    %slice3A_135 = vector.extract_strided_slice %mul3A_26 {offsets = [9, 0], sizes = [1, 1280], strides = [1, 1]} : vector<16x1280xf32> to vector<1x1280xf32>
    %slice3A_136 = vector.extract_strided_slice %dot_general3A_90 {offsets = [144, 0], sizes = [16, 1280], strides = [1, 1]} : vector<480x1280xf32> to vector<16x1280xf32>
    %mul3A_137 = vector.broadcast %slice3A_135 : vector<1x1280xf32> to vector<16x1280xf32>
    %mul3A_138 = arith.mulf %mul3A_137, %slice3A_136 : vector<16x1280xf32>
    %add3A_139 = arith.addf %add3A_134, %mul3A_138 : vector<16x1280xf32>
    %slice3A_140 = vector.extract_strided_slice %mul3A_26 {offsets = [10, 0], sizes = [1, 1280], strides = [1, 1]} : vector<16x1280xf32> to vector<1x1280xf32>
    %slice3A_141 = vector.extract_strided_slice %dot_general3A_90 {offsets = [160, 0], sizes = [16, 1280], strides = [1, 1]} : vector<480x1280xf32> to vector<16x1280xf32>
    %mul3A_142 = vector.broadcast %slice3A_140 : vector<1x1280xf32> to vector<16x1280xf32>
    %mul3A_143 = arith.mulf %mul3A_142, %slice3A_141 : vector<16x1280xf32>
    %add3A_144 = arith.addf %add3A_139, %mul3A_143 : vector<16x1280xf32>
    %slice3A_145 = vector.extract_strided_slice %mul3A_26 {offsets = [11, 0], sizes = [1, 1280], strides = [1, 1]} : vector<16x1280xf32> to vector<1x1280xf32>
    %slice3A_146 = vector.extract_strided_slice %dot_general3A_90 {offsets = [176, 0], sizes = [16, 1280], strides = [1, 1]} : vector<480x1280xf32> to vector<16x1280xf32>
    %mul3A_147 = vector.broadcast %slice3A_145 : vector<1x1280xf32> to vector<16x1280xf32>
    %mul3A_148 = arith.mulf %mul3A_147, %slice3A_146 : vector<16x1280xf32>
    %add3A_149 = arith.addf %add3A_144, %mul3A_148 : vector<16x1280xf32>
    %slice3A_150 = vector.extract_strided_slice %mul3A_26 {offsets = [12, 0], sizes = [1, 1280], strides = [1, 1]} : vector<16x1280xf32> to vector<1x1280xf32>
    %slice3A_151 = vector.extract_strided_slice %dot_general3A_90 {offsets = [192, 0], sizes = [16, 1280], strides = [1, 1]} : vector<480x1280xf32> to vector<16x1280xf32>
    %mul3A_152 = vector.broadcast %slice3A_150 : vector<1x1280xf32> to vector<16x1280xf32>
    %mul3A_153 = arith.mulf %mul3A_152, %slice3A_151 : vector<16x1280xf32>
    %add3A_154 = arith.addf %add3A_149, %mul3A_153 : vector<16x1280xf32>
    %slice3A_155 = vector.extract_strided_slice %mul3A_26 {offsets = [13, 0], sizes = [1, 1280], strides = [1, 1]} : vector<16x1280xf32> to vector<1x1280xf32>
    %slice3A_156 = vector.extract_strided_slice %dot_general3A_90 {offsets = [208, 0], sizes = [16, 1280], strides = [1, 1]} : vector<480x1280xf32> to vector<16x1280xf32>
    %mul3A_157 = vector.broadcast %slice3A_155 : vector<1x1280xf32> to vector<16x1280xf32>
    %mul3A_158 = arith.mulf %mul3A_157, %slice3A_156 : vector<16x1280xf32>
    %add3A_159 = arith.addf %add3A_154, %mul3A_158 : vector<16x1280xf32>
    %slice3A_160 = vector.extract_strided_slice %mul3A_26 {offsets = [14, 0], sizes = [1, 1280], strides = [1, 1]} : vector<16x1280xf32> to vector<1x1280xf32>
    %slice3A_161 = vector.extract_strided_slice %dot_general3A_90 {offsets = [224, 0], sizes = [16, 1280], strides = [1, 1]} : vector<480x1280xf32> to vector<16x1280xf32>
    %mul3A_162 = vector.broadcast %slice3A_160 : vector<1x1280xf32> to vector<16x1280xf32>
    %mul3A_163 = arith.mulf %mul3A_162, %slice3A_161 : vector<16x1280xf32>
    %add3A_164 = arith.addf %add3A_159, %mul3A_163 : vector<16x1280xf32>
    %slice3A_165 = vector.extract_strided_slice %mul3A_26 {offsets = [15, 0], sizes = [1, 1280], strides = [1, 1]} : vector<16x1280xf32> to vector<1x1280xf32>
    %slice3A_166 = vector.extract_strided_slice %dot_general3A_90 {offsets = [240, 0], sizes = [16, 1280], strides = [1, 1]} : vector<480x1280xf32> to vector<16x1280xf32>
    %mul3A_167 = vector.broadcast %slice3A_165 : vector<1x1280xf32> to vector<16x1280xf32>
    %mul3A_168 = arith.mulf %mul3A_167, %slice3A_166 : vector<16x1280xf32>
    %add3A_169 = arith.addf %add3A_164, %mul3A_168 : vector<16x1280xf32>
    %slice3A_170 = vector.extract_strided_slice %mul3A_74 {offsets = [0, 0], sizes = [1, 1280], strides = [1, 1]} : vector<4x1280xf32> to vector<1x1280xf32>
    %slice3A_171 = vector.extract_strided_slice %dot_general3A_90 {offsets = [256, 0], sizes = [16, 1280], strides = [1, 1]} : vector<480x1280xf32> to vector<16x1280xf32>
    %mul3A_172 = vector.broadcast %slice3A_170 : vector<1x1280xf32> to vector<16x1280xf32>
    %mul3A_173 = arith.mulf %mul3A_172, %slice3A_171 : vector<16x1280xf32>
    %add3A_174 = arith.addf %add3A_169, %mul3A_173 : vector<16x1280xf32>
    %slice3A_175 = vector.extract_strided_slice %mul3A_74 {offsets = [1, 0], sizes = [1, 1280], strides = [1, 1]} : vector<4x1280xf32> to vector<1x1280xf32>
    %slice3A_176 = vector.extract_strided_slice %dot_general3A_90 {offsets = [272, 0], sizes = [16, 1280], strides = [1, 1]} : vector<480x1280xf32> to vector<16x1280xf32>
    %mul3A_177 = vector.broadcast %slice3A_175 : vector<1x1280xf32> to vector<16x1280xf32>
    %mul3A_178 = arith.mulf %mul3A_177, %slice3A_176 : vector<16x1280xf32>
    %add3A_179 = arith.addf %add3A_174, %mul3A_178 : vector<16x1280xf32>
    %slice3A_180 = vector.extract_strided_slice %mul3A_74 {offsets = [2, 0], sizes = [1, 1280], strides = [1, 1]} : vector<4x1280xf32> to vector<1x1280xf32>
    %slice3A_181 = vector.extract_strided_slice %dot_general3A_90 {offsets = [288, 0], sizes = [16, 1280], strides = [1, 1]} : vector<480x1280xf32> to vector<16x1280xf32>
    %mul3A_182 = vector.broadcast %slice3A_180 : vector<1x1280xf32> to vector<16x1280xf32>
    %mul3A_183 = arith.mulf %mul3A_182, %slice3A_181 : vector<16x1280xf32>
    %add3A_184 = arith.addf %add3A_179, %mul3A_183 : vector<16x1280xf32>
    %slice3A_185 = vector.extract_strided_slice %mul3A_74 {offsets = [3, 0], sizes = [1, 1280], strides = [1, 1]} : vector<4x1280xf32> to vector<1x1280xf32>
    %slice3A_186 = vector.extract_strided_slice %dot_general3A_90 {offsets = [304, 0], sizes = [16, 1280], strides = [1, 1]} : vector<480x1280xf32> to vector<16x1280xf32>
    %mul3A_187 = vector.broadcast %slice3A_185 : vector<1x1280xf32> to vector<16x1280xf32>
    %mul3A_188 = arith.mulf %mul3A_187, %slice3A_186 : vector<16x1280xf32>
    %add3A_189 = arith.addf %add3A_184, %mul3A_188 : vector<16x1280xf32>
    %mul3A_190 = arith.constant 0.223606795 : f32
    %mul3A_191 = vector.broadcast %mul3A_190 : f32 to vector<16x1280xf32>
    %mul3A_192 = arith.mulf %add3A_189, %mul3A_191 : vector<16x1280xf32>
    %slice3A_193 = vector.extract_strided_slice %slice3A_25 {offsets = [0, 0], sizes = [1, 1280], strides = [1, 1]} : vector<16x1280xf32> to vector<1x1280xf32>
    %slice3A_194 = vector.extract_strided_slice %dot_general3A_90 {offsets = [320, 0], sizes = [4, 1280], strides = [1, 1]} : vector<480x1280xf32> to vector<4x1280xf32>
    %mul3A_195 = vector.broadcast %slice3A_193 : vector<1x1280xf32> to vector<4x1280xf32>
    %mul3A_196 = arith.mulf %mul3A_195, %slice3A_194 : vector<4x1280xf32>
    %slice3A_197 = vector.extract_strided_slice %slice3A_25 {offsets = [1, 0], sizes = [1, 1280], strides = [1, 1]} : vector<16x1280xf32> to vector<1x1280xf32>
    %slice3A_198 = vector.extract_strided_slice %dot_general3A_90 {offsets = [328, 0], sizes = [4, 1280], strides = [1, 1]} : vector<480x1280xf32> to vector<4x1280xf32>
    %mul3A_199 = vector.broadcast %slice3A_197 : vector<1x1280xf32> to vector<4x1280xf32>
    %mul3A_200 = arith.mulf %mul3A_199, %slice3A_198 : vector<4x1280xf32>
    %add3A_201 = arith.addf %mul3A_196, %mul3A_200 : vector<4x1280xf32>
    %slice3A_202 = vector.extract_strided_slice %slice3A_25 {offsets = [2, 0], sizes = [1, 1280], strides = [1, 1]} : vector<16x1280xf32> to vector<1x1280xf32>
    %slice3A_203 = vector.extract_strided_slice %dot_general3A_90 {offsets = [336, 0], sizes = [4, 1280], strides = [1, 1]} : vector<480x1280xf32> to vector<4x1280xf32>
    %mul3A_204 = vector.broadcast %slice3A_202 : vector<1x1280xf32> to vector<4x1280xf32>
    %mul3A_205 = arith.mulf %mul3A_204, %slice3A_203 : vector<4x1280xf32>
    %add3A_206 = arith.addf %add3A_201, %mul3A_205 : vector<4x1280xf32>
    %slice3A_207 = vector.extract_strided_slice %slice3A_25 {offsets = [3, 0], sizes = [1, 1280], strides = [1, 1]} : vector<16x1280xf32> to vector<1x1280xf32>
    %slice3A_208 = vector.extract_strided_slice %dot_general3A_90 {offsets = [344, 0], sizes = [4, 1280], strides = [1, 1]} : vector<480x1280xf32> to vector<4x1280xf32>
    %mul3A_209 = vector.broadcast %slice3A_207 : vector<1x1280xf32> to vector<4x1280xf32>
    %mul3A_210 = arith.mulf %mul3A_209, %slice3A_208 : vector<4x1280xf32>
    %add3A_211 = arith.addf %add3A_206, %mul3A_210 : vector<4x1280xf32>
    %slice3A_212 = vector.extract_strided_slice %slice3A_25 {offsets = [4, 0], sizes = [1, 1280], strides = [1, 1]} : vector<16x1280xf32> to vector<1x1280xf32>
    %slice3A_213 = vector.extract_strided_slice %dot_general3A_90 {offsets = [352, 0], sizes = [4, 1280], strides = [1, 1]} : vector<480x1280xf32> to vector<4x1280xf32>
    %mul3A_214 = vector.broadcast %slice3A_212 : vector<1x1280xf32> to vector<4x1280xf32>
    %mul3A_215 = arith.mulf %mul3A_214, %slice3A_213 : vector<4x1280xf32>
    %add3A_216 = arith.addf %add3A_211, %mul3A_215 : vector<4x1280xf32>
    %slice3A_217 = vector.extract_strided_slice %slice3A_25 {offsets = [5, 0], sizes = [1, 1280], strides = [1, 1]} : vector<16x1280xf32> to vector<1x1280xf32>
    %slice3A_218 = vector.extract_strided_slice %dot_general3A_90 {offsets = [360, 0], sizes = [4, 1280], strides = [1, 1]} : vector<480x1280xf32> to vector<4x1280xf32>
    %mul3A_219 = vector.broadcast %slice3A_217 : vector<1x1280xf32> to vector<4x1280xf32>
    %mul3A_220 = arith.mulf %mul3A_219, %slice3A_218 : vector<4x1280xf32>
    %add3A_221 = arith.addf %add3A_216, %mul3A_220 : vector<4x1280xf32>
    %slice3A_222 = vector.extract_strided_slice %slice3A_25 {offsets = [6, 0], sizes = [1, 1280], strides = [1, 1]} : vector<16x1280xf32> to vector<1x1280xf32>
    %slice3A_223 = vector.extract_strided_slice %dot_general3A_90 {offsets = [368, 0], sizes = [4, 1280], strides = [1, 1]} : vector<480x1280xf32> to vector<4x1280xf32>
    %mul3A_224 = vector.broadcast %slice3A_222 : vector<1x1280xf32> to vector<4x1280xf32>
    %mul3A_225 = arith.mulf %mul3A_224, %slice3A_223 : vector<4x1280xf32>
    %add3A_226 = arith.addf %add3A_221, %mul3A_225 : vector<4x1280xf32>
    %slice3A_227 = vector.extract_strided_slice %slice3A_25 {offsets = [7, 0], sizes = [1, 1280], strides = [1, 1]} : vector<16x1280xf32> to vector<1x1280xf32>
    %slice3A_228 = vector.extract_strided_slice %dot_general3A_90 {offsets = [376, 0], sizes = [4, 1280], strides = [1, 1]} : vector<480x1280xf32> to vector<4x1280xf32>
    %mul3A_229 = vector.broadcast %slice3A_227 : vector<1x1280xf32> to vector<4x1280xf32>
    %mul3A_230 = arith.mulf %mul3A_229, %slice3A_228 : vector<4x1280xf32>
    %add3A_231 = arith.addf %add3A_226, %mul3A_230 : vector<4x1280xf32>
    %slice3A_232 = vector.extract_strided_slice %slice3A_25 {offsets = [8, 0], sizes = [1, 1280], strides = [1, 1]} : vector<16x1280xf32> to vector<1x1280xf32>
    %slice3A_233 = vector.extract_strided_slice %dot_general3A_90 {offsets = [384, 0], sizes = [4, 1280], strides = [1, 1]} : vector<480x1280xf32> to vector<4x1280xf32>
    %mul3A_234 = vector.broadcast %slice3A_232 : vector<1x1280xf32> to vector<4x1280xf32>
    %mul3A_235 = arith.mulf %mul3A_234, %slice3A_233 : vector<4x1280xf32>
    %add3A_236 = arith.addf %add3A_231, %mul3A_235 : vector<4x1280xf32>
    %slice3A_237 = vector.extract_strided_slice %slice3A_25 {offsets = [9, 0], sizes = [1, 1280], strides = [1, 1]} : vector<16x1280xf32> to vector<1x1280xf32>
    %slice3A_238 = vector.extract_strided_slice %dot_general3A_90 {offsets = [392, 0], sizes = [4, 1280], strides = [1, 1]} : vector<480x1280xf32> to vector<4x1280xf32>
    %mul3A_239 = vector.broadcast %slice3A_237 : vector<1x1280xf32> to vector<4x1280xf32>
    %mul3A_240 = arith.mulf %mul3A_239, %slice3A_238 : vector<4x1280xf32>
    %add3A_241 = arith.addf %add3A_236, %mul3A_240 : vector<4x1280xf32>
    %slice3A_242 = vector.extract_strided_slice %slice3A_25 {offsets = [10, 0], sizes = [1, 1280], strides = [1, 1]} : vector<16x1280xf32> to vector<1x1280xf32>
    %slice3A_243 = vector.extract_strided_slice %dot_general3A_90 {offsets = [400, 0], sizes = [4, 1280], strides = [1, 1]} : vector<480x1280xf32> to vector<4x1280xf32>
    %mul3A_244 = vector.broadcast %slice3A_242 : vector<1x1280xf32> to vector<4x1280xf32>
    %mul3A_245 = arith.mulf %mul3A_244, %slice3A_243 : vector<4x1280xf32>
    %add3A_246 = arith.addf %add3A_241, %mul3A_245 : vector<4x1280xf32>
    %slice3A_247 = vector.extract_strided_slice %slice3A_25 {offsets = [11, 0], sizes = [1, 1280], strides = [1, 1]} : vector<16x1280xf32> to vector<1x1280xf32>
    %slice3A_248 = vector.extract_strided_slice %dot_general3A_90 {offsets = [408, 0], sizes = [4, 1280], strides = [1, 1]} : vector<480x1280xf32> to vector<4x1280xf32>
    %mul3A_249 = vector.broadcast %slice3A_247 : vector<1x1280xf32> to vector<4x1280xf32>
    %mul3A_250 = arith.mulf %mul3A_249, %slice3A_248 : vector<4x1280xf32>
    %add3A_251 = arith.addf %add3A_246, %mul3A_250 : vector<4x1280xf32>
    %slice3A_252 = vector.extract_strided_slice %slice3A_25 {offsets = [12, 0], sizes = [1, 1280], strides = [1, 1]} : vector<16x1280xf32> to vector<1x1280xf32>
    %slice3A_253 = vector.extract_strided_slice %dot_general3A_90 {offsets = [416, 0], sizes = [4, 1280], strides = [1, 1]} : vector<480x1280xf32> to vector<4x1280xf32>
    %mul3A_254 = vector.broadcast %slice3A_252 : vector<1x1280xf32> to vector<4x1280xf32>
    %mul3A_255 = arith.mulf %mul3A_254, %slice3A_253 : vector<4x1280xf32>
    %add3A_256 = arith.addf %add3A_251, %mul3A_255 : vector<4x1280xf32>
    %slice3A_257 = vector.extract_strided_slice %slice3A_25 {offsets = [13, 0], sizes = [1, 1280], strides = [1, 1]} : vector<16x1280xf32> to vector<1x1280xf32>
    %slice3A_258 = vector.extract_strided_slice %dot_general3A_90 {offsets = [424, 0], sizes = [4, 1280], strides = [1, 1]} : vector<480x1280xf32> to vector<4x1280xf32>
    %mul3A_259 = vector.broadcast %slice3A_257 : vector<1x1280xf32> to vector<4x1280xf32>
    %mul3A_260 = arith.mulf %mul3A_259, %slice3A_258 : vector<4x1280xf32>
    %add3A_261 = arith.addf %add3A_256, %mul3A_260 : vector<4x1280xf32>
    %slice3A_262 = vector.extract_strided_slice %slice3A_25 {offsets = [14, 0], sizes = [1, 1280], strides = [1, 1]} : vector<16x1280xf32> to vector<1x1280xf32>
    %slice3A_263 = vector.extract_strided_slice %dot_general3A_90 {offsets = [432, 0], sizes = [4, 1280], strides = [1, 1]} : vector<480x1280xf32> to vector<4x1280xf32>
    %mul3A_264 = vector.broadcast %slice3A_262 : vector<1x1280xf32> to vector<4x1280xf32>
    %mul3A_265 = arith.mulf %mul3A_264, %slice3A_263 : vector<4x1280xf32>
    %add3A_266 = arith.addf %add3A_261, %mul3A_265 : vector<4x1280xf32>
    %slice3A_267 = vector.extract_strided_slice %slice3A_25 {offsets = [15, 0], sizes = [1, 1280], strides = [1, 1]} : vector<16x1280xf32> to vector<1x1280xf32>
    %slice3A_268 = vector.extract_strided_slice %dot_general3A_90 {offsets = [440, 0], sizes = [4, 1280], strides = [1, 1]} : vector<480x1280xf32> to vector<4x1280xf32>
    %mul3A_269 = vector.broadcast %slice3A_267 : vector<1x1280xf32> to vector<4x1280xf32>
    %mul3A_270 = arith.mulf %mul3A_269, %slice3A_268 : vector<4x1280xf32>
    %add3A_271 = arith.addf %add3A_266, %mul3A_270 : vector<4x1280xf32>
    %slice3A_272 = vector.extract_strided_slice %concatenate3A_19 {offsets = [16, 0], sizes = [1, 1280], strides = [1, 1]} : vector<32x1280xf32> to vector<1x1280xf32>
    %slice3A_273 = vector.extract_strided_slice %dot_general3A_90 {offsets = [448, 0], sizes = [4, 1280], strides = [1, 1]} : vector<480x1280xf32> to vector<4x1280xf32>
    %mul3A_274 = vector.broadcast %slice3A_272 : vector<1x1280xf32> to vector<4x1280xf32>
    %mul3A_275 = arith.mulf %mul3A_274, %slice3A_273 : vector<4x1280xf32>
    %slice3A_276 = vector.extract_strided_slice %concatenate3A_19 {offsets = [19, 0], sizes = [1, 1280], strides = [1, 1]} : vector<32x1280xf32> to vector<1x1280xf32>
    %slice3A_277 = vector.extract_strided_slice %dot_general3A_90 {offsets = [456, 0], sizes = [4, 1280], strides = [1, 1]} : vector<480x1280xf32> to vector<4x1280xf32>
    %mul3A_278 = vector.broadcast %slice3A_276 : vector<1x1280xf32> to vector<4x1280xf32>
    %mul3A_279 = arith.mulf %mul3A_278, %slice3A_277 : vector<4x1280xf32>
    %add3A_280 = arith.addf %mul3A_275, %mul3A_279 : vector<4x1280xf32>
    %slice3A_281 = vector.extract_strided_slice %concatenate3A_19 {offsets = [22, 0], sizes = [1, 1280], strides = [1, 1]} : vector<32x1280xf32> to vector<1x1280xf32>
    %slice3A_282 = vector.extract_strided_slice %dot_general3A_90 {offsets = [464, 0], sizes = [4, 1280], strides = [1, 1]} : vector<480x1280xf32> to vector<4x1280xf32>
    %mul3A_283 = vector.broadcast %slice3A_281 : vector<1x1280xf32> to vector<4x1280xf32>
    %mul3A_284 = arith.mulf %mul3A_283, %slice3A_282 : vector<4x1280xf32>
    %add3A_285 = arith.addf %add3A_280, %mul3A_284 : vector<4x1280xf32>
    %slice3A_286 = vector.extract_strided_slice %concatenate3A_19 {offsets = [25, 0], sizes = [1, 1280], strides = [1, 1]} : vector<32x1280xf32> to vector<1x1280xf32>
    %slice3A_287 = vector.extract_strided_slice %dot_general3A_90 {offsets = [472, 0], sizes = [4, 1280], strides = [1, 1]} : vector<480x1280xf32> to vector<4x1280xf32>
    %mul3A_288 = vector.broadcast %slice3A_286 : vector<1x1280xf32> to vector<4x1280xf32>
    %mul3A_289 = arith.mulf %mul3A_288, %slice3A_287 : vector<4x1280xf32>
    %add3A_290 = arith.addf %add3A_285, %mul3A_289 : vector<4x1280xf32>
    %slice3A_291 = vector.extract_strided_slice %concatenate3A_19 {offsets = [17, 0], sizes = [1, 1280], strides = [1, 1]} : vector<32x1280xf32> to vector<1x1280xf32>
    %slice3A_292 = vector.extract_strided_slice %dot_general3A_90 {offsets = [448, 0], sizes = [4, 1280], strides = [1, 1]} : vector<480x1280xf32> to vector<4x1280xf32>
    %mul3A_293 = vector.broadcast %slice3A_291 : vector<1x1280xf32> to vector<4x1280xf32>
    %mul3A_294 = arith.mulf %mul3A_293, %slice3A_292 : vector<4x1280xf32>
    %slice3A_295 = vector.extract_strided_slice %concatenate3A_19 {offsets = [20, 0], sizes = [1, 1280], strides = [1, 1]} : vector<32x1280xf32> to vector<1x1280xf32>
    %slice3A_296 = vector.extract_strided_slice %dot_general3A_90 {offsets = [456, 0], sizes = [4, 1280], strides = [1, 1]} : vector<480x1280xf32> to vector<4x1280xf32>
    %mul3A_297 = vector.broadcast %slice3A_295 : vector<1x1280xf32> to vector<4x1280xf32>
    %mul3A_298 = arith.mulf %mul3A_297, %slice3A_296 : vector<4x1280xf32>
    %add3A_299 = arith.addf %mul3A_294, %mul3A_298 : vector<4x1280xf32>
    %slice3A_300 = vector.extract_strided_slice %concatenate3A_19 {offsets = [23, 0], sizes = [1, 1280], strides = [1, 1]} : vector<32x1280xf32> to vector<1x1280xf32>
    %slice3A_301 = vector.extract_strided_slice %dot_general3A_90 {offsets = [464, 0], sizes = [4, 1280], strides = [1, 1]} : vector<480x1280xf32> to vector<4x1280xf32>
    %mul3A_302 = vector.broadcast %slice3A_300 : vector<1x1280xf32> to vector<4x1280xf32>
    %mul3A_303 = arith.mulf %mul3A_302, %slice3A_301 : vector<4x1280xf32>
    %add3A_304 = arith.addf %add3A_299, %mul3A_303 : vector<4x1280xf32>
    %slice3A_305 = vector.extract_strided_slice %concatenate3A_19 {offsets = [26, 0], sizes = [1, 1280], strides = [1, 1]} : vector<32x1280xf32> to vector<1x1280xf32>
    %slice3A_306 = vector.extract_strided_slice %dot_general3A_90 {offsets = [472, 0], sizes = [4, 1280], strides = [1, 1]} : vector<480x1280xf32> to vector<4x1280xf32>
    %mul3A_307 = vector.broadcast %slice3A_305 : vector<1x1280xf32> to vector<4x1280xf32>
    %mul3A_308 = arith.mulf %mul3A_307, %slice3A_306 : vector<4x1280xf32>
    %add3A_309 = arith.addf %add3A_304, %mul3A_308 : vector<4x1280xf32>
    %slice3A_310 = vector.extract_strided_slice %concatenate3A_19 {offsets = [18, 0], sizes = [1, 1280], strides = [1, 1]} : vector<32x1280xf32> to vector<1x1280xf32>
    %slice3A_311 = vector.extract_strided_slice %dot_general3A_90 {offsets = [448, 0], sizes = [4, 1280], strides = [1, 1]} : vector<480x1280xf32> to vector<4x1280xf32>
    %mul3A_312 = vector.broadcast %slice3A_310 : vector<1x1280xf32> to vector<4x1280xf32>
    %mul3A_313 = arith.mulf %mul3A_312, %slice3A_311 : vector<4x1280xf32>
    %slice3A_314 = vector.extract_strided_slice %concatenate3A_19 {offsets = [21, 0], sizes = [1, 1280], strides = [1, 1]} : vector<32x1280xf32> to vector<1x1280xf32>
    %slice3A_315 = vector.extract_strided_slice %dot_general3A_90 {offsets = [456, 0], sizes = [4, 1280], strides = [1, 1]} : vector<480x1280xf32> to vector<4x1280xf32>
    %mul3A_316 = vector.broadcast %slice3A_314 : vector<1x1280xf32> to vector<4x1280xf32>
    %mul3A_317 = arith.mulf %mul3A_316, %slice3A_315 : vector<4x1280xf32>
    %add3A_318 = arith.addf %mul3A_313, %mul3A_317 : vector<4x1280xf32>
    %slice3A_319 = vector.extract_strided_slice %concatenate3A_19 {offsets = [24, 0], sizes = [1, 1280], strides = [1, 1]} : vector<32x1280xf32> to vector<1x1280xf32>
    %slice3A_320 = vector.extract_strided_slice %dot_general3A_90 {offsets = [464, 0], sizes = [4, 1280], strides = [1, 1]} : vector<480x1280xf32> to vector<4x1280xf32>
    %mul3A_321 = vector.broadcast %slice3A_319 : vector<1x1280xf32> to vector<4x1280xf32>
    %mul3A_322 = arith.mulf %mul3A_321, %slice3A_320 : vector<4x1280xf32>
    %add3A_323 = arith.addf %add3A_318, %mul3A_322 : vector<4x1280xf32>
    %slice3A_324 = vector.extract_strided_slice %concatenate3A_19 {offsets = [27, 0], sizes = [1, 1280], strides = [1, 1]} : vector<32x1280xf32> to vector<1x1280xf32>
    %slice3A_325 = vector.extract_strided_slice %dot_general3A_90 {offsets = [472, 0], sizes = [4, 1280], strides = [1, 1]} : vector<480x1280xf32> to vector<4x1280xf32>
    %mul3A_326 = vector.broadcast %slice3A_324 : vector<1x1280xf32> to vector<4x1280xf32>
    %mul3A_327 = arith.mulf %mul3A_326, %slice3A_325 : vector<4x1280xf32>
    %add3A_328 = arith.addf %add3A_323, %mul3A_327 : vector<4x1280xf32>
    %slice3A_329 = vector.extract_strided_slice %add3A_271 {offsets = [0, 0], sizes = [1, 1280], strides = [1, 1]} : vector<4x1280xf32> to vector<1x1280xf32>
    %slice3A_330 = vector.extract_strided_slice %slice3A_23 {offsets = [1, 0], sizes = [1, 1280], strides = [1, 1]} : vector<4x1280xf32> to vector<1x1280xf32>
    %mul3A_331 = arith.mulf %slice3A_329, %slice3A_330 : vector<1x1280xf32>
    %slice3A_332 = vector.extract_strided_slice %add3A_290 {offsets = [0, 0], sizes = [1, 1280], strides = [1, 1]} : vector<4x1280xf32> to vector<1x1280xf32>
    %mul3A_333 = arith.mulf %slice3A_332, %slice3A_24 : vector<1x1280xf32>
    %add3A_334 = arith.addf %mul3A_331, %mul3A_333 : vector<1x1280xf32>
    %mul3A_335 = arith.constant 0.223606795 : f32
    %mul3A_336 = vector.broadcast %mul3A_335 : f32 to vector<1x1280xf32>
    %mul3A_337 = arith.mulf %add3A_334, %mul3A_336 : vector<1x1280xf32>
    %slice3A_338 = vector.extract_strided_slice %add3A_271 {offsets = [0, 0], sizes = [1, 1280], strides = [1, 1]} : vector<4x1280xf32> to vector<1x1280xf32>
    %slice3A_339 = vector.extract_strided_slice %slice3A_23 {offsets = [2, 0], sizes = [1, 1280], strides = [1, 1]} : vector<4x1280xf32> to vector<1x1280xf32>
    %mul3A_340 = arith.mulf %slice3A_338, %slice3A_339 : vector<1x1280xf32>
    %slice3A_341 = vector.extract_strided_slice %add3A_309 {offsets = [0, 0], sizes = [1, 1280], strides = [1, 1]} : vector<4x1280xf32> to vector<1x1280xf32>
    %mul3A_342 = arith.mulf %slice3A_341, %slice3A_24 : vector<1x1280xf32>
    %add3A_343 = arith.addf %mul3A_340, %mul3A_342 : vector<1x1280xf32>
    %mul3A_344 = arith.constant 0.223606795 : f32
    %mul3A_345 = vector.broadcast %mul3A_344 : f32 to vector<1x1280xf32>
    %mul3A_346 = arith.mulf %add3A_343, %mul3A_345 : vector<1x1280xf32>
    %slice3A_347 = vector.extract_strided_slice %add3A_271 {offsets = [0, 0], sizes = [1, 1280], strides = [1, 1]} : vector<4x1280xf32> to vector<1x1280xf32>
    %slice3A_348 = vector.extract_strided_slice %slice3A_23 {offsets = [3, 0], sizes = [1, 1280], strides = [1, 1]} : vector<4x1280xf32> to vector<1x1280xf32>
    %mul3A_349 = arith.mulf %slice3A_347, %slice3A_348 : vector<1x1280xf32>
    %slice3A_350 = vector.extract_strided_slice %add3A_328 {offsets = [0, 0], sizes = [1, 1280], strides = [1, 1]} : vector<4x1280xf32> to vector<1x1280xf32>
    %mul3A_351 = arith.mulf %slice3A_350, %slice3A_24 : vector<1x1280xf32>
    %add3A_352 = arith.addf %mul3A_349, %mul3A_351 : vector<1x1280xf32>
    %mul3A_353 = arith.constant 0.223606795 : f32
    %mul3A_354 = vector.broadcast %mul3A_353 : f32 to vector<1x1280xf32>
    %mul3A_355 = arith.mulf %add3A_352, %mul3A_354 : vector<1x1280xf32>
    %slice3A_356 = vector.extract_strided_slice %add3A_271 {offsets = [1, 0], sizes = [1, 1280], strides = [1, 1]} : vector<4x1280xf32> to vector<1x1280xf32>
    %slice3A_357 = vector.extract_strided_slice %slice3A_23 {offsets = [1, 0], sizes = [1, 1280], strides = [1, 1]} : vector<4x1280xf32> to vector<1x1280xf32>
    %mul3A_358 = arith.mulf %slice3A_356, %slice3A_357 : vector<1x1280xf32>
    %slice3A_359 = vector.extract_strided_slice %add3A_290 {offsets = [1, 0], sizes = [1, 1280], strides = [1, 1]} : vector<4x1280xf32> to vector<1x1280xf32>
    %mul3A_360 = arith.mulf %slice3A_359, %slice3A_24 : vector<1x1280xf32>
    %add3A_361 = arith.addf %mul3A_358, %mul3A_360 : vector<1x1280xf32>
    %mul3A_362 = arith.constant 0.223606795 : f32
    %mul3A_363 = vector.broadcast %mul3A_362 : f32 to vector<1x1280xf32>
    %mul3A_364 = arith.mulf %add3A_361, %mul3A_363 : vector<1x1280xf32>
    %slice3A_365 = vector.extract_strided_slice %add3A_271 {offsets = [1, 0], sizes = [1, 1280], strides = [1, 1]} : vector<4x1280xf32> to vector<1x1280xf32>
    %slice3A_366 = vector.extract_strided_slice %slice3A_23 {offsets = [2, 0], sizes = [1, 1280], strides = [1, 1]} : vector<4x1280xf32> to vector<1x1280xf32>
    %mul3A_367 = arith.mulf %slice3A_365, %slice3A_366 : vector<1x1280xf32>
    %slice3A_368 = vector.extract_strided_slice %add3A_309 {offsets = [1, 0], sizes = [1, 1280], strides = [1, 1]} : vector<4x1280xf32> to vector<1x1280xf32>
    %mul3A_369 = arith.mulf %slice3A_368, %slice3A_24 : vector<1x1280xf32>
    %add3A_370 = arith.addf %mul3A_367, %mul3A_369 : vector<1x1280xf32>
    %mul3A_371 = arith.constant 0.223606795 : f32
    %mul3A_372 = vector.broadcast %mul3A_371 : f32 to vector<1x1280xf32>
    %mul3A_373 = arith.mulf %add3A_370, %mul3A_372 : vector<1x1280xf32>
    %slice3A_374 = vector.extract_strided_slice %add3A_271 {offsets = [1, 0], sizes = [1, 1280], strides = [1, 1]} : vector<4x1280xf32> to vector<1x1280xf32>
    %slice3A_375 = vector.extract_strided_slice %slice3A_23 {offsets = [3, 0], sizes = [1, 1280], strides = [1, 1]} : vector<4x1280xf32> to vector<1x1280xf32>
    %mul3A_376 = arith.mulf %slice3A_374, %slice3A_375 : vector<1x1280xf32>
    %slice3A_377 = vector.extract_strided_slice %add3A_328 {offsets = [1, 0], sizes = [1, 1280], strides = [1, 1]} : vector<4x1280xf32> to vector<1x1280xf32>
    %mul3A_378 = arith.mulf %slice3A_377, %slice3A_24 : vector<1x1280xf32>
    %add3A_379 = arith.addf %mul3A_376, %mul3A_378 : vector<1x1280xf32>
    %mul3A_380 = arith.constant 0.223606795 : f32
    %mul3A_381 = vector.broadcast %mul3A_380 : f32 to vector<1x1280xf32>
    %mul3A_382 = arith.mulf %add3A_379, %mul3A_381 : vector<1x1280xf32>
    %slice3A_383 = vector.extract_strided_slice %add3A_271 {offsets = [2, 0], sizes = [1, 1280], strides = [1, 1]} : vector<4x1280xf32> to vector<1x1280xf32>
    %slice3A_384 = vector.extract_strided_slice %slice3A_23 {offsets = [1, 0], sizes = [1, 1280], strides = [1, 1]} : vector<4x1280xf32> to vector<1x1280xf32>
    %mul3A_385 = arith.mulf %slice3A_383, %slice3A_384 : vector<1x1280xf32>
    %slice3A_386 = vector.extract_strided_slice %add3A_290 {offsets = [2, 0], sizes = [1, 1280], strides = [1, 1]} : vector<4x1280xf32> to vector<1x1280xf32>
    %mul3A_387 = arith.mulf %slice3A_386, %slice3A_24 : vector<1x1280xf32>
    %add3A_388 = arith.addf %mul3A_385, %mul3A_387 : vector<1x1280xf32>
    %mul3A_389 = arith.constant 0.223606795 : f32
    %mul3A_390 = vector.broadcast %mul3A_389 : f32 to vector<1x1280xf32>
    %mul3A_391 = arith.mulf %add3A_388, %mul3A_390 : vector<1x1280xf32>
    %slice3A_392 = vector.extract_strided_slice %add3A_271 {offsets = [2, 0], sizes = [1, 1280], strides = [1, 1]} : vector<4x1280xf32> to vector<1x1280xf32>
    %slice3A_393 = vector.extract_strided_slice %slice3A_23 {offsets = [2, 0], sizes = [1, 1280], strides = [1, 1]} : vector<4x1280xf32> to vector<1x1280xf32>
    %mul3A_394 = arith.mulf %slice3A_392, %slice3A_393 : vector<1x1280xf32>
    %slice3A_395 = vector.extract_strided_slice %add3A_309 {offsets = [2, 0], sizes = [1, 1280], strides = [1, 1]} : vector<4x1280xf32> to vector<1x1280xf32>
    %mul3A_396 = arith.mulf %slice3A_395, %slice3A_24 : vector<1x1280xf32>
    %add3A_397 = arith.addf %mul3A_394, %mul3A_396 : vector<1x1280xf32>
    %mul3A_398 = arith.constant 0.223606795 : f32
    %mul3A_399 = vector.broadcast %mul3A_398 : f32 to vector<1x1280xf32>
    %mul3A_400 = arith.mulf %add3A_397, %mul3A_399 : vector<1x1280xf32>
    %slice3A_401 = vector.extract_strided_slice %add3A_271 {offsets = [2, 0], sizes = [1, 1280], strides = [1, 1]} : vector<4x1280xf32> to vector<1x1280xf32>
    %slice3A_402 = vector.extract_strided_slice %slice3A_23 {offsets = [3, 0], sizes = [1, 1280], strides = [1, 1]} : vector<4x1280xf32> to vector<1x1280xf32>
    %mul3A_403 = arith.mulf %slice3A_401, %slice3A_402 : vector<1x1280xf32>
    %slice3A_404 = vector.extract_strided_slice %add3A_328 {offsets = [2, 0], sizes = [1, 1280], strides = [1, 1]} : vector<4x1280xf32> to vector<1x1280xf32>
    %mul3A_405 = arith.mulf %slice3A_404, %slice3A_24 : vector<1x1280xf32>
    %add3A_406 = arith.addf %mul3A_403, %mul3A_405 : vector<1x1280xf32>
    %mul3A_407 = arith.constant 0.223606795 : f32
    %mul3A_408 = vector.broadcast %mul3A_407 : f32 to vector<1x1280xf32>
    %mul3A_409 = arith.mulf %add3A_406, %mul3A_408 : vector<1x1280xf32>
    %slice3A_410 = vector.extract_strided_slice %add3A_271 {offsets = [3, 0], sizes = [1, 1280], strides = [1, 1]} : vector<4x1280xf32> to vector<1x1280xf32>
    %slice3A_411 = vector.extract_strided_slice %slice3A_23 {offsets = [1, 0], sizes = [1, 1280], strides = [1, 1]} : vector<4x1280xf32> to vector<1x1280xf32>
    %mul3A_412 = arith.mulf %slice3A_410, %slice3A_411 : vector<1x1280xf32>
    %slice3A_413 = vector.extract_strided_slice %add3A_290 {offsets = [3, 0], sizes = [1, 1280], strides = [1, 1]} : vector<4x1280xf32> to vector<1x1280xf32>
    %mul3A_414 = arith.mulf %slice3A_413, %slice3A_24 : vector<1x1280xf32>
    %add3A_415 = arith.addf %mul3A_412, %mul3A_414 : vector<1x1280xf32>
    %mul3A_416 = arith.constant 0.223606795 : f32
    %mul3A_417 = vector.broadcast %mul3A_416 : f32 to vector<1x1280xf32>
    %mul3A_418 = arith.mulf %add3A_415, %mul3A_417 : vector<1x1280xf32>
    %slice3A_419 = vector.extract_strided_slice %add3A_271 {offsets = [3, 0], sizes = [1, 1280], strides = [1, 1]} : vector<4x1280xf32> to vector<1x1280xf32>
    %slice3A_420 = vector.extract_strided_slice %slice3A_23 {offsets = [2, 0], sizes = [1, 1280], strides = [1, 1]} : vector<4x1280xf32> to vector<1x1280xf32>
    %mul3A_421 = arith.mulf %slice3A_419, %slice3A_420 : vector<1x1280xf32>
    %slice3A_422 = vector.extract_strided_slice %add3A_309 {offsets = [3, 0], sizes = [1, 1280], strides = [1, 1]} : vector<4x1280xf32> to vector<1x1280xf32>
    %mul3A_423 = arith.mulf %slice3A_422, %slice3A_24 : vector<1x1280xf32>
    %add3A_424 = arith.addf %mul3A_421, %mul3A_423 : vector<1x1280xf32>
    %mul3A_425 = arith.constant 0.223606795 : f32
    %mul3A_426 = vector.broadcast %mul3A_425 : f32 to vector<1x1280xf32>
    %mul3A_427 = arith.mulf %add3A_424, %mul3A_426 : vector<1x1280xf32>
    %slice3A_428 = vector.extract_strided_slice %add3A_271 {offsets = [3, 0], sizes = [1, 1280], strides = [1, 1]} : vector<4x1280xf32> to vector<1x1280xf32>
    %slice3A_429 = vector.extract_strided_slice %slice3A_23 {offsets = [3, 0], sizes = [1, 1280], strides = [1, 1]} : vector<4x1280xf32> to vector<1x1280xf32>
    %mul3A_430 = arith.mulf %slice3A_428, %slice3A_429 : vector<1x1280xf32>
    %slice3A_431 = vector.extract_strided_slice %add3A_328 {offsets = [3, 0], sizes = [1, 1280], strides = [1, 1]} : vector<4x1280xf32> to vector<1x1280xf32>
    %mul3A_432 = arith.mulf %slice3A_431, %slice3A_24 : vector<1x1280xf32>
    %add3A_433 = arith.addf %mul3A_430, %mul3A_432 : vector<1x1280xf32>
    %mul3A_434 = arith.constant 0.223606795 : f32
    %mul3A_435 = vector.broadcast %mul3A_434 : f32 to vector<1x1280xf32>
    %mul3A_436 = arith.mulf %add3A_433, %mul3A_435 : vector<1x1280xf32>
    %broadcast_in_dim3A_437 = arith.constant 0.000000e+00 : f32
    %broadcast_in_dim3A_438 = vector.broadcast %broadcast_in_dim3A_437 : f32 to vector<3x1280xf32>
    %concatenate3A_439 = tpu.concatenate %mul3A_192, %mul3A_337, %mul3A_346, %mul3A_355, %mul3A_364, %mul3A_373, %mul3A_382, %mul3A_391, %mul3A_400, %mul3A_409, %mul3A_418, %mul3A_427, %mul3A_436, %select_n3A, %broadcast_in_dim3A_438 in 0 : vector<16x1280xf32>, vector<1x1280xf32>, vector<1x1280xf32>, vector<1x1280xf32>, vector<1x1280xf32>, vector<1x1280xf32>, vector<1x1280xf32>, vector<1x1280xf32>, vector<1x1280xf32>, vector<1x1280xf32>, vector<1x1280xf32>, vector<1x1280xf32>, vector<1x1280xf32>, vector<1x1280xf32>, vector<3x1280xf32> -> vector<32x1280xf32>
    %mul3A_440 = vector.broadcast %select_n3A : vector<1x1280xf32> to vector<32x1280xf32>
    %mul3A_441 = arith.mulf %concatenate3A_439, %mul3A_440 : vector<32x1280xf32>
    %slice3A_442 = vector.extract_strided_slice %mul3A_441 {offsets = [0, 0], sizes = [32, 320], strides = [1, 1]} : vector<32x1280xf32> to vector<32x320xf32>
    %slice3A_443 = vector.extract_strided_slice %mul3A_441 {offsets = [0, 320], sizes = [32, 320], strides = [1, 1]} : vector<32x1280xf32> to vector<32x320xf32>
    %slice3A_444 = vector.extract_strided_slice %mul3A_441 {offsets = [0, 640], sizes = [32, 320], strides = [1, 1]} : vector<32x1280xf32> to vector<32x320xf32>
    %slice3A_445 = vector.extract_strided_slice %mul3A_441 {offsets = [0, 960], sizes = [32, 320], strides = [1, 1]} : vector<32x1280xf32> to vector<32x320xf32>
    %concatenate3A_446 = tpu.concatenate %slice3A_442, %slice3A_443, %slice3A_444, %slice3A_445 in 0 : vector<32x320xf32>, vector<32x320xf32>, vector<32x320xf32>, vector<32x320xf32> -> vector<128x320xf32>
    %transpose3A_447 = tpu.transpose %concatenate3A_446, [1, 0] : vector<128x320xf32> -> vector<320x128xf32>
    %swap3A = arith.constant 0 : index
    %swap3A_448 = arith.constant 0 : index
    %swap3A_449 = vector.load %arg7[%swap3A, %swap3A_448] : memref<320x128xf32, #tpu.memory_space<vmem>>, vector<320x128xf32>
    tpu.vector_store %arg7[%swap3A, %swap3A_448], %transpose3A_447 {strides = array<i32>} : memref<320x128xf32, #tpu.memory_space<vmem>>, vector<320x128xf32>,
    return
  }
  func.func @transform_0(%arg0: i32) -> (i32, i32) {
    %add3A = arith.constant 0 : i32
    %add3A_0 = arith.addi %arg0, %add3A : i32
    %min3A = arith.constant 124 : i32
    %min3A_1 = arith.minsi %add3A_0, %min3A : i32
    %c0_i32 = arith.constant 0 : i32
    %c0_i32_2 = arith.constant 0 : i32
    return %c0_i32, %min3A_1 : i32, i32
  }
  func.func @transform_1(%arg0: i32) -> (i32, i32) {
    %add3A = arith.constant 0 : i32
    %add3A_0 = arith.addi %arg0, %add3A : i32
    %min3A = arith.constant 124 : i32
    %min3A_1 = arith.minsi %add3A_0, %min3A : i32
    %c0_i32 = arith.constant 0 : i32
    %c0_i32_2 = arith.constant 0 : i32
    return %c0_i32, %min3A_1 : i32, i32
  }
  func.func @transform_2(%arg0: i32) -> (i32, i32) {
    %c0_i32 = arith.constant 0 : i32
    %c0_i32_0 = arith.constant 0 : i32
    return %arg0, %c0_i32 : i32, i32
  }
  func.func @transform_3(%arg0: i32) -> (i32, i32) {
    %c0_i32 = arith.constant 0 : i32
    %c0_i32_0 = arith.constant 0 : i32
    %c0_i32_1 = arith.constant 0 : i32
    return %c0_i32, %c0_i32_0 : i32, i32
  }
  func.func @transform_4(%arg0: i32) -> (i32, i32) {
    %c0_i32 = arith.constant 0 : i32
    %c0_i32_0 = arith.constant 0 : i32
    %c0_i32_1 = arith.constant 0 : i32
    return %c0_i32, %c0_i32_0 : i32, i32
  }
  func.func @transform_5(%arg0: i32) -> (i32, i32) {
    %c0_i32 = arith.constant 0 : i32
    %c0_i32_0 = arith.constant 0 : i32
    %c0_i32_1 = arith.constant 0 : i32
    return %c0_i32, %c0_i32_0 : i32, i32
  }
  func.func @transform_6(%arg0: i32) -> (i32, i32) {
    %c0_i32 = arith.constant 0 : i32
    %c0_i32_0 = arith.constant 0 : i32
    return %arg0, %c0_i32 : i32, i32
  }
}

module attributes {stable_mosaic.version = 14 : i64} {
  func.func @_final_body(%arg0: memref<2x10000x32xf32, #tpu.memory_space<vmem>>, %arg1: memref<10000x28xf32, #tpu.memory_space<vmem>>, %arg2: memref<1x20xf32, #tpu.memory_space<vmem>>, %arg3: memref<1x16xf32, #tpu.memory_space<vmem>>, %arg4: memref<12x4xf32, #tpu.memory_space<vmem>>, %arg5: memref<4x12xf32, #tpu.memory_space<vmem>>, %arg6: memref<10000x28xf32, #tpu.memory_space<vmem>>) attributes {dimension_semantics = [], scalar_prefetch = 0 : i64, scratch_operands = 0 : i64, tpu.core_type = #tpu.core_type<tc>} {
    %get3A = arith.constant 0 : index
    %get3A_0 = arith.constant 0 : index
    %get3A_1 = arith.constant 0 : index
    %get3A_2 = vector.load %arg0[%get3A, %get3A_0, %get3A_1] : memref<2x10000x32xf32, #tpu.memory_space<vmem>>, vector<1x10000x32xf32>
    %get3A_3 = vector.shape_cast %get3A_2 : vector<1x10000x32xf32> to vector<10000x32xf32>
    %get3A_4 = arith.constant 1 : index
    %get3A_5 = arith.constant 0 : index
    %get3A_6 = arith.constant 0 : index
    %get3A_7 = vector.load %arg0[%get3A_4, %get3A_5, %get3A_6] : memref<2x10000x32xf32, #tpu.memory_space<vmem>>, vector<1x10000x32xf32>
    %get3A_8 = vector.shape_cast %get3A_7 : vector<1x10000x32xf32> to vector<10000x32xf32>
    %add3A = arith.addf %get3A_3, %get3A_8 : vector<10000x32xf32>
    %slice3A = vector.extract_strided_slice %add3A {offsets = [0, 28], sizes = [10000, 1], strides = [1, 1]} : vector<10000x32xf32> to vector<10000x1xf32>
    %max3A = arith.constant 1.000000e+00 : f32
    %max3A_9 = vector.broadcast %max3A : f32 to vector<10000x1xf32>
    %max3A_10 = arith.maximumf %slice3A, %max3A_9 : vector<10000x1xf32>
    %slice3A_11 = vector.extract_strided_slice %add3A {offsets = [0, 0], sizes = [10000, 28], strides = [1, 1]} : vector<10000x32xf32> to vector<10000x28xf32>
    %div3A = vector.broadcast %max3A_10 : vector<10000x1xf32> to vector<10000x28xf32>
    %div3A_12 = arith.divf %slice3A_11, %div3A : vector<10000x28xf32>
    %get3A_13 = arith.constant 0 : index
    %get3A_14 = arith.constant 0 : index
    %get3A_15 = vector.load %arg1[%get3A_13, %get3A_14] : memref<10000x28xf32, #tpu.memory_space<vmem>>, vector<10000x28xf32>
    %add3A_16 = arith.addf %div3A_12, %get3A_15 : vector<10000x28xf32>
    %slice3A_17 = vector.extract_strided_slice %add3A_16 {offsets = [0, 0], sizes = [10000, 16], strides = [1, 1]} : vector<10000x28xf32> to vector<10000x16xf32>
    %reduce_sum3A = arith.constant dense<0.000000e+00> : vector<16xf32>
    %reduce_sum3A_18 = vector.multi_reduction <add>, %slice3A_17, %reduce_sum3A [0] : vector<10000x16xf32> to vector<16xf32>
    %broadcast_in_dim3A = vector.shape_cast %reduce_sum3A_18 : vector<16xf32> to vector<1x16xf32>
    %div3A_19 = arith.constant 1.000000e+04 : f32
    %div3A_20 = vector.broadcast %div3A_19 : f32 to vector<1x16xf32>
    %div3A_21 = arith.divf %broadcast_in_dim3A, %div3A_20 : vector<1x16xf32>
    %mul3A = arith.mulf %slice3A_17, %slice3A_17 : vector<10000x16xf32>
    %reduce_sum3A_22 = arith.constant dense<0.000000e+00> : vector<16xf32>
    %reduce_sum3A_23 = vector.multi_reduction <add>, %mul3A, %reduce_sum3A_22 [0] : vector<10000x16xf32> to vector<16xf32>
    %broadcast_in_dim3A_24 = vector.shape_cast %reduce_sum3A_23 : vector<16xf32> to vector<1x16xf32>
    %div3A_25 = arith.constant 1.000000e+04 : f32
    %div3A_26 = vector.broadcast %div3A_25 : f32 to vector<1x16xf32>
    %div3A_27 = arith.divf %broadcast_in_dim3A_24, %div3A_26 : vector<1x16xf32>
    %mul3A_28 = arith.mulf %div3A_21, %div3A_21 : vector<1x16xf32>
    %sub3A = arith.subf %div3A_27, %mul3A_28 : vector<1x16xf32>
    %sub3A_29 = vector.broadcast %div3A_21 : vector<1x16xf32> to vector<10000x16xf32>
    %sub3A_30 = arith.subf %slice3A_17, %sub3A_29 : vector<10000x16xf32>
    %add3A_31 = arith.constant 9.99999974E-6 : f32
    %add3A_32 = vector.broadcast %add3A_31 : f32 to vector<1x16xf32>
    %add3A_33 = arith.addf %sub3A, %add3A_32 : vector<1x16xf32>
    %rsqrt3A = math.rsqrt %add3A_33 : vector<1x16xf32>
    %mul3A_34 = vector.broadcast %rsqrt3A : vector<1x16xf32> to vector<10000x16xf32>
    %mul3A_35 = arith.mulf %sub3A_30, %mul3A_34 : vector<10000x16xf32>
    %get3A_36 = arith.constant 0 : index
    %get3A_37 = arith.constant 0 : index
    %get3A_38 = vector.load %arg2[%get3A_36, %get3A_37] : memref<1x20xf32, #tpu.memory_space<vmem>>, vector<1x20xf32>
    %slice3A_39 = vector.extract_strided_slice %get3A_38 {offsets = [0, 0], sizes = [1, 16], strides = [1, 1]} : vector<1x20xf32> to vector<1x16xf32>
    %mul3A_40 = vector.broadcast %slice3A_39 : vector<1x16xf32> to vector<10000x16xf32>
    %mul3A_41 = arith.mulf %mul3A_35, %mul3A_40 : vector<10000x16xf32>
    %get3A_42 = arith.constant 0 : index
    %get3A_43 = arith.constant 0 : index
    %get3A_44 = vector.load %arg3[%get3A_42, %get3A_43] : memref<1x16xf32, #tpu.memory_space<vmem>>, vector<1x16xf32>
    %add3A_45 = vector.broadcast %get3A_44 : vector<1x16xf32> to vector<10000x16xf32>
    %add3A_46 = arith.addf %mul3A_41, %add3A_45 : vector<10000x16xf32>
    %slice3A_47 = vector.extract_strided_slice %add3A_16 {offsets = [0, 16], sizes = [10000, 12], strides = [1, 1]} : vector<10000x28xf32> to vector<10000x12xf32>
    %mul3A_48 = arith.mulf %slice3A_47, %slice3A_47 : vector<10000x12xf32>
    %reduce_sum3A_49 = arith.constant dense<0.000000e+00> : vector<12xf32>
    %reduce_sum3A_50 = vector.multi_reduction <add>, %mul3A_48, %reduce_sum3A_49 [0] : vector<10000x12xf32> to vector<12xf32>
    %broadcast_in_dim3A_51 = vector.shape_cast %reduce_sum3A_50 : vector<12xf32> to vector<1x12xf32>
    %get3A_52 = arith.constant 0 : index
    %get3A_53 = arith.constant 0 : index
    %get3A_54 = vector.load %arg4[%get3A_52, %get3A_53] : memref<12x4xf32, #tpu.memory_space<vmem>>, vector<12x4xf32>
    %dot_general3A = arith.constant dense<0.000000e+00> : vector<1x4xf32>
    %dot_general3A_55 = tpu.matmul %broadcast_in_dim3A_51, %get3A_54, %dot_general3A {dimension_numbers = #tpu.dot_dimension_numbers<[1], [0], [0], [1], [0, 0, 1, 1], [], []>, transpose_lhs_hint = false} : vector<1x12xf32>, vector<12x4xf32>, vector<1x4xf32> -> vector<1x4xf32>
    %div3A_56 = arith.constant 3.000000e+04 : f32
    %div3A_57 = vector.broadcast %div3A_56 : f32 to vector<1x4xf32>
    %div3A_58 = arith.divf %dot_general3A_55, %div3A_57 : vector<1x4xf32>
    %get3A_59 = arith.constant 0 : index
    %get3A_60 = arith.constant 0 : index
    %get3A_61 = vector.load %arg2[%get3A_59, %get3A_60] : memref<1x20xf32, #tpu.memory_space<vmem>>, vector<1x20xf32>
    %slice3A_62 = vector.extract_strided_slice %get3A_61 {offsets = [0, 16], sizes = [1, 4], strides = [1, 1]} : vector<1x20xf32> to vector<1x4xf32>
    %add3A_63 = arith.constant 9.99999974E-6 : f32
    %add3A_64 = vector.broadcast %add3A_63 : f32 to vector<1x4xf32>
    %add3A_65 = arith.addf %div3A_58, %add3A_64 : vector<1x4xf32>
    %rsqrt3A_66 = math.rsqrt %add3A_65 : vector<1x4xf32>
    %mul3A_67 = arith.mulf %slice3A_62, %rsqrt3A_66 : vector<1x4xf32>
    %get3A_68 = arith.constant 0 : index
    %get3A_69 = arith.constant 0 : index
    %get3A_70 = vector.load %arg5[%get3A_68, %get3A_69] : memref<4x12xf32, #tpu.memory_space<vmem>>, vector<4x12xf32>
    %dot_general3A_71 = arith.constant dense<0.000000e+00> : vector<1x12xf32>
    %dot_general3A_72 = tpu.matmul %mul3A_67, %get3A_70, %dot_general3A_71 {dimension_numbers = #tpu.dot_dimension_numbers<[1], [0], [0], [1], [0, 0, 1, 1], [], []>, transpose_lhs_hint = false} : vector<1x4xf32>, vector<4x12xf32>, vector<1x12xf32> -> vector<1x12xf32>
    %mul3A_73 = vector.broadcast %dot_general3A_72 : vector<1x12xf32> to vector<10000x12xf32>
    %mul3A_74 = arith.mulf %slice3A_47, %mul3A_73 : vector<10000x12xf32>
    %concatenate3A = tpu.concatenate %add3A_46, %mul3A_74 in 1 : vector<10000x16xf32>, vector<10000x12xf32> -> vector<10000x28xf32>
    %swap3A = arith.constant 0 : index
    %swap3A_75 = arith.constant 0 : index
    %swap3A_76 = vector.load %arg6[%swap3A, %swap3A_75] : memref<10000x28xf32, #tpu.memory_space<vmem>>, vector<10000x28xf32>
    tpu.vector_store %arg6[%swap3A, %swap3A_75], %concatenate3A {strides = array<i32>} : memref<10000x28xf32, #tpu.memory_space<vmem>>, vector<10000x28xf32>,
    return
  }
}

</mosaic_0001>

<sc_bundles>
// kernel: kernel.6.cloned.1.call-start
scs
__scs_entry_jumppad:
0x0: {  	(pc) =	sbr.rel $0x88, $3  }
0x1: {  	(tag) =	ssettag $0x0;
	lr =	simm.s32 $0x1  }
0x2: {  	[smem:$0x3F97] =	sst lr;
	_ =	strace $0xD0000000  }
0x3: {  	_ = 	snop  }
0x4: {  	_ = 	snop  }
0x5: {  	_ = 	snop  }
0x6: {  	_ = 	snop  }
0x7: {  	_ = 	snop  }
__scs_overlays_trampoline_lowered:
0x8: {  	[smem:$0x3FA6] =	sst s0  }
0x9: {  	[smem:$0x3FA7] =	sst s1  }
0xa: {  	[smem:$0x3FA8] =	sst s2  }
0xb: {  	[smem:$0x3FA9] =	sst s3  }
0xc: {  	[smem:$0x3FAA] =	sst s4  }
0xd: {  	[smem:$0x3FAB] =	sst s5  }
0xe: {  	[smem:$0x3FAC] =	sst s6  }
0xf: {  	[smem:$0x3FAD] =	sst s7  }
0x10: {  	[smem:$0x3FAE] =	sst s8  }
0x11: {  	[smem:$0x3FAF] =	sst s9;
	s0 =	simm.s32 @!p0 $0x0  }
0x12: {  	s1 =	sld [smem:$0x3F95];
	s0 =	simm.s32 @p0 $0x1  }
0x13: {  	[smem:$0x3FB0] =	sst s0;
	s0 =	simm.s32 @!p1 $0x0  }
0x14: {  	s2 =	sld [smem:$0x3F94];
	s0 =	simm.s32 @p1 $0x1  }
0x15: {  	[smem:$0x3FB1] =	sst s0;
	s0 =	simm.s32 @!p2 $0x0  }
0x16: {  	s3 =	sld [smem:$0x3FDB];
	s0 =	simm.s32 @p2 $0x1  }
0x17: {  	s4 =	simm.s32 $0x1BF5;
	[smem:$0x3FB3] =	sst s0  }
0x18: {  	s0 =	sld [smem:$0x3F96];
	_ =	swait.ge [sflag:s4], $0x0  }
0x19: {  	s7 =	sld [smem:$0x3F97]  }
0x1a: {  	s8 =	sadd.s32 $0xFFFFE003, lr  }
0x1b: {  	s9 =	sadd.s32 $0xFFFFFEF7, lr;
	s5 =	simm.s32 $0xFFFFFFFF;
	p2 =	slt.u32 s8, $0xFFFFF086  }
0x1c: {  	p1 =	slt.u32 s9, $0xF7A;
	s5 =	simm.s32 @!p2 $0x0  }
0x1d: {  	s5 =	simm.s32 @p1 $0x1;
	p0 =	seq.s32 s7, s2  }
0x1e: {  	s7 =	smul.u32 @!p0 $0xF7A, s2;
	p2 =	seq.s32 @!p0 s5, $0x0  }
0x1f: {  	s9 =	smul.u32 $0xF7A, s1;
	s8 =	simm.s32 @!p0 $0x1BF5;
	p2 =	por !p2, p0  }
0x20: {  	[sflag:s8] =	ssyncset.s32 @!p0 $0xFFFFF086;
	s6 =	sadd.s32 @!p0 s3, s7;
	s7 =	simm.s32 @!p0 $0x108  }
0x21: {  	s3 =	sadd.s32 s3, s9;
	s6 =	sadd.s32 @!p0 $0x88, s6;
	s7 =	simm.s32 @p2 $0x1082  }
0x22: {  	[simem:s7], [sflag:s8] =	dma.local @!p0 [hbm:s6], $0xF7A  }
0x23: {  	s9 =	sor.u32 $0xD0000000, s2;
	s6 =	simm.s32 $0x108;
	_ =	swait.ge @!p0 [sflag:s8], $0x0  }
0x24: {  	s3 =	sadd.s32 $0x88, s3;
	s6 =	simm.s32 @!p1 $0x1082;
	[sflag:s4] =	ssyncset.s32 $0xFFFFF086  }
0x25: {  	[simem:s6], [sflag:s4] =	dma.local [hbm:s3], $0xF7A  }
0x26: {  	[smem:$0x3F97] =	sst s1;
	(tag) =	ssettag s2;
	_ =	strace s9  }
0x27: {  	s1 =	sld [smem:$0x3FA7]  }
0x28: {  	s2 =	sld [smem:$0x3FA8]  }
0x29: {  	s4 =	sld [smem:$0x3FAA]  }
0x2a: {  	p0 =	seq.s32 s5, $0x0;
	s5 =	sld [smem:$0x3FAB]  }
0x2b: {  	s6 =	sld [smem:$0x3FAC]  }
0x2c: {  	s7 =	sld [smem:$0x3FAD]  }
0x2d: {  	s3 =	simm.s32 $0x108;
	s8 =	sld [smem:$0x3FAE]  }
0x2e: {  	s3 =	simm.s32 @!p0 $0x1082;
	s9 =	sld [smem:$0x3FAF]  }
0x2f: {  	lr =	sadd.s32 s0, s3;
	s0 =	sld [smem:$0x3FA6]  }
0x30: {  	s3 =	sld [smem:$0x3FA9]  }
0x31: {  	[smem:$0x3FB2] =	sst s10  }
0x32: {  	s10 =	sld [smem:$0x3FB0];
	_ =	sdelay $0x3  }
0x33: {  	p0 =	seq.s32 s10, $0x1;
	s10 =	sld [smem:$0x3FB2];
	_ =	sdelay $0x3  }
0x34: {  	[smem:$0x3FB2] =	sst s10  }
0x35: {  	s10 =	sld [smem:$0x3FB1];
	_ =	sdelay $0x3  }
0x36: {  	p1 =	seq.s32 s10, $0x1;
	s10 =	sld [smem:$0x3FB2];
	_ =	sdelay $0x3  }
0x37: {  	[smem:$0x3FB2] =	sst s10  }
0x38: {  	s10 =	sld [smem:$0x3FB3]  }
0x39: {  	_ = 	snop;
	(pc) =	sbr.ind lr, $3  }
0x3a: {  	_ = 	snop  }
0x3b: {  	_ = 	snop  }
0x3c: {  	p2 =	seq.s32 s10, $0x1;
	s10 =	sld [smem:$0x3FB2]  }
0x3d: {  	_ =	shalt  }
0x3e: {  	_ =	shalt  }
0x3f: {  	_ =	shalt  }
0x40: {  	_ =	shalt  }
0x41: {  	_ =	shalt  }
0x42: {  	_ =	shalt  }
0x43: {  	_ =	shalt  }
0x44: {  	_ =	shalt  }
0x45: {  	_ =	shalt  }
0x46: {  	_ =	shalt  }
0x47: {  	_ =	shalt  }
0x48: {  	_ =	shalt  }
0x49: {  	_ =	shalt  }
0x4a: {  	_ =	shalt  }
0x4b: {  	_ =	shalt  }
0x4c: {  	_ =	shalt  }
0x4d: {  	_ =	shalt  }
0x4e: {  	_ =	shalt  }
0x4f: {  	_ =	shalt  }
0x50: {  	_ =	shalt  }
0x51: {  	_ =	shalt  }
0x52: {  	_ =	shalt  }
0x53: {  	_ =	shalt  }
0x54: {  	_ =	shalt  }
0x55: {  	_ =	shalt  }
0x56: {  	_ =	shalt  }
0x57: {  	_ =	shalt  }
0x58: {  	_ =	shalt  }
0x59: {  	_ =	shalt  }
0x5a: {  	_ =	shalt  }
0x5b: {  	_ =	shalt  }
0x5c: {  	_ =	shalt  }
0x5d: {  	_ =	shalt  }
0x5e: {  	_ =	shalt  }
0x5f: {  	_ =	shalt  }
0x60: {  	_ =	shalt  }
0x61: {  	_ =	shalt  }
0x62: {  	_ =	shalt  }
0x63: {  	_ =	shalt  }
0x64: {  	_ =	shalt  }
0x65: {  	_ =	shalt  }
0x66: {  	_ =	shalt  }
0x67: {  	_ =	shalt  }
0x68: {  	_ =	shalt  }
0x69: {  	_ =	shalt  }
0x6a: {  	_ =	shalt  }
0x6b: {  	_ =	shalt  }
0x6c: {  	_ =	shalt  }
0x6d: {  	_ =	shalt  }
0x6e: {  	_ =	shalt  }
0x6f: {  	_ =	shalt  }
0x70: {  	_ =	shalt  }
0x71: {  	_ =	shalt  }
0x72: {  	_ =	shalt  }
0x73: {  	_ =	shalt  }
0x74: {  	_ =	shalt  }
0x75: {  	_ =	shalt  }
0x76: {  	_ =	shalt  }
0x77: {  	_ =	shalt  }
0x78: {  	_ =	shalt  }
0x79: {  	_ =	shalt  }
0x7a: {  	_ =	shalt  }
0x7b: {  	_ =	shalt  }
0x7c: {  	_ =	shalt  }
0x7d: {  	_ =	shalt  }
0x7e: {  	_ =	shalt  }
0x7f: {  	_ =	shalt  }
0x80: {  	_ =	shalt  }
0x81: {  	_ =	shalt  }
0x82: {  	_ =	shalt  }
0x83: {  	_ =	shalt  }
0x84: {  	_ =	shalt  }
0x85: {  	_ =	shalt  }
0x86: {  	_ =	shalt  }
0x87: {  	_ =	shalt  }
.Lfunc_end0:
.L_simem_size_0:
called_computation_lowered:
.L_overlay_start_0:
0x88: {  	s2 =	sld [smem:$0x3FD9]  }
0x89: {  	s3 =	sld [smem:$0x3FFE];
	_ =	sdelay $0x1  }
0x8a: {  	s1 =	srdreg.scid  }
0x8b: {  	s0 =	sand.u32 $0x1, s1  }
0x8c: {  	s17 =	sshll.u32 s0, $0xA;
	s2 =	sadd.s32 s3, s2  }
0x8d: {  	s2 =	sadd.s32 s2, s17  }
0x8e: {  	[smem:$0x3FBE] =	sst s2  }
0x8f: {  	_ = 	snop  }
0x90: {  	s2 =	sld [smem:$0x3FD0];
	(tm) =	ssettm $0x1  }
0x91: {  	s18 =	sld [smem:$0x3FFB];
	_ =	sdelay $0x3  }
0x92: {  	_ =	strace s18  }
0x93: {  	s3 =	sld [smem:$0x3FFC];
	_ =	sdelay $0x3  }
0x94: {  	_ =	strace s3  }
0x95: {  	s3 =	sld [smem:$0x3FFD];
	_ =	sdelay $0x3  }
0x96: {  	_ =	strace s3  }
0x97: {  	_ =	strace $0x8FFFFFFF  }
0x98: {  	s19 =	sld [smem:$0x3FDB];
	_ =	sdelay $0x1  }
0x99: {  	s4 =	simm.s32 $_scs_section_size  }
0x9a: {  	s5 =	simm.s32 $_size__tile_overlayer_lowered;
	s6 =	simm.s32 $_tile_overlayer_lowered  }
0x9b: {  	s22 =	simm.s32 $0x1BFF;
	s21 =	sshll.u32 s6, $0x1;
	s3 =	sadd.s32 s4, s19  }
0x9c: {  	s7 =	simm.s32 $0x0;
	s20 =	sshll.u32 s5, $0x1;
	s5 =	sadd.s32 s21, s3  }
0x9d: {  	[timem:s7], [sflag:s22] =	dma.local [hbm:s5], s20  }
0x9e: {  	_ =	swait.ge [sflag:s22], s20  }
0x9f: {  	s4 =	ssub.s32 $0x0, s20;
	[sflag:s22] =	ssyncset.done $0x0  }
0xa0: {  	[sflag:s22] =	ssyncadd.s32 s4;
	_ =	sdelay $0x1  }
0xa1: {  	s23 =	simm.s32 $0x1B8B  }
0xa2: {  	_ =	swait.ge [sflag:s23], $0x1  }
0xa3: {  	[sflag:s23] =	ssyncset.done $0x0  }
0xa4: {  	s25 =	simm.s32 $0x1B8E;
	s24 =	sld [smem:$0x3FFE];
	[sflag:s23] =	ssyncadd.s32 $0xFFFFFFFF  }
0xa5: {  	s26 =	simm.s32 $execute0_lowered;
	[smem:$0x3FD2] =	sst s25  }
0xa6: {  	s5 =	sshll.u32 s26, $0x1;
	_ =	strace $0x80000046;
	[dreg:$0x1] =	wrdreg $0xFFFFFFFF  }
0xa7: {  	s28 =	simm.s32 $_size_execute0_lowered;
	s3 =	sadd.s32 s3, s5;
	[dreg:$0x0] =	wrdreg $0x0  }
0xa8: {  	s5 =	sshll.u32 s28, $0x1;
	[dreg:$0x2] =	wrdreg s3  }
0xa9: {  	[dreg:$0x3] =	wrdreg s5  }
0xaa: {  	[dreg:$0x4] =	wrdreg $0xC0  }
0xab: {  	_ =	task [dreg:s7], $0x5FFFF  }
0xac: {  	[dreg:$0x1] =	wrdreg $0xFFFFFFFF  }
0xad: {  	[dreg:$0x0] =	wrdreg $0x60  }
0xae: {  	[dreg:$0x2] =	wrdreg s2  }
0xaf: {  	[dreg:$0x3] =	wrdreg s24  }
0xb0: {  	[dreg:$0x4] =	wrdreg $0x9  }
0xb1: {  	_ =	task.clear_ibuf [dreg:s7], $0x5FFFF;
	_ =	strace $0x90000046  }
0xb2: {  	s29 =	simm.s32 $0x9;
	_ =	strace $0x80000048  }
0xb3: {  	_ =	swait.ge [sflag:s29], $0x1  }
0xb4: {  	[sflag:s29] =	ssyncadd.s32 $0xFFFFFFFF  }
0xb5: {  	_ =	strace $0x90000048  }
0xb6: {  	_ =	sfence  }
0xb7: {  	s30 =	sld [smem:$0x0];
	_ =	sdelay $0x2  }
0xb8: {  	s31 =	sshll.u32 s1, $0xD;
	s1 =	sshrl.u32 s1, $0x2  }
0xb9: {  	s3 =	sand.u32 $0x4000, s31;
	s1 =	sadd.s32 s1, s30  }
0xba: {  	s0 =	sor.u32 s3, s0;
	s1 =	sshll.u32 s1, $0x11  }
0xbb: {  	s0 =	sor.u32 s1, s0  }
0xbc: {  	s0 =	sadd.s32 $0x8F2B, s0  }
0xbd: {  	[sflag:s0] =	ssyncadd.remote.s32 $0x1  }
0xbe: {  	_ =	sfence.sel $0xFFFF  }
0xbf: {  	[dreg:$0x0] =	wrdreg $0xFFFFFFFF;
	(pc) =	sbr.abs _section_cstart, $3  }
0xc0: {  	[dreg:$0x1] =	wrdreg $0xFFFFFFFF  }
0xc1: {  	_ =	task.clear_ibuf [dreg:s7], $0x2FFFF;
	_ =	strace $0x9FFFFFFF  }
0xc2: {  	(tm) =	ssettm $0x7FFFFFFF  }
0xc3: {  	_ =	shalt  }
tec
execute0_lowered:
.L_overlay_start_1:
0x0: {  	(tag) =	ssettag $0x1  }
0x1: {  	s0 =	srdreg.scid;
	s2 =	rddreg [dreg:$0x0]  }
0x2: {  	s11 =	stileid.u32;
	s4 =	rddreg [dreg:$0x1];
	s3 =	simm.s32 $0x0  }
0x3: {  	s14 =	simm.s32 $0x9;
	s15 =	simm.s32 $0x100;
	s16 =	simm.s32 $0x1400  }
0x4: {  	s17 =	simm.s32 $0x3400;
	s19 =	simm.s32 $0x5400;
	s21 =	simm.s32 $0x7400  }
0x5: {  	s22 =	simm.s32 $0x1;
	s23 =	simm.s32 $0x5;
	s24 =	simm.s32 $0x2  }
0x6: {  	s28 =	simm.s32 $0x7;
	s0 =	sand.u32 $0x1, s0;
	s8 =	smul.u32 $0x1400, s11  }
0x7: {  	s29 =	simm.s32 $0x4;
	s30 =	simm.s32 $0x8;
	s9 =	smul.u32 $0x280000, s0  }
0x8: {  	s1 =	sshll.u32 s0, $0x4;
	s7 =	ssub.s32 $0x2, s0;
	s0 =	smul.u32 $0x14000, s0  }
0x9: {  	s31 =	simm.s32 $0x0;
	s1 =	sor.u32 s11, s1;
	s11 =	smul.u32 $0x28000, s11  }
0xa: {  	[smem:$0x7FF] =	sst s3;
	s10 =	sadd.s32 $0x6000, s4;
	s5 =	smul.u32 $0x1400, s1  }
0xb: {  	_ =	strace $0x80000047;
	s25 =	sshrl.u32 s7, $0x1;
	s6 =	smul.u32 $0x28000, s1  }
0xc: {  	s1 =	smul.u32 $0x5000, s1;
	s7 =	ssub.s32 s7, s25;
	s0 =	sadd.s32 s8, s0  }
0xd: {  	s25 =	simm.s32 $0x6;
	s11 =	sadd.s32 s11, s9;
	s0 =	sshll.u32 s0, $0x2  }
0xe: {  	s5 =	sshrl.u32 s5, $0x3;
	s6 =	sshrl.u32 s6, $0x3;
	s1 =	sadd.s32 s10, s1  }
0xf: {  	s26 =	sshrl.u32 s11, $0x3;
	s0 =	sadd.s32 s0, s10;
	s5 =	sadd.s32 s5, s4  }
0x10: {  	s6 =	sadd.s32 s10, s6;
	s8 =	sadd.s32 $0x4800, s1;
	s9 =	sadd.s32 $0x4C00, s1  }
0x11: {  	s10 =	sadd.s32 s26, s10;
	s11 =	sadd.s32 $0xC00, s0;
	s12 =	sadd.s32 $0x800, s0  }
0x12: {  	s13 =	sadd.s32 $0x400, s0;
	s26 =	simm.s32 $0x3;
	s4 =	sadd.s32 $0x1000, s5  }
0x13: {  	s5 =	smax.u32 s7, $0x1;
	s6 =	sadd.s32 $0x4000, s6;
	s7 =	sadd.s32 $0x4400, s1  }
.LBB2_1:
0x14: {  	[tilespmem:s3], [sflag:$0x9] =	stream.linear.gather [hbm4b:s4+s3], $0x1400, $0x38;
	[tilespmem:$0x9400] =	vst v63  }
0x15: {  	_ =	swait.ge [sflag:s14], $0x1400  }
0x16: {  	[sflag:s14] =	ssyncset.done $0x0  }
0x17: {  	[sflag:s14] =	ssyncadd.s32 $0xFFFFEC00  }
0x18: {  	[tilespmem:s16], [sflag:$0x1] =	stream.indirect.gather [hbm4b:s2+s15], $0x20, s3, s15, $0xb8;
	[tilespmem:$0x9400] =	vst v63  }
0x19: {  	_ = 	snop  }
0x1a: {  	[tilespmem:s17], [sflag:$0x2] =	stream.indirect.gather [hbm4b:s2+s15], $0x20, s15, s15, $0xb8;
	[tilespmem:$0x9400] =	vst v63  }
0x1b: {  	s0 =	simm.s32 $0x200  }
0x1c: {  	[tilespmem:s19], [sflag:$0x3] =	stream.indirect.gather [hbm4b:s2+s15], $0x20, s0, s15, $0xb8;
	[tilespmem:$0x9400] =	vst v63  }
0x1d: {  	s18 =	simm.s32 $0x300  }
0x1e: {  	[tilespmem:s21], [sflag:$0x4] =	stream.indirect.gather [hbm4b:s2+s15], $0x20, s18, s15, $0xb8;
	[tilespmem:$0x9400] =	vst v63  }
0x1f: {  	_ =	swait.ge [sflag:s22], $0x2000  }
0x20: {  	[sflag:s22] =	ssyncset.done $0x0  }
0x21: {  	s20 =	sadd.s32 $0x0, s10;
	[sflag:s22] =	ssyncadd.s32 $0xFFFFE000  }
0x22: {  	[hbm4b:s20+s3] =	stream.linear.scatter [tilespmem:s16], [sflag:$0x5], $0x2000, $0x38;
	[tilespmem:$0x9400] =	vst v63  }
0x23: {  	_ =	swait.ge [sflag:s23], $0x2000  }
0x24: {  	[sflag:s23] =	ssyncset.done $0x0  }
0x25: {  	s1 =	simm.s32 $0x400;
	[sflag:s23] =	ssyncadd.s32 $0xFFFFE000  }
0x26: {  	[tilespmem:s16], [sflag:$0x1] =	stream.indirect.gather [hbm4b:s2+s15], $0x20, s1, s15, $0xb8;
	[tilespmem:$0x9400] =	vst v63  }
0x27: {  	_ =	swait.ge [sflag:s24], $0x2000  }
0x28: {  	[sflag:s24] =	ssyncset.done $0x0  }
0x29: {  	s18 =	sadd.s32 $0x0, s13;
	[sflag:s24] =	ssyncadd.s32 $0xFFFFE000  }
0x2a: {  	[hbm4b:s18+s3] =	stream.linear.scatter [tilespmem:s17], [sflag:$0x6], $0x2000, $0x38;
	[tilespmem:$0x9400] =	vst v63  }
0x2b: {  	_ =	swait.ge [sflag:s25], $0x2000  }
0x2c: {  	[sflag:s25] =	ssyncset.done $0x0  }
0x2d: {  	s20 =	simm.s32 $0x500;
	[sflag:s25] =	ssyncadd.s32 $0xFFFFE000  }
0x2e: {  	[tilespmem:s17], [sflag:$0x2] =	stream.indirect.gather [hbm4b:s2+s15], $0x20, s20, s15, $0xb8;
	[tilespmem:$0x9400] =	vst v63  }
0x2f: {  	_ =	swait.ge [sflag:s26], $0x2000  }
0x30: {  	[sflag:s26] =	ssyncset.done $0x0  }
0x31: {  	s1 =	sadd.s32 $0x0, s12;
	[sflag:s26] =	ssyncadd.s32 $0xFFFFE000  }
0x32: {  	[hbm4b:s1+s3] =	stream.linear.scatter [tilespmem:s19], [sflag:$0x7], $0x2000, $0x38;
	[tilespmem:$0x9400] =	vst v63  }
0x33: {  	_ =	swait.ge [sflag:s28], $0x2000  }
0x34: {  	[sflag:s28] =	ssyncset.done $0x0  }
0x35: {  	s18 =	simm.s32 $0x600;
	[sflag:s28] =	ssyncadd.s32 $0xFFFFE000  }
0x36: {  	[tilespmem:s19], [sflag:$0x3] =	stream.indirect.gather [hbm4b:s2+s15], $0x20, s18, s15, $0xb8;
	[tilespmem:$0x9400] =	vst v63  }
0x37: {  	_ =	swait.ge [sflag:s29], $0x2000  }
0x38: {  	[sflag:s29] =	ssyncset.done $0x0  }
0x39: {  	s20 =	sadd.s32 $0x0, s11;
	[sflag:s29] =	ssyncadd.s32 $0xFFFFE000  }
0x3a: {  	[hbm4b:s20+s3] =	stream.linear.scatter [tilespmem:s21], [sflag:$0x8], $0x2000, $0x38;
	[tilespmem:$0x9400] =	vst v63  }
0x3b: {  	_ =	swait.ge [sflag:s30], $0x2000  }
0x3c: {  	[sflag:s30] =	ssyncset.done $0x0  }
0x3d: {  	s0 =	simm.s32 $0x700;
	s1 =	simm.s32 $0x1000;
	[sflag:s30] =	ssyncadd.s32 $0xFFFFE000  }
.LBB2_2:
0x3e: {  	[tilespmem:s21], [sflag:$0x4] =	stream.indirect.gather [hbm4b:s2+s15], $0x20, s0, s15, $0xb8;
	[tilespmem:$0x9400] =	vst v63  }
0x3f: {  	s0 =	smov.u32 s1  }
0x40: {  	p0 =	sne.s32 s1, $0x3000;
	s1 =	sadd.s32 $0x1000, s1;
	_ =	swait.ge [sflag:s22], $0x2000  }
0x41: {  	[sflag:s22] =	ssyncset.done $0x0  }
0x42: {  	s18 =	sadd.s32 s0, s10;
	[sflag:s22] =	ssyncadd.s32 $0xFFFFE000  }
0x43: {  	[hbm4b:s18+s3] =	stream.linear.scatter [tilespmem:s16], [sflag:$0x5], $0x2000, $0x38;
	[tilespmem:$0x9400] =	vst v63  }
0x44: {  	_ =	swait.ge [sflag:s23], $0x2000  }
0x45: {  	s18 =	sshra.s32 s0, $0x2;
	[sflag:s23] =	ssyncset.done $0x0  }
0x46: {  	s20 =	sadd.s32 $0x400, s18;
	[sflag:s23] =	ssyncadd.s32 $0xFFFFE000  }
0x47: {  	[tilespmem:s16], [sflag:$0x1] =	stream.indirect.gather [hbm4b:s2+s15], $0x20, s20, s15, $0xb8;
	[tilespmem:$0x9400] =	vst v63  }
0x48: {  	_ =	swait.ge [sflag:s24], $0x2000  }
0x49: {  	[sflag:s24] =	ssyncset.done $0x0  }
0x4a: {  	s20 =	sadd.s32 s0, s13;
	[sflag:s24] =	ssyncadd.s32 $0xFFFFE000  }
0x4b: {  	[hbm4b:s20+s3] =	stream.linear.scatter [tilespmem:s17], [sflag:$0x6], $0x2000, $0x38;
	[tilespmem:$0x9400] =	vst v63  }
0x4c: {  	_ =	swait.ge [sflag:s25], $0x2000  }
0x4d: {  	[sflag:s25] =	ssyncset.done $0x0  }
0x4e: {  	s20 =	sadd.s32 $0x500, s18;
	[sflag:s25] =	ssyncadd.s32 $0xFFFFE000  }
0x4f: {  	[tilespmem:s17], [sflag:$0x2] =	stream.indirect.gather [hbm4b:s2+s15], $0x20, s20, s15, $0xb8;
	[tilespmem:$0x9400] =	vst v63  }
0x50: {  	_ =	swait.ge [sflag:s26], $0x2000  }
0x51: {  	[sflag:s26] =	ssyncset.done $0x0  }
0x52: {  	s20 =	sadd.s32 s0, s12;
	[sflag:s26] =	ssyncadd.s32 $0xFFFFE000  }
0x53: {  	[hbm4b:s20+s3] =	stream.linear.scatter [tilespmem:s19], [sflag:$0x7], $0x2000, $0x38;
	[tilespmem:$0x9400] =	vst v63  }
0x54: {  	_ =	swait.ge [sflag:s28], $0x2000  }
0x55: {  	[sflag:s28] =	ssyncset.done $0x0  }
0x56: {  	s20 =	sadd.s32 $0x600, s18;
	[sflag:s28] =	ssyncadd.s32 $0xFFFFE000  }
0x57: {  	[tilespmem:s19], [sflag:$0x3] =	stream.indirect.gather [hbm4b:s2+s15], $0x20, s20, s15, $0xb8;
	[tilespmem:$0x9400] =	vst v63  }
0x58: {  	_ =	swait.ge [sflag:s29], $0x2000  }
0x59: {  	[sflag:s29] =	ssyncset.done $0x0  }
.Ltmp0:
0x5a: {  	s0 =	sadd.s32 s0, s11;
	[sflag:s29] =	ssyncadd.s32 $0xFFFFE000;
	(pc) =	sbr.rel @p0 .LBB2_2-.Ltmp0, $4  }
0x5b: {  	[hbm4b:s0+s3] =	stream.linear.scatter [tilespmem:s21], [sflag:$0x8], $0x2000, $0x38;
	[tilespmem:$0x9400] =	vst v63  }
0x5c: {  	_ =	swait.ge [sflag:s30], $0x2000  }
0x5d: {  	[sflag:s30] =	ssyncset.done $0x0  }
0x5e: {  	s0 =	sadd.s32 $0x700, s18;
	[sflag:s30] =	ssyncadd.s32 $0xFFFFE000  }
0x5f: {  	[tilespmem:s21], [sflag:$0x4] =	stream.indirect.gather [hbm4b:s2+s15], $0x20, s0, s15, $0xb8;
	[tilespmem:$0x9400] =	vst v63  }
0x60: {  	_ =	swait.ge [sflag:s22], $0x2000  }
0x61: {  	[sflag:s22] =	ssyncset.done $0x0  }
0x62: {  	[sflag:s22] =	ssyncadd.s32 $0xFFFFE000  }
0x63: {  	[hbm4b:s6+s3] =	stream.linear.scatter [tilespmem:s16], [sflag:$0x5], $0x2000, $0x38;
	[tilespmem:$0x9400] =	vst v63  }
0x64: {  	_ =	swait.ge [sflag:s24], $0x2000  }
0x65: {  	[sflag:s24] =	ssyncset.done $0x0  }
0x66: {  	[sflag:s24] =	ssyncadd.s32 $0xFFFFE000  }
0x67: {  	[hbm4b:s7+s3] =	stream.linear.scatter [tilespmem:s17], [sflag:$0x6], $0x2000, $0x38;
	[tilespmem:$0x9400] =	vst v63  }
0x68: {  	_ =	swait.ge [sflag:s26], $0x2000  }
0x69: {  	[sflag:s26] =	ssyncset.done $0x0  }
0x6a: {  	[sflag:s26] =	ssyncadd.s32 $0xFFFFE000  }
0x6b: {  	[hbm4b:s8+s3] =	stream.linear.scatter [tilespmem:s19], [sflag:$0x7], $0x2000, $0x38;
	[tilespmem:$0x9400] =	vst v63  }
0x6c: {  	_ =	swait.ge [sflag:s29], $0x2000  }
0x6d: {  	[sflag:s29] =	ssyncset.done $0x0  }
0x6e: {  	[sflag:s29] =	ssyncadd.s32 $0xFFFFE000  }
0x6f: {  	[hbm4b:s9+s3] =	stream.linear.scatter [tilespmem:s21], [sflag:$0x8], $0x2000, $0x38;
	[tilespmem:$0x9400] =	vst v63  }
0x70: {  	_ =	swait.ge [sflag:s23], $0x2000  }
0x71: {  	[sflag:s23] =	ssyncset.done $0x0  }
0x72: {  	[sflag:s23] =	ssyncadd.s32 $0xFFFFE000  }
0x73: {  	_ =	swait.ge [sflag:s25], $0x2000  }
0x74: {  	[sflag:s25] =	ssyncset.done $0x0  }
0x75: {  	s31 =	sadd.s32 $0x1, s31;
	[sflag:s25] =	ssyncadd.s32 $0xFFFFE000  }
0x76: {  	p0 =	sne.s32 s31, s5;
	_ =	swait.ge [sflag:s28], $0x2000  }
.Ltmp1:
0x77: {  	[sflag:s28] =	ssyncset.done $0x0;
	(pc) =	sbr.rel @p0 .LBB2_1-.Ltmp1, $4  }
0x78: {  	[sflag:s28] =	ssyncadd.s32 $0xFFFFE000  }
0x79: {  	_ =	swait.ge [sflag:s30], $0x2000  }
0x7a: {  	[sflag:s30] =	ssyncset.done $0x0  }
0x7b: {  	[sflag:s30] =	ssyncadd.s32 $0xFFFFE000  }
0x7c: {  	_ =	sfence.sel $0x180000  }
0x7d: {  	[bflag:$0x0] =	sbarrier.arrive $0xFFFF  }
0x7e: {  	_ =	strace $0x90000047  }
0x7f: {  	s0 =	stileid.u32;
	[bflag:$0x2] =	sbarrier.arrive $0xFFFF  }
0x80: {  	p0 =	sne.s32 s0, $0x0;
	s0 =	rddreg [dreg:$0x2]  }
0x81: {  	s0 =	sadd.s32 @!p0 $0x100000, s0  }
0x82: {  	[sflag:s0] =	ssyncadd.tile.s32 @!p0 $0x1;
	_ =	shalt  }
.Lfunc_end2:
_tile_overlayer_lowered:
.L_overlay_start_2:
0x83: {  	(tag) =	ssettag $0x2  }
0x84: {  	s0 =	rddreg [dreg:$0x0];
	s2 =	stileid.u32  }
0x85: {  	s1 =	rddreg [dreg:$0x1];
	p0 =	sne.s32 s2, $0x0  }
0x86: {  	s3 =	rddreg [dreg:$0x2];
	[bflag:$0x3] =	sbarrier.arrive $0xFFFF;
	s2 =	simm.s32 @!p0 $0x1C09  }
0x87: {  	[timem:s3], [sflag:s2] =	dma.local @!p0 [hbm:s0], s1  }
0x88: {  	s0 =	simm.s32 @!p0 $0x9  }
0x89: {  	_ =	swait.ge @!p0 [sflag:s0], s1  }
0x8a: {  	s1 =	ssub.s32 @!p0 $0x0, s1;
	[sflag:s0] =	ssyncset.done @!p0 $0x0  }
0x8b: {  	[sflag:s0] =	ssyncadd.s32 @!p0 s1  }
0x8c: {  	[bflag:$0x3] =	sbarrier.arrive $0xFFFF  }
0x8d: {  	_ =	shalt  }

// kernel: kernel.9.cloned.1.call-start
scs
__scs_entry_jumppad:
0x0: {  	(pc) =	sbr.rel $0x88, $3  }
0x1: {  	(tag) =	ssettag $0x0;
	lr =	simm.s32 $0x1  }
0x2: {  	[smem:$0x3F97] =	sst lr;
	_ =	strace $0xD0000000  }
0x3: {  	_ = 	snop  }
0x4: {  	_ = 	snop  }
0x5: {  	_ = 	snop  }
0x6: {  	_ = 	snop  }
0x7: {  	_ = 	snop  }
__scs_overlays_trampoline_lowered:
0x8: {  	[smem:$0x3FA6] =	sst s0  }
0x9: {  	[smem:$0x3FA7] =	sst s1  }
0xa: {  	[smem:$0x3FA8] =	sst s2  }
0xb: {  	[smem:$0x3FA9] =	sst s3  }
0xc: {  	[smem:$0x3FAA] =	sst s4  }
0xd: {  	[smem:$0x3FAB] =	sst s5  }
0xe: {  	[smem:$0x3FAC] =	sst s6  }
0xf: {  	[smem:$0x3FAD] =	sst s7  }
0x10: {  	[smem:$0x3FAE] =	sst s8  }
0x11: {  	[smem:$0x3FAF] =	sst s9;
	s0 =	simm.s32 @!p0 $0x0  }
0x12: {  	s1 =	sld [smem:$0x3F95];
	s0 =	simm.s32 @p0 $0x1  }
0x13: {  	[smem:$0x3FB0] =	sst s0;
	s0 =	simm.s32 @!p1 $0x0  }
0x14: {  	s2 =	sld [smem:$0x3F94];
	s0 =	simm.s32 @p1 $0x1  }
0x15: {  	[smem:$0x3FB1] =	sst s0;
	s0 =	simm.s32 @!p2 $0x0  }
0x16: {  	s3 =	sld [smem:$0x3FDB];
	s0 =	simm.s32 @p2 $0x1  }
0x17: {  	s4 =	simm.s32 $0x1BF5;
	[smem:$0x3FB3] =	sst s0  }
0x18: {  	s0 =	sld [smem:$0x3F96];
	_ =	swait.ge [sflag:s4], $0x0  }
0x19: {  	s7 =	sld [smem:$0x3F97]  }
0x1a: {  	s8 =	sadd.s32 $0xFFFFE003, lr  }
0x1b: {  	s9 =	sadd.s32 $0xFFFFFEF7, lr;
	s5 =	simm.s32 $0xFFFFFFFF;
	p2 =	slt.u32 s8, $0xFFFFF086  }
0x1c: {  	p1 =	slt.u32 s9, $0xF7A;
	s5 =	simm.s32 @!p2 $0x0  }
0x1d: {  	s5 =	simm.s32 @p1 $0x1;
	p0 =	seq.s32 s7, s2  }
0x1e: {  	s7 =	smul.u32 @!p0 $0xF7A, s2;
	p2 =	seq.s32 @!p0 s5, $0x0  }
0x1f: {  	s9 =	smul.u32 $0xF7A, s1;
	s8 =	simm.s32 @!p0 $0x1BF5;
	p2 =	por !p2, p0  }
0x20: {  	[sflag:s8] =	ssyncset.s32 @!p0 $0xFFFFF086;
	s6 =	sadd.s32 @!p0 s3, s7;
	s7 =	simm.s32 @!p0 $0x108  }
0x21: {  	s3 =	sadd.s32 s3, s9;
	s6 =	sadd.s32 @!p0 $0x88, s6;
	s7 =	simm.s32 @p2 $0x1082  }
0x22: {  	[simem:s7], [sflag:s8] =	dma.local @!p0 [hbm:s6], $0xF7A  }
0x23: {  	s9 =	sor.u32 $0xD0000000, s2;
	s6 =	simm.s32 $0x108;
	_ =	swait.ge @!p0 [sflag:s8], $0x0  }
0x24: {  	s3 =	sadd.s32 $0x88, s3;
	s6 =	simm.s32 @!p1 $0x1082;
	[sflag:s4] =	ssyncset.s32 $0xFFFFF086  }
0x25: {  	[simem:s6], [sflag:s4] =	dma.local [hbm:s3], $0xF7A  }
0x26: {  	[smem:$0x3F97] =	sst s1;
	(tag) =	ssettag s2;
	_ =	strace s9  }
0x27: {  	s1 =	sld [smem:$0x3FA7]  }
0x28: {  	s2 =	sld [smem:$0x3FA8]  }
0x29: {  	s4 =	sld [smem:$0x3FAA]  }
0x2a: {  	p0 =	seq.s32 s5, $0x0;
	s5 =	sld [smem:$0x3FAB]  }
0x2b: {  	s6 =	sld [smem:$0x3FAC]  }
0x2c: {  	s7 =	sld [smem:$0x3FAD]  }
0x2d: {  	s3 =	simm.s32 $0x108;
	s8 =	sld [smem:$0x3FAE]  }
0x2e: {  	s3 =	simm.s32 @!p0 $0x1082;
	s9 =	sld [smem:$0x3FAF]  }
0x2f: {  	lr =	sadd.s32 s0, s3;
	s0 =	sld [smem:$0x3FA6]  }
0x30: {  	s3 =	sld [smem:$0x3FA9]  }
0x31: {  	[smem:$0x3FB2] =	sst s10  }
0x32: {  	s10 =	sld [smem:$0x3FB0];
	_ =	sdelay $0x3  }
0x33: {  	p0 =	seq.s32 s10, $0x1;
	s10 =	sld [smem:$0x3FB2];
	_ =	sdelay $0x3  }
0x34: {  	[smem:$0x3FB2] =	sst s10  }
0x35: {  	s10 =	sld [smem:$0x3FB1];
	_ =	sdelay $0x3  }
0x36: {  	p1 =	seq.s32 s10, $0x1;
	s10 =	sld [smem:$0x3FB2];
	_ =	sdelay $0x3  }
0x37: {  	[smem:$0x3FB2] =	sst s10  }
0x38: {  	s10 =	sld [smem:$0x3FB3]  }
0x39: {  	_ = 	snop;
	(pc) =	sbr.ind lr, $3  }
0x3a: {  	_ = 	snop  }
0x3b: {  	_ = 	snop  }
0x3c: {  	p2 =	seq.s32 s10, $0x1;
	s10 =	sld [smem:$0x3FB2]  }
0x3d: {  	_ =	shalt  }
0x3e: {  	_ =	shalt  }
0x3f: {  	_ =	shalt  }
0x40: {  	_ =	shalt  }
0x41: {  	_ =	shalt  }
0x42: {  	_ =	shalt  }
0x43: {  	_ =	shalt  }
0x44: {  	_ =	shalt  }
0x45: {  	_ =	shalt  }
0x46: {  	_ =	shalt  }
0x47: {  	_ =	shalt  }
0x48: {  	_ =	shalt  }
0x49: {  	_ =	shalt  }
0x4a: {  	_ =	shalt  }
0x4b: {  	_ =	shalt  }
0x4c: {  	_ =	shalt  }
0x4d: {  	_ =	shalt  }
0x4e: {  	_ =	shalt  }
0x4f: {  	_ =	shalt  }
0x50: {  	_ =	shalt  }
0x51: {  	_ =	shalt  }
0x52: {  	_ =	shalt  }
0x53: {  	_ =	shalt  }
0x54: {  	_ =	shalt  }
0x55: {  	_ =	shalt  }
0x56: {  	_ =	shalt  }
0x57: {  	_ =	shalt  }
0x58: {  	_ =	shalt  }
0x59: {  	_ =	shalt  }
0x5a: {  	_ =	shalt  }
0x5b: {  	_ =	shalt  }
0x5c: {  	_ =	shalt  }
0x5d: {  	_ =	shalt  }
0x5e: {  	_ =	shalt  }
0x5f: {  	_ =	shalt  }
0x60: {  	_ =	shalt  }
0x61: {  	_ =	shalt  }
0x62: {  	_ =	shalt  }
0x63: {  	_ =	shalt  }
0x64: {  	_ =	shalt  }
0x65: {  	_ =	shalt  }
0x66: {  	_ =	shalt  }
0x67: {  	_ =	shalt  }
0x68: {  	_ =	shalt  }
0x69: {  	_ =	shalt  }
0x6a: {  	_ =	shalt  }
0x6b: {  	_ =	shalt  }
0x6c: {  	_ =	shalt  }
0x6d: {  	_ =	shalt  }
0x6e: {  	_ =	shalt  }
0x6f: {  	_ =	shalt  }
0x70: {  	_ =	shalt  }
0x71: {  	_ =	shalt  }
0x72: {  	_ =	shalt  }
0x73: {  	_ =	shalt  }
0x74: {  	_ =	shalt  }
0x75: {  	_ =	shalt  }
0x76: {  	_ =	shalt  }
0x77: {  	_ =	shalt  }
0x78: {  	_ =	shalt  }
0x79: {  	_ =	shalt  }
0x7a: {  	_ =	shalt  }
0x7b: {  	_ =	shalt  }
0x7c: {  	_ =	shalt  }
0x7d: {  	_ =	shalt  }
0x7e: {  	_ =	shalt  }
0x7f: {  	_ =	shalt  }
0x80: {  	_ =	shalt  }
0x81: {  	_ =	shalt  }
0x82: {  	_ =	shalt  }
0x83: {  	_ =	shalt  }
0x84: {  	_ =	shalt  }
0x85: {  	_ =	shalt  }
0x86: {  	_ =	shalt  }
0x87: {  	_ =	shalt  }
.Lfunc_end0:
.L_simem_size_0:
called_computation.1_lowered:
.L_overlay_start_0:
0x88: {  	s2 =	sld [smem:$0x3FD9]  }
0x89: {  	s3 =	sld [smem:$0x3FFE];
	_ =	sdelay $0x1  }
0x8a: {  	s1 =	srdreg.scid  }
0x8b: {  	s0 =	sand.u32 $0x1, s1  }
0x8c: {  	s17 =	sshll.u32 s0, $0xA;
	s2 =	sadd.s32 s3, s2  }
0x8d: {  	s2 =	sadd.s32 s2, s17  }
0x8e: {  	[smem:$0x3FBE] =	sst s2  }
0x8f: {  	_ = 	snop  }
0x90: {  	s2 =	sld [smem:$0x3FD0];
	(tm) =	ssettm $0x1  }
0x91: {  	s18 =	sld [smem:$0x3FFB];
	_ =	sdelay $0x3  }
0x92: {  	_ =	strace s18  }
0x93: {  	s3 =	sld [smem:$0x3FFC];
	_ =	sdelay $0x3  }
0x94: {  	_ =	strace s3  }
0x95: {  	s3 =	sld [smem:$0x3FFD];
	_ =	sdelay $0x3  }
0x96: {  	_ =	strace s3  }
0x97: {  	_ =	strace $0x8FFFFFFF  }
0x98: {  	s19 =	sld [smem:$0x3FDB];
	_ =	sdelay $0x1  }
0x99: {  	s4 =	simm.s32 $_scs_section_size  }
0x9a: {  	s5 =	simm.s32 $_size__tile_overlayer_lowered;
	s6 =	simm.s32 $_tile_overlayer_lowered  }
0x9b: {  	s22 =	simm.s32 $0x1BFF;
	s21 =	sshll.u32 s6, $0x1;
	s3 =	sadd.s32 s4, s19  }
0x9c: {  	s7 =	simm.s32 $0x0;
	s20 =	sshll.u32 s5, $0x1;
	s5 =	sadd.s32 s21, s3  }
0x9d: {  	[timem:s7], [sflag:s22] =	dma.local [hbm:s5], s20  }
0x9e: {  	_ =	swait.ge [sflag:s22], s20  }
0x9f: {  	s4 =	ssub.s32 $0x0, s20;
	[sflag:s22] =	ssyncset.done $0x0  }
0xa0: {  	[sflag:s22] =	ssyncadd.s32 s4;
	_ =	sdelay $0x1  }
0xa1: {  	s23 =	simm.s32 $0x1B8B  }
0xa2: {  	_ =	swait.ge [sflag:s23], $0x1  }
0xa3: {  	[sflag:s23] =	ssyncset.done $0x0  }
0xa4: {  	s25 =	simm.s32 $0x1B8E;
	s24 =	sld [smem:$0x3FFE];
	[sflag:s23] =	ssyncadd.s32 $0xFFFFFFFF  }
0xa5: {  	s26 =	simm.s32 $execute0_lowered;
	[smem:$0x3FD2] =	sst s25  }
0xa6: {  	s5 =	sshll.u32 s26, $0x1;
	_ =	strace $0x80000049;
	[dreg:$0x1] =	wrdreg $0xFFFFFFFF  }
0xa7: {  	s28 =	simm.s32 $_size_execute0_lowered;
	s3 =	sadd.s32 s3, s5;
	[dreg:$0x0] =	wrdreg $0x0  }
0xa8: {  	s5 =	sshll.u32 s28, $0x1;
	[dreg:$0x2] =	wrdreg s3  }
0xa9: {  	[dreg:$0x3] =	wrdreg s5  }
0xaa: {  	[dreg:$0x4] =	wrdreg $0xC0  }
0xab: {  	_ =	task [dreg:s7], $0x5FFFF  }
0xac: {  	[dreg:$0x1] =	wrdreg $0xFFFFFFFF  }
0xad: {  	[dreg:$0x0] =	wrdreg $0x60  }
0xae: {  	[dreg:$0x2] =	wrdreg s24  }
0xaf: {  	[dreg:$0x3] =	wrdreg s2  }
0xb0: {  	[dreg:$0x4] =	wrdreg $0x94000  }
0xb1: {  	[dreg:$0x5] =	wrdreg $0x9  }
0xb2: {  	_ =	task.clear_ibuf [dreg:s7], $0x6FFFF;
	_ =	strace $0x90000049  }
0xb3: {  	s29 =	simm.s32 $0x9;
	_ =	strace $0x8000004B  }
0xb4: {  	_ =	swait.ge [sflag:s29], $0x1  }
0xb5: {  	[sflag:s29] =	ssyncadd.s32 $0xFFFFFFFF  }
0xb6: {  	_ =	strace $0x9000004B  }
0xb7: {  	_ =	sfence  }
0xb8: {  	s30 =	sld [smem:$0x0];
	_ =	sdelay $0x2  }
0xb9: {  	s31 =	sshll.u32 s1, $0xD;
	s1 =	sshrl.u32 s1, $0x2  }
0xba: {  	s3 =	sand.u32 $0x4000, s31;
	s1 =	sadd.s32 s1, s30  }
0xbb: {  	s0 =	sor.u32 s3, s0;
	s1 =	sshll.u32 s1, $0x11  }
0xbc: {  	s0 =	sor.u32 s1, s0  }
0xbd: {  	s0 =	sadd.s32 $0x8F2B, s0  }
0xbe: {  	[sflag:s0] =	ssyncadd.remote.s32 $0x1  }
0xbf: {  	_ =	sfence.sel $0xFFFF  }
0xc0: {  	[dreg:$0x0] =	wrdreg $0xFFFFFFFF;
	(pc) =	sbr.abs _section_cstart, $3  }
0xc1: {  	[dreg:$0x1] =	wrdreg $0xFFFFFFFF  }
0xc2: {  	_ =	task.clear_ibuf [dreg:s7], $0x2FFFF;
	_ =	strace $0x9FFFFFFF  }
0xc3: {  	(tm) =	ssettm $0x7FFFFFFF  }
tec
execute0_lowered:
.L_overlay_start_1:
0x0: {  	(tag) =	ssettag $0x1  }
0x1: {  	s0 =	rddreg [dreg:$0x0]  }
0x2: {  	s1 =	rddreg [dreg:$0x1]  }
0x3: {  	s2 =	rddreg [dreg:$0x2]  }
0x4: {  	s3 =	srdreg.scid;
	s11 =	stileid.u32;
	s28 =	simm.s32 $0x4  }
0x5: {  	s29 =	simm.s32 $0x5;
	s30 =	simm.s32 $0x6;
	s31 =	simm.s32 $0x7  }
0x6: {  	s5 =	sand.u32 $0x1, s3;
	s6 =	smul.u32 $0x4E20, s11;
	s3 =	simm.s32 $0x0  }
0x7: {  	s16 =	sshll.u32 s11, $0x6;
	s18 =	smul.u32 $0x28000, s11;
	s4 =	sshll.u32 s5, $0x4  }
0x8: {  	s7 =	smul.u32 $0x4E200, s5;
	[smem:$0x7FF] =	sst s3;
	s10 =	ssub.s32 $0x2, s5  }
0x9: {  	s15 =	smul.u32 $0x280000, s5;
	s8 =	sor.u32 s11, s4;
	_ =	strace $0x8000004A  }
0xa: {  	s4 =	sadd.s32 $0xAB000, s0;
	s13 =	sshrl.u32 s10, $0x1;
	s14 =	sshrl.u32 s6, $0x3  }
0xb: {  	s17 =	sadd.s32 s6, s2;
	s9 =	smul.u32 $0x280, s8;
	s7 =	sadd.s32 s6, s7  }
0xc: {  	s13 =	ssub.s32 s10, s13;
	s8 =	smul.u32 $0x5000, s8;
	s1 =	sadd.s32 s1, s14  }
0xd: {  	s7 =	sshrl.u32 s7, $0x3;
	[dreg:$0x4] =	wrdreg s1;
	s1 =	sadd.s32 s18, s15  }
0xe: {  	s13 =	smax.u32 s13, $0x1;
	s18 =	sshrl.u32 s17, $0x3;
	s9 =	sadd.s32 s9, s0  }
0xf: {  	s0 =	sadd.s32 s7, s0;
	s6 =	sadd.s32 s4, s8;
	s7 =	sor.u32 $0x1C09, s16  }
0x10: {  	s23 =	sadd.s32 $0xE000, s1;
	s24 =	sadd.s32 $0xC000, s1;
	s19 =	sadd.s32 $0xA6000, s9  }
0x11: {  	s8 =	sadd.s32 $0xA000, s1;
	s20 =	sadd.s32 $0x400, s6;
	[dreg:$0x5] =	wrdreg s19  }
0x12: {  	s21 =	sadd.s32 $0x800, s6;
	s22 =	sadd.s32 $0xC00, s6;
	[dreg:$0x6] =	wrdreg s20  }
0x13: {  	s0 =	sadd.s32 $0x1000, s0;
	s25 =	sshrl.u32 s24, $0x3;
	[dreg:$0x7] =	wrdreg s21  }
0x14: {  	s26 =	sshrl.u32 s8, $0x3;
	s24 =	simm.s32 $0x1;
	[dreg:$0x8] =	wrdreg s22  }
.Ltmp0:
0x15: {  	[dreg:$0x9] =	wrdreg s0;
	s0 =	sshrl.u32 s23, $0x3;
	(pc) =	sbr.rel .LBB2_1-.Ltmp0, $4  }
0x16: {  	s15 =	sadd.s32 s25, s4;
	s16 =	sadd.s32 s26, s4;
	s21 =	sadd.s32 $0x8000, s1  }
0x17: {  	s19 =	simm.s32 $0x9;
	s20 =	simm.s32 $0x1400;
	s22 =	simm.s32 $0x5400  }
0x18: {  	s23 =	simm.s32 $0x7400;
	s25 =	simm.s32 $0x100;
	s26 =	simm.s32 $0x3  }
0x19: {  	s1 =	simm.s32 $0x0;
	s14 =	sadd.s32 s0, s4;
	s0 =	simm.s32 $0x8  }
.LBB2_4:
0x1a: {  	_ =	swait.ge [sflag:s28], $0x2000  }
0x1b: {  	[sflag:s28] =	ssyncset.done $0x0  }
0x1c: {  	[sflag:s28] =	ssyncadd.s32 $0xFFFFE000  }
0x1d: {  	[spmem:s2] =	stream.indirect.scatter.add.f32 [tilespmem:s23], [sflag:$0x8], $0x20, s8, s25, $0xb8;
	[tilespmem:$0xE220] =	vst v63  }
0x1e: {  	_ =	swait.ge [sflag:s29], $0x2000  }
0x1f: {  	[sflag:s29] =	ssyncset.done $0x0  }
0x20: {  	[sflag:s29] =	ssyncadd.s32 $0xFFFFE000  }
0x21: {  	_ =	swait.ge [sflag:s30], $0x2000  }
0x22: {  	[sflag:s30] =	ssyncset.done $0x0  }
0x23: {  	[sflag:s30] =	ssyncadd.s32 $0xFFFFE000  }
0x24: {  	_ =	swait.ge [sflag:s31], $0x2000  }
0x25: {  	[sflag:s31] =	ssyncset.done $0x0  }
0x26: {  	[sflag:s31] =	ssyncadd.s32 $0xFFFFE000  }
0x27: {  	_ =	swait.ge [sflag:s0], $0x2000  }
0x28: {  	[sflag:s0] =	ssyncset.done $0x0  }
0x29: {  	s1 =	sadd.s32 $0x1, s1;
	[sflag:s0] =	ssyncadd.s32 $0xFFFFE000  }
0x2a: {  	p0 =	sne.s32 s1, s13;
	[bflag:$0x0] =	sbarrier.arrive $0xFFFF  }
.Ltmp1:
0x2b: {  	s5 =	rddreg [dreg:$0x9];
	(pc) =	sbr.rel @!p0 .LBB2_5-.Ltmp1, $4  }
0x2c: {  	[hbm:s5], [sflag:s7] =	dma.local [spmem:s18], $0x9C4  }
0x2d: {  	_ =	swait.ge [sflag:s19], $0x9C4  }
0x2e: {  	[sflag:s19] =	ssyncset.done $0x0  }
0x2f: {  	[sflag:s19] =	ssyncadd.s32 $0xFFFFF63C  }
.LBB2_1:
0x30: {  	s5 =	rddreg [dreg:$0x4]  }
0x31: {  	[spmem:s18], [sflag:s7] =	dma.local [hbm:s5], $0x9C4  }
0x32: {  	_ =	swait.ge [sflag:s19], $0x9C4  }
0x33: {  	[sflag:s19] =	ssyncset.done $0x0  }
0x34: {  	[sflag:s19] =	ssyncadd.s32 $0xFFFFF63C  }
0x35: {  	[bflag:$0x0] =	sbarrier.arrive $0xFFFF  }
0x36: {  	s10 =	rddreg [dreg:$0x5]  }
0x37: {  	[tilespmem:s3], [sflag:$0x9] =	stream.linear.gather [hbm4b:s10+s3], $0x1400, $0x38;
	[tilespmem:$0xE220] =	vst v63  }
0x38: {  	_ =	swait.ge [sflag:s19], $0x1400  }
0x39: {  	[sflag:s19] =	ssyncset.done $0x0  }
0x3a: {  	[sflag:s19] =	ssyncadd.s32 $0xFFFFEC00  }
0x3b: {  	[tilespmem:s20], [sflag:$0x1] =	stream.linear.gather [hbm4b:s6+s3], $0x2000, $0x38;
	[tilespmem:$0xE220] =	vst v63  }
0x3c: {  	s8 =	simm.s32 $0x3400;
	s11 =	rddreg [dreg:$0x6]  }
0x3d: {  	[tilespmem:s8], [sflag:$0x2] =	stream.linear.gather [hbm4b:s11+s3], $0x2000, $0x38;
	[tilespmem:$0xE220] =	vst v63  }
0x3e: {  	s12 =	rddreg [dreg:$0x7]  }
0x3f: {  	[tilespmem:s22], [sflag:$0x3] =	stream.linear.gather [hbm4b:s12+s3], $0x2000, $0x38;
	[tilespmem:$0xE220] =	vst v63  }
0x40: {  	s17 =	rddreg [dreg:$0x8]  }
0x41: {  	[tilespmem:s23], [sflag:$0x4] =	stream.linear.gather [hbm4b:s17+s3], $0x2000, $0x38;
	[tilespmem:$0xE220] =	vst v63  }
0x42: {  	s5 =	simm.s32 $0x0;
	s17 =	smov.u32 s21  }
.LBB2_2:
0x43: {  	_ =	swait.ge [sflag:s24], $0x2000  }
0x44: {  	p0 =	seq.s32 s5, $0x4000;
	[sflag:s24] =	ssyncset.done $0x0  }
0x45: {  	s8 =	sshra.s32 s5, $0x2;
	s9 =	simm.s32 @p0 $0x2;
	[sflag:s24] =	ssyncadd.s32 $0xFFFFE000  }
0x46: {  	[spmem:s2] =	stream.indirect.scatter.add.f32 [tilespmem:s20], [sflag:$0x5], $0x20, s8, s25, $0xb8;
	[tilespmem:$0xE220] =	vst v63  }
0x47: {  	_ =	swait.ge @p0 [sflag:s9], $0x2000  }
0x48: {  	[sflag:s9] =	ssyncset.done @p0 $0x0  }
0x49: {  	[sflag:s9] =	ssyncadd.s32 @p0 $0xFFFFE000;
	s9 =	sshra.s32 @p0 s5, $0x2  }
0x4a: {  	s10 =	simm.s32 @p0 $0x100;
	s11 =	simm.s32 @p0 $0x3400;
	s9 =	sadd.s32 @p0 $0x100, s9  }
0x4b: {  	[spmem:s2] =	stream.indirect.scatter.add.f32 @p0 [tilespmem:s11], [sflag:$0x6], $0x20, s9, s10, $0xb8;
	[tilespmem:$0xE220] =	vst v63  }
0x4c: {  	s9 =	simm.s32 @!p0 $0x5  }
0x4d: {  	_ =	swait.ge @!p0 [sflag:s9], $0x2000  }
0x4e: {  	[sflag:s9] =	ssyncset.done @!p0 $0x0  }
0x4f: {  	[sflag:s9] =	ssyncadd.s32 @!p0 $0xFFFFE000;
	s9 =	sshrl.u32 @!p0 s17, $0x3  }
0x50: {  	s10 =	simm.s32 @!p0 $0x0;
	s11 =	simm.s32 @!p0 $0x1400;
	s9 =	sadd.s32 @!p0 s4, s9  }
0x51: {  	[tilespmem:s11], [sflag:$0x1] =	stream.linear.gather @!p0 [hbm4b:s9+s10], $0x2000, $0x38;
	[tilespmem:$0xE220] =	vst v63  }
0x52: {  	s9 =	simm.s32 @!p0 $0x2  }
0x53: {  	_ =	swait.ge @!p0 [sflag:s9], $0x2000  }
0x54: {  	[sflag:s9] =	ssyncset.done @!p0 $0x0  }
0x55: {  	[sflag:s9] =	ssyncadd.s32 @!p0 $0xFFFFE000;
	s9 =	sshra.s32 @!p0 s5, $0x2  }
0x56: {  	s12 =	simm.s32 @!p0 $0x3400;
	s11 =	simm.s32 @!p0 $0x100;
	s9 =	sadd.s32 @!p0 $0x100, s9  }
0x57: {  	[spmem:s2] =	stream.indirect.scatter.add.f32 @!p0 [tilespmem:s12], [sflag:$0x6], $0x20, s9, s11, $0xb8;
	[tilespmem:$0xE220] =	vst v63  }
0x58: {  	s9 =	simm.s32 @!p0 $0x6  }
0x59: {  	_ =	swait.ge @!p0 [sflag:s9], $0x2000  }
0x5a: {  	[sflag:s9] =	ssyncset.done @!p0 $0x0  }
0x5b: {  	[sflag:s9] =	ssyncadd.s32 @!p0 $0xFFFFE000;
	s9 =	sadd.s32 @!p0 s5, s16  }
0x5c: {  	[tilespmem:s12], [sflag:$0x2] =	stream.linear.gather @!p0 [hbm4b:s9+s10], $0x2000, $0x38;
	[tilespmem:$0xE220] =	vst v63  }
.Ltmp2:
0x5d: {  	_ = 	snop;
	(pc) =	sbr.rel @p0 .LBB2_4-.Ltmp2, $4  }
0x5e: {  	_ =	swait.ge [sflag:s26], $0x2000  }
0x5f: {  	[sflag:s26] =	ssyncset.done $0x0  }
0x60: {  	s12 =	sadd.s32 $0x200, s8;
	s8 =	sadd.s32 $0x300, s8;
	[sflag:s26] =	ssyncadd.s32 $0xFFFFE000  }
0x61: {  	[spmem:s2] =	stream.indirect.scatter.add.f32 [tilespmem:s22], [sflag:$0x7], $0x20, s12, s25, $0xb8;
	[tilespmem:$0xE220] =	vst v63  }
0x62: {  	_ =	swait.ge [sflag:s31], $0x2000  }
0x63: {  	[sflag:s31] =	ssyncset.done $0x0  }
0x64: {  	s9 =	sadd.s32 s5, s15;
	[sflag:s31] =	ssyncadd.s32 $0xFFFFE000  }
0x65: {  	[tilespmem:s22], [sflag:$0x3] =	stream.linear.gather [hbm4b:s9+s3], $0x2000, $0x38;
	[tilespmem:$0xE220] =	vst v63  }
0x66: {  	_ =	swait.ge [sflag:s28], $0x2000  }
0x67: {  	[sflag:s28] =	ssyncset.done $0x0  }
0x68: {  	[sflag:s28] =	ssyncadd.s32 $0xFFFFE000  }
0x69: {  	[spmem:s2] =	stream.indirect.scatter.add.f32 [tilespmem:s23], [sflag:$0x8], $0x20, s8, s25, $0xb8;
	[tilespmem:$0xE220] =	vst v63  }
.Ltmp3:
0x6a: {  	_ = 	snop;
	(pc) =	sbr.rel .LBB2_2-.Ltmp3, $4  }
0x6b: {  	_ =	swait.ge [sflag:s0], $0x2000  }
0x6c: {  	s12 =	sadd.s32 s5, s14;
	[sflag:s0] =	ssyncset.done $0x0  }
0x6d: {  	s5 =	sadd.s32 $0x1000, s5;
	s17 =	sadd.s32 $0x8000, s17;
	[sflag:s0] =	ssyncadd.s32 $0xFFFFE000  }
0x6e: {  	[tilespmem:s23], [sflag:$0x4] =	stream.linear.gather [hbm4b:s12+s3], $0x2000, $0x38;
	[tilespmem:$0xE220] =	vst v63  }
.LBB2_5:
0x6f: {  	_ =	sfence.sel $0x180000  }
0x70: {  	[bflag:$0x0] =	sbarrier.arrive $0xFFFF  }
0x71: {  	_ =	strace $0x9000004A  }
0x72: {  	s0 =	stileid.u32;
	[bflag:$0x2] =	sbarrier.arrive $0xFFFF  }
0x73: {  	p0 =	sne.s32 s0, $0x0;
	s0 =	rddreg [dreg:$0x3]  }
0x74: {  	s0 =	sadd.s32 @!p0 $0x100000, s0  }
0x75: {  	[sflag:s0] =	ssyncadd.tile.s32 @!p0 $0x1;
	_ =	shalt  }
.Lfunc_end2:
_tile_overlayer_lowered:
.L_overlay_start_2:
0x76: {  	(tag) =	ssettag $0x2  }
0x77: {  	s0 =	rddreg [dreg:$0x0];
	s2 =	stileid.u32  }
0x78: {  	s1 =	rddreg [dreg:$0x1];
	p0 =	sne.s32 s2, $0x0  }
0x79: {  	s3 =	rddreg [dreg:$0x2];
	[bflag:$0x3] =	sbarrier.arrive $0xFFFF;
	s2 =	simm.s32 @!p0 $0x1C09  }
0x7a: {  	[timem:s3], [sflag:s2] =	dma.local @!p0 [hbm:s0], s1  }
0x7b: {  	s0 =	simm.s32 @!p0 $0x9  }
0x7c: {  	_ =	swait.ge @!p0 [sflag:s0], s1  }
0x7d: {  	s1 =	ssub.s32 @!p0 $0x0, s1;
	[sflag:s0] =	ssyncset.done @!p0 $0x0  }
0x7e: {  	[sflag:s0] =	ssyncadd.s32 @!p0 s1  }
0x7f: {  	[bflag:$0x3] =	sbarrier.arrive $0xFFFF  }
0x80: {  	_ =	shalt  }

</sc_bundles>
